<compile_context>
chip_gen: v7x
topology: tpu7x:2x2x1
jax: 0.10.2.dev20260603
libtpu: 0.0.44.dev20260713+nightly
codegen_flags: <defaults>
</compile_context>

<pallas_src>
import functools

import jax
import jax.numpy as jnp
from jax import lax
from jax.experimental import pallas as pl
from jax.experimental.pallas import tpu as pltpu
from jax.experimental.pallas import tpu_sc as plsc

DIM = 64
CHUNK = 512
NBUF = 3
PANEL = 8192


def _tc_transpose_body(x1_ref, x2_ref, t1_ref, t2_ref, eye_ref, o_ref, *,
                       last):
    i = pl.program_id(0)
    eye = eye_ref[...]

    def tr(x):
        return lax.dot_general(x, eye, (((0,), (0,)), ((), ())),
                               preferred_element_type=jnp.float32)

    @pl.when(i < last)
    def _():
        o_ref[:, 0:DIM] = tr(x1_ref[...])
        o_ref[:, DIM:2 * DIM] = tr(x2_ref[...])

    @pl.when(i == last)
    def _():
        o_ref[:, 0:DIM] = tr(t1_ref[...])
        o_ref[:, DIM:2 * DIM] = tr(t2_ref[...])


def _gather_kernel(idx_hbm, table_hbm, out_hbm, idx_v, rows, g_sems, o_sems,
                   *, num_cores, b_per_w, n_chunks, n_b0):
    wid = lax.axis_index("s") * num_cores + lax.axis_index("c")
    base = wid * b_per_w

    pltpu.sync_copy(idx_hbm.at[wid], idx_v)

    def gather_start(g):
        s = g % NBUF
        return pltpu.async_copy(table_hbm.at[idx_v.at[g]], rows[s], g_sems[s])

    def write_start(g):
        s = g % NBUF
        c0 = base + g * CHUNK
        b1c = c0 // n_b0
        b0c = c0 % n_b0
        return pltpu.async_copy(
            rows[s], out_hbm.at[b1c, pl.ds(b0c, CHUNK)], o_sems[s])

    gathers = [None] * n_chunks
    writes = [None] * n_chunks
    gathers[0] = gather_start(0)
    for g in range(n_chunks):
        if g + 1 < n_chunks:
            if g + 1 >= NBUF:
                writes[g + 1 - NBUF].wait()
            gathers[g + 1] = gather_start(g + 1)
        gathers[g].wait()
        writes[g] = write_start(g)
    for g in range(max(0, n_chunks - NBUF), n_chunks):
        writes[g].wait()


def kernel(idxes, relEmbbed):
    b0, b1 = idxes.shape
    total = b0 * b1
    n_rows = relEmbbed.shape[0]
    info = plsc.get_sparse_core_info()
    num_workers = info.num_cores * info.num_subcores
    b_per_w = total // num_workers
    n_chunks = b_per_w // CHUNK

    n_blocks = -(-n_rows // (2 * PANEL))
    n_full_panels = (n_rows // PANEL)
    tail_start = (n_blocks - 1) * 2 * PANEL
    pad_rows = n_blocks * 2 * PANEL - n_rows
    tc_transpose = pl.pallas_call(
        functools.partial(_tc_transpose_body, last=n_blocks - 1),
        grid=(n_blocks,),
        in_specs=[
            pl.BlockSpec((DIM, PANEL),
                         lambda i: (0, jnp.minimum(2 * i, n_full_panels - 1))),
            pl.BlockSpec((DIM, PANEL),
                         lambda i: (0, jnp.minimum(2 * i + 1,
                                                   n_full_panels - 1))),
            pl.BlockSpec((DIM, PANEL), lambda i: (0, 0)),
            pl.BlockSpec((DIM, PANEL), lambda i: (0, 1)),
            pl.BlockSpec((DIM, DIM), lambda i: (0, 0)),
        ],
        out_specs=pl.BlockSpec((PANEL, 2 * DIM), lambda i: (i, 0)),
        out_shape=jax.ShapeDtypeStruct((n_blocks * PANEL, 2 * DIM),
                                       jnp.float32),
    )
    tt = relEmbbed.T
    tailp = jnp.pad(
        lax.slice(relEmbbed, (tail_start, 0), (n_rows, DIM)).T,
        ((0, 0), (0, pad_rows)))
    scratch = tc_transpose(tt, tt, tailp, tailp,
                           jnp.eye(DIM, dtype=jnp.float32))
    tlin = scratch.reshape(n_blocks * PANEL * 2, DIM)

    shift = PANEL.bit_length() - 1
    r = idxes.T.astype(jnp.int32)
    q = jnp.bitwise_and(r, 2 * PANEL - 1)
    gidx = (jnp.bitwise_and(r, jnp.int32(~(2 * PANEL - 1)))
            + 2 * jnp.bitwise_and(q, PANEL - 1) + (q >> shift))

    mesh = plsc.VectorSubcoreMesh(core_axis_name="c", subcore_axis_name="s")
    run = pl.kernel(
        functools.partial(
            _gather_kernel,
            num_cores=info.num_cores,
            b_per_w=b_per_w,
            n_chunks=n_chunks,
            n_b0=b0,
        ),
        mesh=mesh,
        compiler_params=pltpu.CompilerParams(use_tc_tiling_on_sc=False),
        out_type=jax.ShapeDtypeStruct((b1, b0, DIM), jnp.float32),
        scratch_types=[
            pltpu.VMEM((n_chunks, CHUNK), jnp.int32),
            [pltpu.VMEM((CHUNK, DIM), jnp.float32) for _ in range(NBUF)],
            [pltpu.SemaphoreType.DMA for _ in range(NBUF)],
            [pltpu.SemaphoreType.DMA for _ in range(NBUF)],
        ],
    )
    flat_idx = gidx.reshape(num_workers, n_chunks, CHUNK)
    out3 = run(flat_idx, tlin)
    return out3.transpose(1, 0, 2)

# --- scband reference (transcript-rebuilt; emitter-appended) ---
"""Pipeline reference for scband-relation-embedding-6751688589510 (READ-ONLY COPY).

The authoritative reference and input builder live on the scoring server;
editing this copy changes nothing except your own understanding.
"""

import jax, jax.numpy as jnp
import numpy as np

NUM_RELATIONS = 1000000
DIM = 64
GAMMA = 0.1
EPSILON = 2.0


def setup_inputs(seed: int = 0) -> dict:
    key = jax.random.key(seed)
    k_idx, k_w = jax.random.split(key)
    idxes = jax.random.randint(k_idx, (16384, 26), 0, NUM_RELATIONS, dtype=jnp.int64 if jax.config.read('jax_enable_x64') else jnp.int32)
    # xavier_normal_ with gain = (gamma + epsilon) / (5.0 * dim)
    gain = (GAMMA + EPSILON) / (5.0 * DIM)
    fan_in = DIM          # torch fan_in = tensor.size(1)
    fan_out = NUM_RELATIONS  # torch fan_out = tensor.size(0)
    std = gain * np.sqrt(2.0 / (fan_in + fan_out))
    relEmbbed = jax.random.normal(k_w, (NUM_RELATIONS, DIM), dtype=jnp.float32) * std
    return {"idxes": idxes, "relEmbbed": relEmbbed}


def reference(idxes, relEmbbed):
    # forward: self.relEmbbed[idxes]
    return jnp.take(relEmbbed, idxes, axis=0)

if __name__ == "__main__":
    import jax
    _d = setup_inputs()
    print(jax.jit(kernel)(*tuple(_d.values())))

</pallas_src>

<mosaic_0001>
#map = affine_map<(d0, d1) -> (0, 0, 0)>
#map1 = affine_map<(d0, d1) -> (0, 0)>
module attributes {stable_mosaic.version = 14 : i64} {
  func.func @_gather_kernel(%arg0: i32, %arg1: i32, %arg2: memref<32x26x512xi32, #tpu.memory_space<hbm>>, %arg3: memref<1015808x64xf32, #tpu.memory_space<hbm>>, %arg4: memref<26x16384x64xf32, #tpu.memory_space<hbm>>, %arg5: memref<26x512xi32, #tpu.memory_space<vmem>>, %arg6: memref<512x64xf32, #tpu.memory_space<vmem>>, %arg7: memref<512x64xf32, #tpu.memory_space<vmem>>, %arg8: memref<512x64xf32, #tpu.memory_space<vmem>>, %arg9: memref<!tpu.dma_semaphore, #tpu.memory_space<semaphore_mem>>, %arg10: memref<!tpu.dma_semaphore, #tpu.memory_space<semaphore_mem>>, %arg11: memref<!tpu.dma_semaphore, #tpu.memory_space<semaphore_mem>>, %arg12: memref<!tpu.dma_semaphore, #tpu.memory_space<semaphore_mem>>, %arg13: memref<!tpu.dma_semaphore, #tpu.memory_space<semaphore_mem>>, %arg14: memref<!tpu.dma_semaphore, #tpu.memory_space<semaphore_mem>>) attributes {dimension_semantics = [#tpu.dimension_semantics<core_parallel>, #tpu.dimension_semantics<subcore_parallel>], iteration_bounds = array<i64: 2, 16>, scalar_prefetch = 0 : i64, scratch_operands = 10 : i64, tpu.core_type = #tpu.core_type<sc_vector_subcore>, window_params = [{transform_indices = #map}, {transform_indices = #map1}, {transform_indices = #map}]} {
    %mul3A = arith.constant 2 : i32
    %mul3A_0 = arith.muli %arg1, %mul3A : i32
    %add3A = arith.addi %mul3A_0, %arg0 : i32
    %mul3A_1 = arith.constant 13312 : i32
    %mul3A_2 = arith.muli %add3A, %mul3A_1 : i32
    "tpu.region"() ({
      %run_scoped3A = tpu.sem_alloc : memref<!tpu.dma_semaphore, #tpu.memory_space<semaphore_mem>>
      %dma_start3A_1759 = arith.constant 0 : i32
      %dma_start3A_1760 = arith.constant 0 : i32
      %dma_start3A_1761 = tpu.memref_slice %arg2[%add3A, %dma_start3A_1759, %dma_start3A_1760] : memref<32x26x512xi32, #tpu.memory_space<hbm>> -> memref<1x26x512xi32, #tpu.memory_space<hbm>>
      %dma_start3A_1762 = tpu.memref_squeeze %dma_start3A_1761 : memref<1x26x512xi32, #tpu.memory_space<hbm>> -> memref<26x512xi32, #tpu.memory_space<hbm>>
      %dma_start3A_1763 = arith.constant 0 : i32
      %dma_start3A_1764 = arith.constant 0 : i32
      %dma_start3A_1765 = tpu.memref_slice %arg2[%add3A, %dma_start3A_1763, %dma_start3A_1764] : memref<32x26x512xi32, #tpu.memory_space<hbm>> -> memref<1x26x512xi32, #tpu.memory_space<hbm>>
      %dma_start3A_1766 = tpu.memref_squeeze %dma_start3A_1765 : memref<1x26x512xi32, #tpu.memory_space<hbm>> -> memref<26x512xi32, #tpu.memory_space<hbm>>
      tpu.enqueue_dma source(%dma_start3A_1766 : memref<26x512xi32, #tpu.memory_space<hbm>>) target(%arg5 : memref<26x512xi32, #tpu.memory_space<vmem>>) target_semaphore(%run_scoped3A : memref<!tpu.dma_semaphore, #tpu.memory_space<semaphore_mem>>)
      %dma_wait3A_1767 = arith.constant 0 : i32
      %dma_wait3A_1768 = arith.constant 0 : i32
      %dma_wait3A_1769 = tpu.memref_slice %arg2[%add3A, %dma_wait3A_1767, %dma_wait3A_1768] : memref<32x26x512xi32, #tpu.memory_space<hbm>> -> memref<1x26x512xi32, #tpu.memory_space<hbm>>
      %dma_wait3A_1770 = tpu.memref_squeeze %dma_wait3A_1769 : memref<1x26x512xi32, #tpu.memory_space<hbm>> -> memref<26x512xi32, #tpu.memory_space<hbm>>
      %dma_wait3A_1771 = arith.constant 0 : i32
      %dma_wait3A_1772 = arith.constant 0 : i32
      %dma_wait3A_1773 = tpu.memref_slice %arg2[%add3A, %dma_wait3A_1771, %dma_wait3A_1772] : memref<32x26x512xi32, #tpu.memory_space<hbm>> -> memref<1x26x512xi32, #tpu.memory_space<hbm>>
      %dma_wait3A_1774 = tpu.memref_squeeze %dma_wait3A_1773 : memref<1x26x512xi32, #tpu.memory_space<hbm>> -> memref<26x512xi32, #tpu.memory_space<hbm>>
      tpu.wait_dma2 semaphore(%run_scoped3A : memref<!tpu.dma_semaphore, #tpu.memory_space<semaphore_mem>>) src(%dma_wait3A_1774 : memref<26x512xi32, #tpu.memory_space<hbm>>) dst(%arg5 : memref<26x512xi32, #tpu.memory_space<vmem>>)
      tpu.yield
    }) : () -> ()
    %dma_start3A = arith.constant 0 : i32
    %dma_start3A_3 = arith.constant 0 : i32
    %dma_start3A_4 = tpu.memref_slice %arg5[%dma_start3A, %dma_start3A_3] : memref<26x512xi32, #tpu.memory_space<vmem>> -> memref<1x512xi32, #tpu.memory_space<vmem>>
    %dma_start3A_5 = tpu.memref_squeeze %dma_start3A_4 : memref<1x512xi32, #tpu.memory_space<vmem>> -> memref<512xi32, #tpu.memory_space<vmem>>
    %dma_start3A_6 = arith.constant 0 : i32
    %dma_start3A_7 = arith.constant 0 : i32
    %dma_start3A_8 = tpu.memref_slice %arg3[%dma_start3A_6, %dma_start3A_7] : memref<1015808x64xf32, #tpu.memory_space<hbm>> -> memref<1015808x64xf32, #tpu.memory_space<hbm>>
    tpu.enqueue_indirect_dma source(%dma_start3A_8 : memref<1015808x64xf32, #tpu.memory_space<hbm>>) target(%arg6 : memref<512x64xf32, #tpu.memory_space<vmem>>) offsets(%dma_start3A_5 : memref<512xi32, #tpu.memory_space<vmem>>) semaphore(%arg9 : memref<!tpu.dma_semaphore, #tpu.memory_space<semaphore_mem>>)
    %dma_start3A_9 = arith.constant 1 : i32
    %dma_start3A_10 = arith.constant 0 : i32
    %dma_start3A_11 = tpu.memref_slice %arg5[%dma_start3A_9, %dma_start3A_10] : memref<26x512xi32, #tpu.memory_space<vmem>> -> memref<1x512xi32, #tpu.memory_space<vmem>>
    %dma_start3A_12 = tpu.memref_squeeze %dma_start3A_11 : memref<1x512xi32, #tpu.memory_space<vmem>> -> memref<512xi32, #tpu.memory_space<vmem>>
    %dma_start3A_13 = arith.constant 0 : i32
    %dma_start3A_14 = arith.constant 0 : i32
    %dma_start3A_15 = tpu.memref_slice %arg3[%dma_start3A_13, %dma_start3A_14] : memref<1015808x64xf32, #tpu.memory_space<hbm>> -> memref<1015808x64xf32, #tpu.memory_space<hbm>>
    tpu.enqueue_indirect_dma source(%dma_start3A_15 : memref<1015808x64xf32, #tpu.memory_space<hbm>>) target(%arg7 : memref<512x64xf32, #tpu.memory_space<vmem>>) offsets(%dma_start3A_12 : memref<512xi32, #tpu.memory_space<vmem>>) semaphore(%arg10 : memref<!tpu.dma_semaphore, #tpu.memory_space<semaphore_mem>>)
    %dma_wait3A = arith.constant 0 : i32
    %dma_wait3A_16 = arith.constant 0 : i32
    %dma_wait3A_17 = tpu.memref_slice %arg5[%dma_wait3A, %dma_wait3A_16] : memref<26x512xi32, #tpu.memory_space<vmem>> -> memref<1x512xi32, #tpu.memory_space<vmem>>
    %dma_wait3A_18 = tpu.memref_squeeze %dma_wait3A_17 : memref<1x512xi32, #tpu.memory_space<vmem>> -> memref<512xi32, #tpu.memory_space<vmem>>
    %dma_wait3A_19 = arith.constant 0 : i32
    %dma_wait3A_20 = arith.constant 0 : i32
    %dma_wait3A_21 = tpu.memref_slice %arg3[%dma_wait3A_19, %dma_wait3A_20] : memref<1015808x64xf32, #tpu.memory_space<hbm>> -> memref<1015808x64xf32, #tpu.memory_space<hbm>>
    tpu.wait_indirect_dma semaphore(%arg9 : memref<!tpu.dma_semaphore, #tpu.memory_space<semaphore_mem>>) src(%dma_wait3A_21 : memref<1015808x64xf32, #tpu.memory_space<hbm>>) dst(%arg6 : memref<512x64xf32, #tpu.memory_space<vmem>>)
    %add3A_22 = arith.constant 0 : i32
    %add3A_23 = arith.addi %mul3A_2, %add3A_22 : i32
    %jit3A = arith.constant 16384 : i32
    %div3A = arith.divsi %add3A_23, %jit3A : i32
    %sign3A = arith.constant 0 : i32
    %sign3A_24 = arith.cmpi sgt, %add3A_23, %sign3A : i32
    %sign3A_25 = arith.extui %sign3A_24 : i1 to i32
    %sign3A_26 = arith.constant 0 : i32
    %sign3A_27 = arith.cmpi slt, %add3A_23, %sign3A_26 : i32
    %sign3A_28 = arith.extui %sign3A_27 : i1 to i32
    %sign3A_29 = arith.subi %sign3A_25, %sign3A_28 : i32
    %sign3A_30 = arith.constant 0 : i32
    %sign3A_31 = arith.cmpi sgt, %jit3A, %sign3A_30 : i32
    %sign3A_32 = arith.extui %sign3A_31 : i1 to i32
    %sign3A_33 = arith.constant 0 : i32
    %sign3A_34 = arith.cmpi slt, %jit3A, %sign3A_33 : i32
    %sign3A_35 = arith.extui %sign3A_34 : i1 to i32
    %sign3A_36 = arith.subi %sign3A_32, %sign3A_35 : i32
    %ne3A = arith.cmpi ne, %sign3A_29, %sign3A_36 : i32
    %rem3A = arith.remsi %add3A_23, %jit3A : i32
    %ne3A_37 = arith.constant 0 : i32
    %ne3A_38 = arith.cmpi ne, %rem3A, %ne3A_37 : i32
    %and3A = arith.andi %ne3A, %ne3A_38 : i1
    %sub3A = arith.constant 1 : i32
    %sub3A_39 = arith.subi %div3A, %sub3A : i32
    %select_n3A = arith.select %and3A, %sub3A_39, %div3A : i32
    %jit3A_40 = arith.constant 16384 : i32
    %eq3A = arith.constant 0 : i32
    %eq3A_41 = arith.cmpi eq, %jit3A_40, %eq3A : i32
    %jit3A_42 = arith.constant 1 : i32
    %select_n3A_43 = arith.select %eq3A_41, %jit3A_42, %jit3A_40 : i32
    %rem3A_44 = arith.remsi %add3A_23, %select_n3A_43 : i32
    %ne3A_45 = arith.constant 0 : i32
    %ne3A_46 = arith.cmpi ne, %rem3A_44, %ne3A_45 : i32
    %lt3A = arith.constant 0 : i32
    %lt3A_47 = arith.cmpi slt, %rem3A_44, %lt3A : i32
    %lt3A_48 = arith.constant 0 : i32
    %lt3A_49 = arith.cmpi slt, %select_n3A_43, %lt3A_48 : i32
    %ne3A_50 = arith.xori %lt3A_47, %lt3A_49 : i1
    %and3A_51 = arith.andi %ne3A_50, %ne3A_46 : i1
    %add3A_52 = arith.addi %rem3A_44, %select_n3A_43 : i32
    %select_n3A_53 = arith.select %and3A_51, %add3A_52, %rem3A_44 : i32
    %dma_start3A_54 = arith.constant 0 : i32
    %dma_start3A_55 = tpu.memref_slice %arg4[%select_n3A, %select_n3A_53, %dma_start3A_54] : memref<26x16384x64xf32, #tpu.memory_space<hbm>> -> memref<1x512x64xf32, #tpu.memory_space<hbm>>
    %dma_start3A_56 = tpu.memref_squeeze %dma_start3A_55 : memref<1x512x64xf32, #tpu.memory_space<hbm>> -> memref<512x64xf32, #tpu.memory_space<hbm>>
    %dma_start3A_57 = arith.constant 0 : i32
    %dma_start3A_58 = tpu.memref_slice %arg4[%select_n3A, %select_n3A_53, %dma_start3A_57] : memref<26x16384x64xf32, #tpu.memory_space<hbm>> -> memref<1x512x64xf32, #tpu.memory_space<hbm>>
    %dma_start3A_59 = tpu.memref_squeeze %dma_start3A_58 : memref<1x512x64xf32, #tpu.memory_space<hbm>> -> memref<512x64xf32, #tpu.memory_space<hbm>>
    tpu.enqueue_dma source(%arg6 : memref<512x64xf32, #tpu.memory_space<vmem>>) target(%dma_start3A_59 : memref<512x64xf32, #tpu.memory_space<hbm>>) target_semaphore(%arg12 : memref<!tpu.dma_semaphore, #tpu.memory_space<semaphore_mem>>)
    %dma_start3A_60 = arith.constant 2 : i32
    %dma_start3A_61 = arith.constant 0 : i32
    %dma_start3A_62 = tpu.memref_slice %arg5[%dma_start3A_60, %dma_start3A_61] : memref<26x512xi32, #tpu.memory_space<vmem>> -> memref<1x512xi32, #tpu.memory_space<vmem>>
    %dma_start3A_63 = tpu.memref_squeeze %dma_start3A_62 : memref<1x512xi32, #tpu.memory_space<vmem>> -> memref<512xi32, #tpu.memory_space<vmem>>
    %dma_start3A_64 = arith.constant 0 : i32
    %dma_start3A_65 = arith.constant 0 : i32
    %dma_start3A_66 = tpu.memref_slice %arg3[%dma_start3A_64, %dma_start3A_65] : memref<1015808x64xf32, #tpu.memory_space<hbm>> -> memref<1015808x64xf32, #tpu.memory_space<hbm>>
    tpu.enqueue_indirect_dma source(%dma_start3A_66 : memref<1015808x64xf32, #tpu.memory_space<hbm>>) target(%arg8 : memref<512x64xf32, #tpu.memory_space<vmem>>) offsets(%dma_start3A_63 : memref<512xi32, #tpu.memory_space<vmem>>) semaphore(%arg11 : memref<!tpu.dma_semaphore, #tpu.memory_space<semaphore_mem>>)
    %dma_wait3A_67 = arith.constant 1 : i32
    %dma_wait3A_68 = arith.constant 0 : i32
    %dma_wait3A_69 = tpu.memref_slice %arg5[%dma_wait3A_67, %dma_wait3A_68] : memref<26x512xi32, #tpu.memory_space<vmem>> -> memref<1x512xi32, #tpu.memory_space<vmem>>
    %dma_wait3A_70 = tpu.memref_squeeze %dma_wait3A_69 : memref<1x512xi32, #tpu.memory_space<vmem>> -> memref<512xi32, #tpu.memory_space<vmem>>
    %dma_wait3A_71 = arith.constant 0 : i32
    %dma_wait3A_72 = arith.constant 0 : i32
    %dma_wait3A_73 = tpu.memref_slice %arg3[%dma_wait3A_71, %dma_wait3A_72] : memref<1015808x64xf32, #tpu.memory_space<hbm>> -> memref<1015808x64xf32, #tpu.memory_space<hbm>>
    tpu.wait_indirect_dma semaphore(%arg10 : memref<!tpu.dma_semaphore, #tpu.memory_space<semaphore_mem>>) src(%dma_wait3A_73 : memref<1015808x64xf32, #tpu.memory_space<hbm>>) dst(%arg7 : memref<512x64xf32, #tpu.memory_space<vmem>>)
    %add3A_74 = arith.constant 512 : i32
    %add3A_75 = arith.addi %mul3A_2, %add3A_74 : i32
    %jit3A_76 = arith.constant 16384 : i32
    %div3A_77 = arith.divsi %add3A_75, %jit3A_76 : i32
    %sign3A_78 = arith.constant 0 : i32
    %sign3A_79 = arith.cmpi sgt, %add3A_75, %sign3A_78 : i32
    %sign3A_80 = arith.extui %sign3A_79 : i1 to i32
    %sign3A_81 = arith.constant 0 : i32
    %sign3A_82 = arith.cmpi slt, %add3A_75, %sign3A_81 : i32
    %sign3A_83 = arith.extui %sign3A_82 : i1 to i32
    %sign3A_84 = arith.subi %sign3A_80, %sign3A_83 : i32
    %sign3A_85 = arith.constant 0 : i32
    %sign3A_86 = arith.cmpi sgt, %jit3A_76, %sign3A_85 : i32
    %sign3A_87 = arith.extui %sign3A_86 : i1 to i32
    %sign3A_88 = arith.constant 0 : i32
    %sign3A_89 = arith.cmpi slt, %jit3A_76, %sign3A_88 : i32
    %sign3A_90 = arith.extui %sign3A_89 : i1 to i32
    %sign3A_91 = arith.subi %sign3A_87, %sign3A_90 : i32
    %ne3A_92 = arith.cmpi ne, %sign3A_84, %sign3A_91 : i32
    %rem3A_93 = arith.remsi %add3A_75, %jit3A_76 : i32
    %ne3A_94 = arith.constant 0 : i32
    %ne3A_95 = arith.cmpi ne, %rem3A_93, %ne3A_94 : i32
    %and3A_96 = arith.andi %ne3A_92, %ne3A_95 : i1
    %sub3A_97 = arith.constant 1 : i32
    %sub3A_98 = arith.subi %div3A_77, %sub3A_97 : i32
    %select_n3A_99 = arith.select %and3A_96, %sub3A_98, %div3A_77 : i32
    %jit3A_100 = arith.constant 16384 : i32
    %eq3A_101 = arith.constant 0 : i32
    %eq3A_102 = arith.cmpi eq, %jit3A_100, %eq3A_101 : i32
    %jit3A_103 = arith.constant 1 : i32
    %select_n3A_104 = arith.select %eq3A_102, %jit3A_103, %jit3A_100 : i32
    %rem3A_105 = arith.remsi %add3A_75, %select_n3A_104 : i32
    %ne3A_106 = arith.constant 0 : i32
    %ne3A_107 = arith.cmpi ne, %rem3A_105, %ne3A_106 : i32
    %lt3A_108 = arith.constant 0 : i32
    %lt3A_109 = arith.cmpi slt, %rem3A_105, %lt3A_108 : i32
    %lt3A_110 = arith.constant 0 : i32
    %lt3A_111 = arith.cmpi slt, %select_n3A_104, %lt3A_110 : i32
    %ne3A_112 = arith.xori %lt3A_109, %lt3A_111 : i1
    %and3A_113 = arith.andi %ne3A_112, %ne3A_107 : i1
    %add3A_114 = arith.addi %rem3A_105, %select_n3A_104 : i32
    %select_n3A_115 = arith.select %and3A_113, %add3A_114, %rem3A_105 : i32
    %dma_start3A_116 = arith.constant 0 : i32
    %dma_start3A_117 = tpu.memref_slice %arg4[%select_n3A_99, %select_n3A_115, %dma_start3A_116] : memref<26x16384x64xf32, #tpu.memory_space<hbm>> -> memref<1x512x64xf32, #tpu.memory_space<hbm>>
    %dma_start3A_118 = tpu.memref_squeeze %dma_start3A_117 : memref<1x512x64xf32, #tpu.memory_space<hbm>> -> memref<512x64xf32, #tpu.memory_space<hbm>>
    %dma_start3A_119 = arith.constant 0 : i32
    %dma_start3A_120 = tpu.memref_slice %arg4[%select_n3A_99, %select_n3A_115, %dma_start3A_119] : memref<26x16384x64xf32, #tpu.memory_space<hbm>> -> memref<1x512x64xf32, #tpu.memory_space<hbm>>
    %dma_start3A_121 = tpu.memref_squeeze %dma_start3A_120 : memref<1x512x64xf32, #tpu.memory_space<hbm>> -> memref<512x64xf32, #tpu.memory_space<hbm>>
    tpu.enqueue_dma source(%arg7 : memref<512x64xf32, #tpu.memory_space<vmem>>) target(%dma_start3A_121 : memref<512x64xf32, #tpu.memory_space<hbm>>) target_semaphore(%arg13 : memref<!tpu.dma_semaphore, #tpu.memory_space<semaphore_mem>>)
    %dma_wait3A_122 = arith.constant 0 : i32
    %dma_wait3A_123 = tpu.memref_slice %arg4[%select_n3A, %select_n3A_53, %dma_wait3A_122] : memref<26x16384x64xf32, #tpu.memory_space<hbm>> -> memref<1x512x64xf32, #tpu.memory_space<hbm>>
    %dma_wait3A_124 = tpu.memref_squeeze %dma_wait3A_123 : memref<1x512x64xf32, #tpu.memory_space<hbm>> -> memref<512x64xf32, #tpu.memory_space<hbm>>
    %dma_wait3A_125 = arith.constant 0 : i32
    %dma_wait3A_126 = tpu.memref_slice %arg4[%select_n3A, %select_n3A_53, %dma_wait3A_125] : memref<26x16384x64xf32, #tpu.memory_space<hbm>> -> memref<1x512x64xf32, #tpu.memory_space<hbm>>
    %dma_wait3A_127 = tpu.memref_squeeze %dma_wait3A_126 : memref<1x512x64xf32, #tpu.memory_space<hbm>> -> memref<512x64xf32, #tpu.memory_space<hbm>>
    tpu.wait_dma2 semaphore(%arg12 : memref<!tpu.dma_semaphore, #tpu.memory_space<semaphore_mem>>) src(%arg6 : memref<512x64xf32, #tpu.memory_space<vmem>>) dst(%dma_wait3A_127 : memref<512x64xf32, #tpu.memory_space<hbm>>)
    %dma_start3A_128 = arith.constant 3 : i32
    %dma_start3A_129 = arith.constant 0 : i32
    %dma_start3A_130 = tpu.memref_slice %arg5[%dma_start3A_128, %dma_start3A_129] : memref<26x512xi32, #tpu.memory_space<vmem>> -> memref<1x512xi32, #tpu.memory_space<vmem>>
    %dma_start3A_131 = tpu.memref_squeeze %dma_start3A_130 : memref<1x512xi32, #tpu.memory_space<vmem>> -> memref<512xi32, #tpu.memory_space<vmem>>
    %dma_start3A_132 = arith.constant 0 : i32
    %dma_start3A_133 = arith.constant 0 : i32
    %dma_start3A_134 = tpu.memref_slice %arg3[%dma_start3A_132, %dma_start3A_133] : memref<1015808x64xf32, #tpu.memory_space<hbm>> -> memref<1015808x64xf32, #tpu.memory_space<hbm>>
    tpu.enqueue_indirect_dma source(%dma_start3A_134 : memref<1015808x64xf32, #tpu.memory_space<hbm>>) target(%arg6 : memref<512x64xf32, #tpu.memory_space<vmem>>) offsets(%dma_start3A_131 : memref<512xi32, #tpu.memory_space<vmem>>) semaphore(%arg9 : memref<!tpu.dma_semaphore, #tpu.memory_space<semaphore_mem>>)
    %dma_wait3A_135 = arith.constant 2 : i32
    %dma_wait3A_136 = arith.constant 0 : i32
    %dma_wait3A_137 = tpu.memref_slice %arg5[%dma_wait3A_135, %dma_wait3A_136] : memref<26x512xi32, #tpu.memory_space<vmem>> -> memref<1x512xi32, #tpu.memory_space<vmem>>
    %dma_wait3A_138 = tpu.memref_squeeze %dma_wait3A_137 : memref<1x512xi32, #tpu.memory_space<vmem>> -> memref<512xi32, #tpu.memory_space<vmem>>
    %dma_wait3A_139 = arith.constant 0 : i32
    %dma_wait3A_140 = arith.constant 0 : i32
    %dma_wait3A_141 = tpu.memref_slice %arg3[%dma_wait3A_139, %dma_wait3A_140] : memref<1015808x64xf32, #tpu.memory_space<hbm>> -> memref<1015808x64xf32, #tpu.memory_space<hbm>>
    tpu.wait_indirect_dma semaphore(%arg11 : memref<!tpu.dma_semaphore, #tpu.memory_space<semaphore_mem>>) src(%dma_wait3A_141 : memref<1015808x64xf32, #tpu.memory_space<hbm>>) dst(%arg8 : memref<512x64xf32, #tpu.memory_space<vmem>>)
    %add3A_142 = arith.constant 1024 : i32
    %add3A_143 = arith.addi %mul3A_2, %add3A_142 : i32
    %jit3A_144 = arith.constant 16384 : i32
    %div3A_145 = arith.divsi %add3A_143, %jit3A_144 : i32
    %sign3A_146 = arith.constant 0 : i32
    %sign3A_147 = arith.cmpi sgt, %add3A_143, %sign3A_146 : i32
    %sign3A_148 = arith.extui %sign3A_147 : i1 to i32
    %sign3A_149 = arith.constant 0 : i32
    %sign3A_150 = arith.cmpi slt, %add3A_143, %sign3A_149 : i32
    %sign3A_151 = arith.extui %sign3A_150 : i1 to i32
    %sign3A_152 = arith.subi %sign3A_148, %sign3A_151 : i32
    %sign3A_153 = arith.constant 0 : i32
    %sign3A_154 = arith.cmpi sgt, %jit3A_144, %sign3A_153 : i32
    %sign3A_155 = arith.extui %sign3A_154 : i1 to i32
    %sign3A_156 = arith.constant 0 : i32
    %sign3A_157 = arith.cmpi slt, %jit3A_144, %sign3A_156 : i32
    %sign3A_158 = arith.extui %sign3A_157 : i1 to i32
    %sign3A_159 = arith.subi %sign3A_155, %sign3A_158 : i32
    %ne3A_160 = arith.cmpi ne, %sign3A_152, %sign3A_159 : i32
    %rem3A_161 = arith.remsi %add3A_143, %jit3A_144 : i32
    %ne3A_162 = arith.constant 0 : i32
    %ne3A_163 = arith.cmpi ne, %rem3A_161, %ne3A_162 : i32
    %and3A_164 = arith.andi %ne3A_160, %ne3A_163 : i1
    %sub3A_165 = arith.constant 1 : i32
    %sub3A_166 = arith.subi %div3A_145, %sub3A_165 : i32
    %select_n3A_167 = arith.select %and3A_164, %sub3A_166, %div3A_145 : i32
    %jit3A_168 = arith.constant 16384 : i32
    %eq3A_169 = arith.constant 0 : i32
    %eq3A_170 = arith.cmpi eq, %jit3A_168, %eq3A_169 : i32
    %jit3A_171 = arith.constant 1 : i32
    %select_n3A_172 = arith.select %eq3A_170, %jit3A_171, %jit3A_168 : i32
    %rem3A_173 = arith.remsi %add3A_143, %select_n3A_172 : i32
    %ne3A_174 = arith.constant 0 : i32
    %ne3A_175 = arith.cmpi ne, %rem3A_173, %ne3A_174 : i32
    %lt3A_176 = arith.constant 0 : i32
    %lt3A_177 = arith.cmpi slt, %rem3A_173, %lt3A_176 : i32
    %lt3A_178 = arith.constant 0 : i32
    %lt3A_179 = arith.cmpi slt, %select_n3A_172, %lt3A_178 : i32
    %ne3A_180 = arith.xori %lt3A_177, %lt3A_179 : i1
    %and3A_181 = arith.andi %ne3A_180, %ne3A_175 : i1
    %add3A_182 = arith.addi %rem3A_173, %select_n3A_172 : i32
    %select_n3A_183 = arith.select %and3A_181, %add3A_182, %rem3A_173 : i32
    %dma_start3A_184 = arith.constant 0 : i32
    %dma_start3A_185 = tpu.memref_slice %arg4[%select_n3A_167, %select_n3A_183, %dma_start3A_184] : memref<26x16384x64xf32, #tpu.memory_space<hbm>> -> memref<1x512x64xf32, #tpu.memory_space<hbm>>
    %dma_start3A_186 = tpu.memref_squeeze %dma_start3A_185 : memref<1x512x64xf32, #tpu.memory_space<hbm>> -> memref<512x64xf32, #tpu.memory_space<hbm>>
    %dma_start3A_187 = arith.constant 0 : i32
    %dma_start3A_188 = tpu.memref_slice %arg4[%select_n3A_167, %select_n3A_183, %dma_start3A_187] : memref<26x16384x64xf32, #tpu.memory_space<hbm>> -> memref<1x512x64xf32, #tpu.memory_space<hbm>>
    %dma_start3A_189 = tpu.memref_squeeze %dma_start3A_188 : memref<1x512x64xf32, #tpu.memory_space<hbm>> -> memref<512x64xf32, #tpu.memory_space<hbm>>
    tpu.enqueue_dma source(%arg8 : memref<512x64xf32, #tpu.memory_space<vmem>>) target(%dma_start3A_189 : memref<512x64xf32, #tpu.memory_space<hbm>>) target_semaphore(%arg14 : memref<!tpu.dma_semaphore, #tpu.memory_space<semaphore_mem>>)
    %dma_wait3A_190 = arith.constant 0 : i32
    %dma_wait3A_191 = tpu.memref_slice %arg4[%select_n3A_99, %select_n3A_115, %dma_wait3A_190] : memref<26x16384x64xf32, #tpu.memory_space<hbm>> -> memref<1x512x64xf32, #tpu.memory_space<hbm>>
    %dma_wait3A_192 = tpu.memref_squeeze %dma_wait3A_191 : memref<1x512x64xf32, #tpu.memory_space<hbm>> -> memref<512x64xf32, #tpu.memory_space<hbm>>
    %dma_wait3A_193 = arith.constant 0 : i32
    %dma_wait3A_194 = tpu.memref_slice %arg4[%select_n3A_99, %select_n3A_115, %dma_wait3A_193] : memref<26x16384x64xf32, #tpu.memory_space<hbm>> -> memref<1x512x64xf32, #tpu.memory_space<hbm>>
    %dma_wait3A_195 = tpu.memref_squeeze %dma_wait3A_194 : memref<1x512x64xf32, #tpu.memory_space<hbm>> -> memref<512x64xf32, #tpu.memory_space<hbm>>
    tpu.wait_dma2 semaphore(%arg13 : memref<!tpu.dma_semaphore, #tpu.memory_space<semaphore_mem>>) src(%arg7 : memref<512x64xf32, #tpu.memory_space<vmem>>) dst(%dma_wait3A_195 : memref<512x64xf32, #tpu.memory_space<hbm>>)
    %dma_start3A_196 = arith.constant 4 : i32
    %dma_start3A_197 = arith.constant 0 : i32
    %dma_start3A_198 = tpu.memref_slice %arg5[%dma_start3A_196, %dma_start3A_197] : memref<26x512xi32, #tpu.memory_space<vmem>> -> memref<1x512xi32, #tpu.memory_space<vmem>>
    %dma_start3A_199 = tpu.memref_squeeze %dma_start3A_198 : memref<1x512xi32, #tpu.memory_space<vmem>> -> memref<512xi32, #tpu.memory_space<vmem>>
    %dma_start3A_200 = arith.constant 0 : i32
    %dma_start3A_201 = arith.constant 0 : i32
    %dma_start3A_202 = tpu.memref_slice %arg3[%dma_start3A_200, %dma_start3A_201] : memref<1015808x64xf32, #tpu.memory_space<hbm>> -> memref<1015808x64xf32, #tpu.memory_space<hbm>>
    tpu.enqueue_indirect_dma source(%dma_start3A_202 : memref<1015808x64xf32, #tpu.memory_space<hbm>>) target(%arg7 : memref<512x64xf32, #tpu.memory_space<vmem>>) offsets(%dma_start3A_199 : memref<512xi32, #tpu.memory_space<vmem>>) semaphore(%arg10 : memref<!tpu.dma_semaphore, #tpu.memory_space<semaphore_mem>>)
    %dma_wait3A_203 = arith.constant 3 : i32
    %dma_wait3A_204 = arith.constant 0 : i32
    %dma_wait3A_205 = tpu.memref_slice %arg5[%dma_wait3A_203, %dma_wait3A_204] : memref<26x512xi32, #tpu.memory_space<vmem>> -> memref<1x512xi32, #tpu.memory_space<vmem>>
    %dma_wait3A_206 = tpu.memref_squeeze %dma_wait3A_205 : memref<1x512xi32, #tpu.memory_space<vmem>> -> memref<512xi32, #tpu.memory_space<vmem>>
    %dma_wait3A_207 = arith.constant 0 : i32
    %dma_wait3A_208 = arith.constant 0 : i32
    %dma_wait3A_209 = tpu.memref_slice %arg3[%dma_wait3A_207, %dma_wait3A_208] : memref<1015808x64xf32, #tpu.memory_space<hbm>> -> memref<1015808x64xf32, #tpu.memory_space<hbm>>
    tpu.wait_indirect_dma semaphore(%arg9 : memref<!tpu.dma_semaphore, #tpu.memory_space<semaphore_mem>>) src(%dma_wait3A_209 : memref<1015808x64xf32, #tpu.memory_space<hbm>>) dst(%arg6 : memref<512x64xf32, #tpu.memory_space<vmem>>)
    %add3A_210 = arith.constant 1536 : i32
    %add3A_211 = arith.addi %mul3A_2, %add3A_210 : i32
    %jit3A_212 = arith.constant 16384 : i32
    %div3A_213 = arith.divsi %add3A_211, %jit3A_212 : i32
    %sign3A_214 = arith.constant 0 : i32
    %sign3A_215 = arith.cmpi sgt, %add3A_211, %sign3A_214 : i32
    %sign3A_216 = arith.extui %sign3A_215 : i1 to i32
    %sign3A_217 = arith.constant 0 : i32
    %sign3A_218 = arith.cmpi slt, %add3A_211, %sign3A_217 : i32
    %sign3A_219 = arith.extui %sign3A_218 : i1 to i32
    %sign3A_220 = arith.subi %sign3A_216, %sign3A_219 : i32
    %sign3A_221 = arith.constant 0 : i32
    %sign3A_222 = arith.cmpi sgt, %jit3A_212, %sign3A_221 : i32
    %sign3A_223 = arith.extui %sign3A_222 : i1 to i32
    %sign3A_224 = arith.constant 0 : i32
    %sign3A_225 = arith.cmpi slt, %jit3A_212, %sign3A_224 : i32
    %sign3A_226 = arith.extui %sign3A_225 : i1 to i32
    %sign3A_227 = arith.subi %sign3A_223, %sign3A_226 : i32
    %ne3A_228 = arith.cmpi ne, %sign3A_220, %sign3A_227 : i32
    %rem3A_229 = arith.remsi %add3A_211, %jit3A_212 : i32
    %ne3A_230 = arith.constant 0 : i32
    %ne3A_231 = arith.cmpi ne, %rem3A_229, %ne3A_230 : i32
    %and3A_232 = arith.andi %ne3A_228, %ne3A_231 : i1
    %sub3A_233 = arith.constant 1 : i32
    %sub3A_234 = arith.subi %div3A_213, %sub3A_233 : i32
    %select_n3A_235 = arith.select %and3A_232, %sub3A_234, %div3A_213 : i32
    %jit3A_236 = arith.constant 16384 : i32
    %eq3A_237 = arith.constant 0 : i32
    %eq3A_238 = arith.cmpi eq, %jit3A_236, %eq3A_237 : i32
    %jit3A_239 = arith.constant 1 : i32
    %select_n3A_240 = arith.select %eq3A_238, %jit3A_239, %jit3A_236 : i32
    %rem3A_241 = arith.remsi %add3A_211, %select_n3A_240 : i32
    %ne3A_242 = arith.constant 0 : i32
    %ne3A_243 = arith.cmpi ne, %rem3A_241, %ne3A_242 : i32
    %lt3A_244 = arith.constant 0 : i32
    %lt3A_245 = arith.cmpi slt, %rem3A_241, %lt3A_244 : i32
    %lt3A_246 = arith.constant 0 : i32
    %lt3A_247 = arith.cmpi slt, %select_n3A_240, %lt3A_246 : i32
    %ne3A_248 = arith.xori %lt3A_245, %lt3A_247 : i1
    %and3A_249 = arith.andi %ne3A_248, %ne3A_243 : i1
    %add3A_250 = arith.addi %rem3A_241, %select_n3A_240 : i32
    %select_n3A_251 = arith.select %and3A_249, %add3A_250, %rem3A_241 : i32
    %dma_start3A_252 = arith.constant 0 : i32
    %dma_start3A_253 = tpu.memref_slice %arg4[%select_n3A_235, %select_n3A_251, %dma_start3A_252] : memref<26x16384x64xf32, #tpu.memory_space<hbm>> -> memref<1x512x64xf32, #tpu.memory_space<hbm>>
    %dma_start3A_254 = tpu.memref_squeeze %dma_start3A_253 : memref<1x512x64xf32, #tpu.memory_space<hbm>> -> memref<512x64xf32, #tpu.memory_space<hbm>>
    %dma_start3A_255 = arith.constant 0 : i32
    %dma_start3A_256 = tpu.memref_slice %arg4[%select_n3A_235, %select_n3A_251, %dma_start3A_255] : memref<26x16384x64xf32, #tpu.memory_space<hbm>> -> memref<1x512x64xf32, #tpu.memory_space<hbm>>
    %dma_start3A_257 = tpu.memref_squeeze %dma_start3A_256 : memref<1x512x64xf32, #tpu.memory_space<hbm>> -> memref<512x64xf32, #tpu.memory_space<hbm>>
    tpu.enqueue_dma source(%arg6 : memref<512x64xf32, #tpu.memory_space<vmem>>) target(%dma_start3A_257 : memref<512x64xf32, #tpu.memory_space<hbm>>) target_semaphore(%arg12 : memref<!tpu.dma_semaphore, #tpu.memory_space<semaphore_mem>>)
    %dma_wait3A_258 = arith.constant 0 : i32
    %dma_wait3A_259 = tpu.memref_slice %arg4[%select_n3A_167, %select_n3A_183, %dma_wait3A_258] : memref<26x16384x64xf32, #tpu.memory_space<hbm>> -> memref<1x512x64xf32, #tpu.memory_space<hbm>>
    %dma_wait3A_260 = tpu.memref_squeeze %dma_wait3A_259 : memref<1x512x64xf32, #tpu.memory_space<hbm>> -> memref<512x64xf32, #tpu.memory_space<hbm>>
    %dma_wait3A_261 = arith.constant 0 : i32
    %dma_wait3A_262 = tpu.memref_slice %arg4[%select_n3A_167, %select_n3A_183, %dma_wait3A_261] : memref<26x16384x64xf32, #tpu.memory_space<hbm>> -> memref<1x512x64xf32, #tpu.memory_space<hbm>>
    %dma_wait3A_263 = tpu.memref_squeeze %dma_wait3A_262 : memref<1x512x64xf32, #tpu.memory_space<hbm>> -> memref<512x64xf32, #tpu.memory_space<hbm>>
    tpu.wait_dma2 semaphore(%arg14 : memref<!tpu.dma_semaphore, #tpu.memory_space<semaphore_mem>>) src(%arg8 : memref<512x64xf32, #tpu.memory_space<vmem>>) dst(%dma_wait3A_263 : memref<512x64xf32, #tpu.memory_space<hbm>>)
    %dma_start3A_264 = arith.constant 5 : i32
    %dma_start3A_265 = arith.constant 0 : i32
    %dma_start3A_266 = tpu.memref_slice %arg5[%dma_start3A_264, %dma_start3A_265] : memref<26x512xi32, #tpu.memory_space<vmem>> -> memref<1x512xi32, #tpu.memory_space<vmem>>
    %dma_start3A_267 = tpu.memref_squeeze %dma_start3A_266 : memref<1x512xi32, #tpu.memory_space<vmem>> -> memref<512xi32, #tpu.memory_space<vmem>>
    %dma_start3A_268 = arith.constant 0 : i32
    %dma_start3A_269 = arith.constant 0 : i32
    %dma_start3A_270 = tpu.memref_slice %arg3[%dma_start3A_268, %dma_start3A_269] : memref<1015808x64xf32, #tpu.memory_space<hbm>> -> memref<1015808x64xf32, #tpu.memory_space<hbm>>
    tpu.enqueue_indirect_dma source(%dma_start3A_270 : memref<1015808x64xf32, #tpu.memory_space<hbm>>) target(%arg8 : memref<512x64xf32, #tpu.memory_space<vmem>>) offsets(%dma_start3A_267 : memref<512xi32, #tpu.memory_space<vmem>>) semaphore(%arg11 : memref<!tpu.dma_semaphore, #tpu.memory_space<semaphore_mem>>)
    %dma_wait3A_271 = arith.constant 4 : i32
    %dma_wait3A_272 = arith.constant 0 : i32
    %dma_wait3A_273 = tpu.memref_slice %arg5[%dma_wait3A_271, %dma_wait3A_272] : memref<26x512xi32, #tpu.memory_space<vmem>> -> memref<1x512xi32, #tpu.memory_space<vmem>>
    %dma_wait3A_274 = tpu.memref_squeeze %dma_wait3A_273 : memref<1x512xi32, #tpu.memory_space<vmem>> -> memref<512xi32, #tpu.memory_space<vmem>>
    %dma_wait3A_275 = arith.constant 0 : i32
    %dma_wait3A_276 = arith.constant 0 : i32
    %dma_wait3A_277 = tpu.memref_slice %arg3[%dma_wait3A_275, %dma_wait3A_276] : memref<1015808x64xf32, #tpu.memory_space<hbm>> -> memref<1015808x64xf32, #tpu.memory_space<hbm>>
    tpu.wait_indirect_dma semaphore(%arg10 : memref<!tpu.dma_semaphore, #tpu.memory_space<semaphore_mem>>) src(%dma_wait3A_277 : memref<1015808x64xf32, #tpu.memory_space<hbm>>) dst(%arg7 : memref<512x64xf32, #tpu.memory_space<vmem>>)
    %add3A_278 = arith.constant 2048 : i32
    %add3A_279 = arith.addi %mul3A_2, %add3A_278 : i32
    %jit3A_280 = arith.constant 16384 : i32
    %div3A_281 = arith.divsi %add3A_279, %jit3A_280 : i32
    %sign3A_282 = arith.constant 0 : i32
    %sign3A_283 = arith.cmpi sgt, %add3A_279, %sign3A_282 : i32
    %sign3A_284 = arith.extui %sign3A_283 : i1 to i32
    %sign3A_285 = arith.constant 0 : i32
    %sign3A_286 = arith.cmpi slt, %add3A_279, %sign3A_285 : i32
    %sign3A_287 = arith.extui %sign3A_286 : i1 to i32
    %sign3A_288 = arith.subi %sign3A_284, %sign3A_287 : i32
    %sign3A_289 = arith.constant 0 : i32
    %sign3A_290 = arith.cmpi sgt, %jit3A_280, %sign3A_289 : i32
    %sign3A_291 = arith.extui %sign3A_290 : i1 to i32
    %sign3A_292 = arith.constant 0 : i32
    %sign3A_293 = arith.cmpi slt, %jit3A_280, %sign3A_292 : i32
    %sign3A_294 = arith.extui %sign3A_293 : i1 to i32
    %sign3A_295 = arith.subi %sign3A_291, %sign3A_294 : i32
    %ne3A_296 = arith.cmpi ne, %sign3A_288, %sign3A_295 : i32
    %rem3A_297 = arith.remsi %add3A_279, %jit3A_280 : i32
    %ne3A_298 = arith.constant 0 : i32
    %ne3A_299 = arith.cmpi ne, %rem3A_297, %ne3A_298 : i32
    %and3A_300 = arith.andi %ne3A_296, %ne3A_299 : i1
    %sub3A_301 = arith.constant 1 : i32
    %sub3A_302 = arith.subi %div3A_281, %sub3A_301 : i32
    %select_n3A_303 = arith.select %and3A_300, %sub3A_302, %div3A_281 : i32
    %jit3A_304 = arith.constant 16384 : i32
    %eq3A_305 = arith.constant 0 : i32
    %eq3A_306 = arith.cmpi eq, %jit3A_304, %eq3A_305 : i32
    %jit3A_307 = arith.constant 1 : i32
    %select_n3A_308 = arith.select %eq3A_306, %jit3A_307, %jit3A_304 : i32
    %rem3A_309 = arith.remsi %add3A_279, %select_n3A_308 : i32
    %ne3A_310 = arith.constant 0 : i32
    %ne3A_311 = arith.cmpi ne, %rem3A_309, %ne3A_310 : i32
    %lt3A_312 = arith.constant 0 : i32
    %lt3A_313 = arith.cmpi slt, %rem3A_309, %lt3A_312 : i32
    %lt3A_314 = arith.constant 0 : i32
    %lt3A_315 = arith.cmpi slt, %select_n3A_308, %lt3A_314 : i32
    %ne3A_316 = arith.xori %lt3A_313, %lt3A_315 : i1
    %and3A_317 = arith.andi %ne3A_316, %ne3A_311 : i1
    %add3A_318 = arith.addi %rem3A_309, %select_n3A_308 : i32
    %select_n3A_319 = arith.select %and3A_317, %add3A_318, %rem3A_309 : i32
    %dma_start3A_320 = arith.constant 0 : i32
    %dma_start3A_321 = tpu.memref_slice %arg4[%select_n3A_303, %select_n3A_319, %dma_start3A_320] : memref<26x16384x64xf32, #tpu.memory_space<hbm>> -> memref<1x512x64xf32, #tpu.memory_space<hbm>>
    %dma_start3A_322 = tpu.memref_squeeze %dma_start3A_321 : memref<1x512x64xf32, #tpu.memory_space<hbm>> -> memref<512x64xf32, #tpu.memory_space<hbm>>
    %dma_start3A_323 = arith.constant 0 : i32
    %dma_start3A_324 = tpu.memref_slice %arg4[%select_n3A_303, %select_n3A_319, %dma_start3A_323] : memref<26x16384x64xf32, #tpu.memory_space<hbm>> -> memref<1x512x64xf32, #tpu.memory_space<hbm>>
    %dma_start3A_325 = tpu.memref_squeeze %dma_start3A_324 : memref<1x512x64xf32, #tpu.memory_space<hbm>> -> memref<512x64xf32, #tpu.memory_space<hbm>>
    tpu.enqueue_dma source(%arg7 : memref<512x64xf32, #tpu.memory_space<vmem>>) target(%dma_start3A_325 : memref<512x64xf32, #tpu.memory_space<hbm>>) target_semaphore(%arg13 : memref<!tpu.dma_semaphore, #tpu.memory_space<semaphore_mem>>)
    %dma_wait3A_326 = arith.constant 0 : i32
    %dma_wait3A_327 = tpu.memref_slice %arg4[%select_n3A_235, %select_n3A_251, %dma_wait3A_326] : memref<26x16384x64xf32, #tpu.memory_space<hbm>> -> memref<1x512x64xf32, #tpu.memory_space<hbm>>
    %dma_wait3A_328 = tpu.memref_squeeze %dma_wait3A_327 : memref<1x512x64xf32, #tpu.memory_space<hbm>> -> memref<512x64xf32, #tpu.memory_space<hbm>>
    %dma_wait3A_329 = arith.constant 0 : i32
    %dma_wait3A_330 = tpu.memref_slice %arg4[%select_n3A_235, %select_n3A_251, %dma_wait3A_329] : memref<26x16384x64xf32, #tpu.memory_space<hbm>> -> memref<1x512x64xf32, #tpu.memory_space<hbm>>
    %dma_wait3A_331 = tpu.memref_squeeze %dma_wait3A_330 : memref<1x512x64xf32, #tpu.memory_space<hbm>> -> memref<512x64xf32, #tpu.memory_space<hbm>>
    tpu.wait_dma2 semaphore(%arg12 : memref<!tpu.dma_semaphore, #tpu.memory_space<semaphore_mem>>) src(%arg6 : memref<512x64xf32, #tpu.memory_space<vmem>>) dst(%dma_wait3A_331 : memref<512x64xf32, #tpu.memory_space<hbm>>)
    %dma_start3A_332 = arith.constant 6 : i32
    %dma_start3A_333 = arith.constant 0 : i32
    %dma_start3A_334 = tpu.memref_slice %arg5[%dma_start3A_332, %dma_start3A_333] : memref<26x512xi32, #tpu.memory_space<vmem>> -> memref<1x512xi32, #tpu.memory_space<vmem>>
    %dma_start3A_335 = tpu.memref_squeeze %dma_start3A_334 : memref<1x512xi32, #tpu.memory_space<vmem>> -> memref<512xi32, #tpu.memory_space<vmem>>
    %dma_start3A_336 = arith.constant 0 : i32
    %dma_start3A_337 = arith.constant 0 : i32
    %dma_start3A_338 = tpu.memref_slice %arg3[%dma_start3A_336, %dma_start3A_337] : memref<1015808x64xf32, #tpu.memory_space<hbm>> -> memref<1015808x64xf32, #tpu.memory_space<hbm>>
    tpu.enqueue_indirect_dma source(%dma_start3A_338 : memref<1015808x64xf32, #tpu.memory_space<hbm>>) target(%arg6 : memref<512x64xf32, #tpu.memory_space<vmem>>) offsets(%dma_start3A_335 : memref<512xi32, #tpu.memory_space<vmem>>) semaphore(%arg9 : memref<!tpu.dma_semaphore, #tpu.memory_space<semaphore_mem>>)
    %dma_wait3A_339 = arith.constant 5 : i32
    %dma_wait3A_340 = arith.constant 0 : i32
    %dma_wait3A_341 = tpu.memref_slice %arg5[%dma_wait3A_339, %dma_wait3A_340] : memref<26x512xi32, #tpu.memory_space<vmem>> -> memref<1x512xi32, #tpu.memory_space<vmem>>
    %dma_wait3A_342 = tpu.memref_squeeze %dma_wait3A_341 : memref<1x512xi32, #tpu.memory_space<vmem>> -> memref<512xi32, #tpu.memory_space<vmem>>
    %dma_wait3A_343 = arith.constant 0 : i32
    %dma_wait3A_344 = arith.constant 0 : i32
    %dma_wait3A_345 = tpu.memref_slice %arg3[%dma_wait3A_343, %dma_wait3A_344] : memref<1015808x64xf32, #tpu.memory_space<hbm>> -> memref<1015808x64xf32, #tpu.memory_space<hbm>>
    tpu.wait_indirect_dma semaphore(%arg11 : memref<!tpu.dma_semaphore, #tpu.memory_space<semaphore_mem>>) src(%dma_wait3A_345 : memref<1015808x64xf32, #tpu.memory_space<hbm>>) dst(%arg8 : memref<512x64xf32, #tpu.memory_space<vmem>>)
    %add3A_346 = arith.constant 2560 : i32
    %add3A_347 = arith.addi %mul3A_2, %add3A_346 : i32
    %jit3A_348 = arith.constant 16384 : i32
    %div3A_349 = arith.divsi %add3A_347, %jit3A_348 : i32
    %sign3A_350 = arith.constant 0 : i32
    %sign3A_351 = arith.cmpi sgt, %add3A_347, %sign3A_350 : i32
    %sign3A_352 = arith.extui %sign3A_351 : i1 to i32
    %sign3A_353 = arith.constant 0 : i32
    %sign3A_354 = arith.cmpi slt, %add3A_347, %sign3A_353 : i32
    %sign3A_355 = arith.extui %sign3A_354 : i1 to i32
    %sign3A_356 = arith.subi %sign3A_352, %sign3A_355 : i32
    %sign3A_357 = arith.constant 0 : i32
    %sign3A_358 = arith.cmpi sgt, %jit3A_348, %sign3A_357 : i32
    %sign3A_359 = arith.extui %sign3A_358 : i1 to i32
    %sign3A_360 = arith.constant 0 : i32
    %sign3A_361 = arith.cmpi slt, %jit3A_348, %sign3A_360 : i32
    %sign3A_362 = arith.extui %sign3A_361 : i1 to i32
    %sign3A_363 = arith.subi %sign3A_359, %sign3A_362 : i32
    %ne3A_364 = arith.cmpi ne, %sign3A_356, %sign3A_363 : i32
    %rem3A_365 = arith.remsi %add3A_347, %jit3A_348 : i32
    %ne3A_366 = arith.constant 0 : i32
    %ne3A_367 = arith.cmpi ne, %rem3A_365, %ne3A_366 : i32
    %and3A_368 = arith.andi %ne3A_364, %ne3A_367 : i1
    %sub3A_369 = arith.constant 1 : i32
    %sub3A_370 = arith.subi %div3A_349, %sub3A_369 : i32
    %select_n3A_371 = arith.select %and3A_368, %sub3A_370, %div3A_349 : i32
    %jit3A_372 = arith.constant 16384 : i32
    %eq3A_373 = arith.constant 0 : i32
    %eq3A_374 = arith.cmpi eq, %jit3A_372, %eq3A_373 : i32
    %jit3A_375 = arith.constant 1 : i32
    %select_n3A_376 = arith.select %eq3A_374, %jit3A_375, %jit3A_372 : i32
    %rem3A_377 = arith.remsi %add3A_347, %select_n3A_376 : i32
    %ne3A_378 = arith.constant 0 : i32
    %ne3A_379 = arith.cmpi ne, %rem3A_377, %ne3A_378 : i32
    %lt3A_380 = arith.constant 0 : i32
    %lt3A_381 = arith.cmpi slt, %rem3A_377, %lt3A_380 : i32
    %lt3A_382 = arith.constant 0 : i32
    %lt3A_383 = arith.cmpi slt, %select_n3A_376, %lt3A_382 : i32
    %ne3A_384 = arith.xori %lt3A_381, %lt3A_383 : i1
    %and3A_385 = arith.andi %ne3A_384, %ne3A_379 : i1
    %add3A_386 = arith.addi %rem3A_377, %select_n3A_376 : i32
    %select_n3A_387 = arith.select %and3A_385, %add3A_386, %rem3A_377 : i32
    %dma_start3A_388 = arith.constant 0 : i32
    %dma_start3A_389 = tpu.memref_slice %arg4[%select_n3A_371, %select_n3A_387, %dma_start3A_388] : memref<26x16384x64xf32, #tpu.memory_space<hbm>> -> memref<1x512x64xf32, #tpu.memory_space<hbm>>
    %dma_start3A_390 = tpu.memref_squeeze %dma_start3A_389 : memref<1x512x64xf32, #tpu.memory_space<hbm>> -> memref<512x64xf32, #tpu.memory_space<hbm>>
    %dma_start3A_391 = arith.constant 0 : i32
    %dma_start3A_392 = tpu.memref_slice %arg4[%select_n3A_371, %select_n3A_387, %dma_start3A_391] : memref<26x16384x64xf32, #tpu.memory_space<hbm>> -> memref<1x512x64xf32, #tpu.memory_space<hbm>>
    %dma_start3A_393 = tpu.memref_squeeze %dma_start3A_392 : memref<1x512x64xf32, #tpu.memory_space<hbm>> -> memref<512x64xf32, #tpu.memory_space<hbm>>
    tpu.enqueue_dma source(%arg8 : memref<512x64xf32, #tpu.memory_space<vmem>>) target(%dma_start3A_393 : memref<512x64xf32, #tpu.memory_space<hbm>>) target_semaphore(%arg14 : memref<!tpu.dma_semaphore, #tpu.memory_space<semaphore_mem>>)
    %dma_wait3A_394 = arith.constant 0 : i32
    %dma_wait3A_395 = tpu.memref_slice %arg4[%select_n3A_303, %select_n3A_319, %dma_wait3A_394] : memref<26x16384x64xf32, #tpu.memory_space<hbm>> -> memref<1x512x64xf32, #tpu.memory_space<hbm>>
    %dma_wait3A_396 = tpu.memref_squeeze %dma_wait3A_395 : memref<1x512x64xf32, #tpu.memory_space<hbm>> -> memref<512x64xf32, #tpu.memory_space<hbm>>
    %dma_wait3A_397 = arith.constant 0 : i32
    %dma_wait3A_398 = tpu.memref_slice %arg4[%select_n3A_303, %select_n3A_319, %dma_wait3A_397] : memref<26x16384x64xf32, #tpu.memory_space<hbm>> -> memref<1x512x64xf32, #tpu.memory_space<hbm>>
    %dma_wait3A_399 = tpu.memref_squeeze %dma_wait3A_398 : memref<1x512x64xf32, #tpu.memory_space<hbm>> -> memref<512x64xf32, #tpu.memory_space<hbm>>
    tpu.wait_dma2 semaphore(%arg13 : memref<!tpu.dma_semaphore, #tpu.memory_space<semaphore_mem>>) src(%arg7 : memref<512x64xf32, #tpu.memory_space<vmem>>) dst(%dma_wait3A_399 : memref<512x64xf32, #tpu.memory_space<hbm>>)
    %dma_start3A_400 = arith.constant 7 : i32
    %dma_start3A_401 = arith.constant 0 : i32
    %dma_start3A_402 = tpu.memref_slice %arg5[%dma_start3A_400, %dma_start3A_401] : memref<26x512xi32, #tpu.memory_space<vmem>> -> memref<1x512xi32, #tpu.memory_space<vmem>>
    %dma_start3A_403 = tpu.memref_squeeze %dma_start3A_402 : memref<1x512xi32, #tpu.memory_space<vmem>> -> memref<512xi32, #tpu.memory_space<vmem>>
    %dma_start3A_404 = arith.constant 0 : i32
    %dma_start3A_405 = arith.constant 0 : i32
    %dma_start3A_406 = tpu.memref_slice %arg3[%dma_start3A_404, %dma_start3A_405] : memref<1015808x64xf32, #tpu.memory_space<hbm>> -> memref<1015808x64xf32, #tpu.memory_space<hbm>>
    tpu.enqueue_indirect_dma source(%dma_start3A_406 : memref<1015808x64xf32, #tpu.memory_space<hbm>>) target(%arg7 : memref<512x64xf32, #tpu.memory_space<vmem>>) offsets(%dma_start3A_403 : memref<512xi32, #tpu.memory_space<vmem>>) semaphore(%arg10 : memref<!tpu.dma_semaphore, #tpu.memory_space<semaphore_mem>>)
    %dma_wait3A_407 = arith.constant 6 : i32
    %dma_wait3A_408 = arith.constant 0 : i32
    %dma_wait3A_409 = tpu.memref_slice %arg5[%dma_wait3A_407, %dma_wait3A_408] : memref<26x512xi32, #tpu.memory_space<vmem>> -> memref<1x512xi32, #tpu.memory_space<vmem>>
    %dma_wait3A_410 = tpu.memref_squeeze %dma_wait3A_409 : memref<1x512xi32, #tpu.memory_space<vmem>> -> memref<512xi32, #tpu.memory_space<vmem>>
    %dma_wait3A_411 = arith.constant 0 : i32
    %dma_wait3A_412 = arith.constant 0 : i32
    %dma_wait3A_413 = tpu.memref_slice %arg3[%dma_wait3A_411, %dma_wait3A_412] : memref<1015808x64xf32, #tpu.memory_space<hbm>> -> memref<1015808x64xf32, #tpu.memory_space<hbm>>
    tpu.wait_indirect_dma semaphore(%arg9 : memref<!tpu.dma_semaphore, #tpu.memory_space<semaphore_mem>>) src(%dma_wait3A_413 : memref<1015808x64xf32, #tpu.memory_space<hbm>>) dst(%arg6 : memref<512x64xf32, #tpu.memory_space<vmem>>)
    %add3A_414 = arith.constant 3072 : i32
    %add3A_415 = arith.addi %mul3A_2, %add3A_414 : i32
    %jit3A_416 = arith.constant 16384 : i32
    %div3A_417 = arith.divsi %add3A_415, %jit3A_416 : i32
    %sign3A_418 = arith.constant 0 : i32
    %sign3A_419 = arith.cmpi sgt, %add3A_415, %sign3A_418 : i32
    %sign3A_420 = arith.extui %sign3A_419 : i1 to i32
    %sign3A_421 = arith.constant 0 : i32
    %sign3A_422 = arith.cmpi slt, %add3A_415, %sign3A_421 : i32
    %sign3A_423 = arith.extui %sign3A_422 : i1 to i32
    %sign3A_424 = arith.subi %sign3A_420, %sign3A_423 : i32
    %sign3A_425 = arith.constant 0 : i32
    %sign3A_426 = arith.cmpi sgt, %jit3A_416, %sign3A_425 : i32
    %sign3A_427 = arith.extui %sign3A_426 : i1 to i32
    %sign3A_428 = arith.constant 0 : i32
    %sign3A_429 = arith.cmpi slt, %jit3A_416, %sign3A_428 : i32
    %sign3A_430 = arith.extui %sign3A_429 : i1 to i32
    %sign3A_431 = arith.subi %sign3A_427, %sign3A_430 : i32
    %ne3A_432 = arith.cmpi ne, %sign3A_424, %sign3A_431 : i32
    %rem3A_433 = arith.remsi %add3A_415, %jit3A_416 : i32
    %ne3A_434 = arith.constant 0 : i32
    %ne3A_435 = arith.cmpi ne, %rem3A_433, %ne3A_434 : i32
    %and3A_436 = arith.andi %ne3A_432, %ne3A_435 : i1
    %sub3A_437 = arith.constant 1 : i32
    %sub3A_438 = arith.subi %div3A_417, %sub3A_437 : i32
    %select_n3A_439 = arith.select %and3A_436, %sub3A_438, %div3A_417 : i32
    %jit3A_440 = arith.constant 16384 : i32
    %eq3A_441 = arith.constant 0 : i32
    %eq3A_442 = arith.cmpi eq, %jit3A_440, %eq3A_441 : i32
    %jit3A_443 = arith.constant 1 : i32
    %select_n3A_444 = arith.select %eq3A_442, %jit3A_443, %jit3A_440 : i32
    %rem3A_445 = arith.remsi %add3A_415, %select_n3A_444 : i32
    %ne3A_446 = arith.constant 0 : i32
    %ne3A_447 = arith.cmpi ne, %rem3A_445, %ne3A_446 : i32
    %lt3A_448 = arith.constant 0 : i32
    %lt3A_449 = arith.cmpi slt, %rem3A_445, %lt3A_448 : i32
    %lt3A_450 = arith.constant 0 : i32
    %lt3A_451 = arith.cmpi slt, %select_n3A_444, %lt3A_450 : i32
    %ne3A_452 = arith.xori %lt3A_449, %lt3A_451 : i1
    %and3A_453 = arith.andi %ne3A_452, %ne3A_447 : i1
    %add3A_454 = arith.addi %rem3A_445, %select_n3A_444 : i32
    %select_n3A_455 = arith.select %and3A_453, %add3A_454, %rem3A_445 : i32
    %dma_start3A_456 = arith.constant 0 : i32
    %dma_start3A_457 = tpu.memref_slice %arg4[%select_n3A_439, %select_n3A_455, %dma_start3A_456] : memref<26x16384x64xf32, #tpu.memory_space<hbm>> -> memref<1x512x64xf32, #tpu.memory_space<hbm>>
    %dma_start3A_458 = tpu.memref_squeeze %dma_start3A_457 : memref<1x512x64xf32, #tpu.memory_space<hbm>> -> memref<512x64xf32, #tpu.memory_space<hbm>>
    %dma_start3A_459 = arith.constant 0 : i32
    %dma_start3A_460 = tpu.memref_slice %arg4[%select_n3A_439, %select_n3A_455, %dma_start3A_459] : memref<26x16384x64xf32, #tpu.memory_space<hbm>> -> memref<1x512x64xf32, #tpu.memory_space<hbm>>
    %dma_start3A_461 = tpu.memref_squeeze %dma_start3A_460 : memref<1x512x64xf32, #tpu.memory_space<hbm>> -> memref<512x64xf32, #tpu.memory_space<hbm>>
    tpu.enqueue_dma source(%arg6 : memref<512x64xf32, #tpu.memory_space<vmem>>) target(%dma_start3A_461 : memref<512x64xf32, #tpu.memory_space<hbm>>) target_semaphore(%arg12 : memref<!tpu.dma_semaphore, #tpu.memory_space<semaphore_mem>>)
    %dma_wait3A_462 = arith.constant 0 : i32
    %dma_wait3A_463 = tpu.memref_slice %arg4[%select_n3A_371, %select_n3A_387, %dma_wait3A_462] : memref<26x16384x64xf32, #tpu.memory_space<hbm>> -> memref<1x512x64xf32, #tpu.memory_space<hbm>>
    %dma_wait3A_464 = tpu.memref_squeeze %dma_wait3A_463 : memref<1x512x64xf32, #tpu.memory_space<hbm>> -> memref<512x64xf32, #tpu.memory_space<hbm>>
    %dma_wait3A_465 = arith.constant 0 : i32
    %dma_wait3A_466 = tpu.memref_slice %arg4[%select_n3A_371, %select_n3A_387, %dma_wait3A_465] : memref<26x16384x64xf32, #tpu.memory_space<hbm>> -> memref<1x512x64xf32, #tpu.memory_space<hbm>>
    %dma_wait3A_467 = tpu.memref_squeeze %dma_wait3A_466 : memref<1x512x64xf32, #tpu.memory_space<hbm>> -> memref<512x64xf32, #tpu.memory_space<hbm>>
    tpu.wait_dma2 semaphore(%arg14 : memref<!tpu.dma_semaphore, #tpu.memory_space<semaphore_mem>>) src(%arg8 : memref<512x64xf32, #tpu.memory_space<vmem>>) dst(%dma_wait3A_467 : memref<512x64xf32, #tpu.memory_space<hbm>>)
    %dma_start3A_468 = arith.constant 8 : i32
    %dma_start3A_469 = arith.constant 0 : i32
    %dma_start3A_470 = tpu.memref_slice %arg5[%dma_start3A_468, %dma_start3A_469] : memref<26x512xi32, #tpu.memory_space<vmem>> -> memref<1x512xi32, #tpu.memory_space<vmem>>
    %dma_start3A_471 = tpu.memref_squeeze %dma_start3A_470 : memref<1x512xi32, #tpu.memory_space<vmem>> -> memref<512xi32, #tpu.memory_space<vmem>>
    %dma_start3A_472 = arith.constant 0 : i32
    %dma_start3A_473 = arith.constant 0 : i32
    %dma_start3A_474 = tpu.memref_slice %arg3[%dma_start3A_472, %dma_start3A_473] : memref<1015808x64xf32, #tpu.memory_space<hbm>> -> memref<1015808x64xf32, #tpu.memory_space<hbm>>
    tpu.enqueue_indirect_dma source(%dma_start3A_474 : memref<1015808x64xf32, #tpu.memory_space<hbm>>) target(%arg8 : memref<512x64xf32, #tpu.memory_space<vmem>>) offsets(%dma_start3A_471 : memref<512xi32, #tpu.memory_space<vmem>>) semaphore(%arg11 : memref<!tpu.dma_semaphore, #tpu.memory_space<semaphore_mem>>)
    %dma_wait3A_475 = arith.constant 7 : i32
    %dma_wait3A_476 = arith.constant 0 : i32
    %dma_wait3A_477 = tpu.memref_slice %arg5[%dma_wait3A_475, %dma_wait3A_476] : memref<26x512xi32, #tpu.memory_space<vmem>> -> memref<1x512xi32, #tpu.memory_space<vmem>>
    %dma_wait3A_478 = tpu.memref_squeeze %dma_wait3A_477 : memref<1x512xi32, #tpu.memory_space<vmem>> -> memref<512xi32, #tpu.memory_space<vmem>>
    %dma_wait3A_479 = arith.constant 0 : i32
    %dma_wait3A_480 = arith.constant 0 : i32
    %dma_wait3A_481 = tpu.memref_slice %arg3[%dma_wait3A_479, %dma_wait3A_480] : memref<1015808x64xf32, #tpu.memory_space<hbm>> -> memref<1015808x64xf32, #tpu.memory_space<hbm>>
    tpu.wait_indirect_dma semaphore(%arg10 : memref<!tpu.dma_semaphore, #tpu.memory_space<semaphore_mem>>) src(%dma_wait3A_481 : memref<1015808x64xf32, #tpu.memory_space<hbm>>) dst(%arg7 : memref<512x64xf32, #tpu.memory_space<vmem>>)
    %add3A_482 = arith.constant 3584 : i32
    %add3A_483 = arith.addi %mul3A_2, %add3A_482 : i32
    %jit3A_484 = arith.constant 16384 : i32
    %div3A_485 = arith.divsi %add3A_483, %jit3A_484 : i32
    %sign3A_486 = arith.constant 0 : i32
    %sign3A_487 = arith.cmpi sgt, %add3A_483, %sign3A_486 : i32
    %sign3A_488 = arith.extui %sign3A_487 : i1 to i32
    %sign3A_489 = arith.constant 0 : i32
    %sign3A_490 = arith.cmpi slt, %add3A_483, %sign3A_489 : i32
    %sign3A_491 = arith.extui %sign3A_490 : i1 to i32
    %sign3A_492 = arith.subi %sign3A_488, %sign3A_491 : i32
    %sign3A_493 = arith.constant 0 : i32
    %sign3A_494 = arith.cmpi sgt, %jit3A_484, %sign3A_493 : i32
    %sign3A_495 = arith.extui %sign3A_494 : i1 to i32
    %sign3A_496 = arith.constant 0 : i32
    %sign3A_497 = arith.cmpi slt, %jit3A_484, %sign3A_496 : i32
    %sign3A_498 = arith.extui %sign3A_497 : i1 to i32
    %sign3A_499 = arith.subi %sign3A_495, %sign3A_498 : i32
    %ne3A_500 = arith.cmpi ne, %sign3A_492, %sign3A_499 : i32
    %rem3A_501 = arith.remsi %add3A_483, %jit3A_484 : i32
    %ne3A_502 = arith.constant 0 : i32
    %ne3A_503 = arith.cmpi ne, %rem3A_501, %ne3A_502 : i32
    %and3A_504 = arith.andi %ne3A_500, %ne3A_503 : i1
    %sub3A_505 = arith.constant 1 : i32
    %sub3A_506 = arith.subi %div3A_485, %sub3A_505 : i32
    %select_n3A_507 = arith.select %and3A_504, %sub3A_506, %div3A_485 : i32
    %jit3A_508 = arith.constant 16384 : i32
    %eq3A_509 = arith.constant 0 : i32
    %eq3A_510 = arith.cmpi eq, %jit3A_508, %eq3A_509 : i32
    %jit3A_511 = arith.constant 1 : i32
    %select_n3A_512 = arith.select %eq3A_510, %jit3A_511, %jit3A_508 : i32
    %rem3A_513 = arith.remsi %add3A_483, %select_n3A_512 : i32
    %ne3A_514 = arith.constant 0 : i32
    %ne3A_515 = arith.cmpi ne, %rem3A_513, %ne3A_514 : i32
    %lt3A_516 = arith.constant 0 : i32
    %lt3A_517 = arith.cmpi slt, %rem3A_513, %lt3A_516 : i32
    %lt3A_518 = arith.constant 0 : i32
    %lt3A_519 = arith.cmpi slt, %select_n3A_512, %lt3A_518 : i32
    %ne3A_520 = arith.xori %lt3A_517, %lt3A_519 : i1
    %and3A_521 = arith.andi %ne3A_520, %ne3A_515 : i1
    %add3A_522 = arith.addi %rem3A_513, %select_n3A_512 : i32
    %select_n3A_523 = arith.select %and3A_521, %add3A_522, %rem3A_513 : i32
    %dma_start3A_524 = arith.constant 0 : i32
    %dma_start3A_525 = tpu.memref_slice %arg4[%select_n3A_507, %select_n3A_523, %dma_start3A_524] : memref<26x16384x64xf32, #tpu.memory_space<hbm>> -> memref<1x512x64xf32, #tpu.memory_space<hbm>>
    %dma_start3A_526 = tpu.memref_squeeze %dma_start3A_525 : memref<1x512x64xf32, #tpu.memory_space<hbm>> -> memref<512x64xf32, #tpu.memory_space<hbm>>
    %dma_start3A_527 = arith.constant 0 : i32
    %dma_start3A_528 = tpu.memref_slice %arg4[%select_n3A_507, %select_n3A_523, %dma_start3A_527] : memref<26x16384x64xf32, #tpu.memory_space<hbm>> -> memref<1x512x64xf32, #tpu.memory_space<hbm>>
    %dma_start3A_529 = tpu.memref_squeeze %dma_start3A_528 : memref<1x512x64xf32, #tpu.memory_space<hbm>> -> memref<512x64xf32, #tpu.memory_space<hbm>>
    tpu.enqueue_dma source(%arg7 : memref<512x64xf32, #tpu.memory_space<vmem>>) target(%dma_start3A_529 : memref<512x64xf32, #tpu.memory_space<hbm>>) target_semaphore(%arg13 : memref<!tpu.dma_semaphore, #tpu.memory_space<semaphore_mem>>)
    %dma_wait3A_530 = arith.constant 0 : i32
    %dma_wait3A_531 = tpu.memref_slice %arg4[%select_n3A_439, %select_n3A_455, %dma_wait3A_530] : memref<26x16384x64xf32, #tpu.memory_space<hbm>> -> memref<1x512x64xf32, #tpu.memory_space<hbm>>
    %dma_wait3A_532 = tpu.memref_squeeze %dma_wait3A_531 : memref<1x512x64xf32, #tpu.memory_space<hbm>> -> memref<512x64xf32, #tpu.memory_space<hbm>>
    %dma_wait3A_533 = arith.constant 0 : i32
    %dma_wait3A_534 = tpu.memref_slice %arg4[%select_n3A_439, %select_n3A_455, %dma_wait3A_533] : memref<26x16384x64xf32, #tpu.memory_space<hbm>> -> memref<1x512x64xf32, #tpu.memory_space<hbm>>
    %dma_wait3A_535 = tpu.memref_squeeze %dma_wait3A_534 : memref<1x512x64xf32, #tpu.memory_space<hbm>> -> memref<512x64xf32, #tpu.memory_space<hbm>>
    tpu.wait_dma2 semaphore(%arg12 : memref<!tpu.dma_semaphore, #tpu.memory_space<semaphore_mem>>) src(%arg6 : memref<512x64xf32, #tpu.memory_space<vmem>>) dst(%dma_wait3A_535 : memref<512x64xf32, #tpu.memory_space<hbm>>)
    %dma_start3A_536 = arith.constant 9 : i32
    %dma_start3A_537 = arith.constant 0 : i32
    %dma_start3A_538 = tpu.memref_slice %arg5[%dma_start3A_536, %dma_start3A_537] : memref<26x512xi32, #tpu.memory_space<vmem>> -> memref<1x512xi32, #tpu.memory_space<vmem>>
    %dma_start3A_539 = tpu.memref_squeeze %dma_start3A_538 : memref<1x512xi32, #tpu.memory_space<vmem>> -> memref<512xi32, #tpu.memory_space<vmem>>
    %dma_start3A_540 = arith.constant 0 : i32
    %dma_start3A_541 = arith.constant 0 : i32
    %dma_start3A_542 = tpu.memref_slice %arg3[%dma_start3A_540, %dma_start3A_541] : memref<1015808x64xf32, #tpu.memory_space<hbm>> -> memref<1015808x64xf32, #tpu.memory_space<hbm>>
    tpu.enqueue_indirect_dma source(%dma_start3A_542 : memref<1015808x64xf32, #tpu.memory_space<hbm>>) target(%arg6 : memref<512x64xf32, #tpu.memory_space<vmem>>) offsets(%dma_start3A_539 : memref<512xi32, #tpu.memory_space<vmem>>) semaphore(%arg9 : memref<!tpu.dma_semaphore, #tpu.memory_space<semaphore_mem>>)
    %dma_wait3A_543 = arith.constant 8 : i32
    %dma_wait3A_544 = arith.constant 0 : i32
    %dma_wait3A_545 = tpu.memref_slice %arg5[%dma_wait3A_543, %dma_wait3A_544] : memref<26x512xi32, #tpu.memory_space<vmem>> -> memref<1x512xi32, #tpu.memory_space<vmem>>
    %dma_wait3A_546 = tpu.memref_squeeze %dma_wait3A_545 : memref<1x512xi32, #tpu.memory_space<vmem>> -> memref<512xi32, #tpu.memory_space<vmem>>
    %dma_wait3A_547 = arith.constant 0 : i32
    %dma_wait3A_548 = arith.constant 0 : i32
    %dma_wait3A_549 = tpu.memref_slice %arg3[%dma_wait3A_547, %dma_wait3A_548] : memref<1015808x64xf32, #tpu.memory_space<hbm>> -> memref<1015808x64xf32, #tpu.memory_space<hbm>>
    tpu.wait_indirect_dma semaphore(%arg11 : memref<!tpu.dma_semaphore, #tpu.memory_space<semaphore_mem>>) src(%dma_wait3A_549 : memref<1015808x64xf32, #tpu.memory_space<hbm>>) dst(%arg8 : memref<512x64xf32, #tpu.memory_space<vmem>>)
    %add3A_550 = arith.constant 4096 : i32
    %add3A_551 = arith.addi %mul3A_2, %add3A_550 : i32
    %jit3A_552 = arith.constant 16384 : i32
    %div3A_553 = arith.divsi %add3A_551, %jit3A_552 : i32
    %sign3A_554 = arith.constant 0 : i32
    %sign3A_555 = arith.cmpi sgt, %add3A_551, %sign3A_554 : i32
    %sign3A_556 = arith.extui %sign3A_555 : i1 to i32
    %sign3A_557 = arith.constant 0 : i32
    %sign3A_558 = arith.cmpi slt, %add3A_551, %sign3A_557 : i32
    %sign3A_559 = arith.extui %sign3A_558 : i1 to i32
    %sign3A_560 = arith.subi %sign3A_556, %sign3A_559 : i32
    %sign3A_561 = arith.constant 0 : i32
    %sign3A_562 = arith.cmpi sgt, %jit3A_552, %sign3A_561 : i32
    %sign3A_563 = arith.extui %sign3A_562 : i1 to i32
    %sign3A_564 = arith.constant 0 : i32
    %sign3A_565 = arith.cmpi slt, %jit3A_552, %sign3A_564 : i32
    %sign3A_566 = arith.extui %sign3A_565 : i1 to i32
    %sign3A_567 = arith.subi %sign3A_563, %sign3A_566 : i32
    %ne3A_568 = arith.cmpi ne, %sign3A_560, %sign3A_567 : i32
    %rem3A_569 = arith.remsi %add3A_551, %jit3A_552 : i32
    %ne3A_570 = arith.constant 0 : i32
    %ne3A_571 = arith.cmpi ne, %rem3A_569, %ne3A_570 : i32
    %and3A_572 = arith.andi %ne3A_568, %ne3A_571 : i1
    %sub3A_573 = arith.constant 1 : i32
    %sub3A_574 = arith.subi %div3A_553, %sub3A_573 : i32
    %select_n3A_575 = arith.select %and3A_572, %sub3A_574, %div3A_553 : i32
    %jit3A_576 = arith.constant 16384 : i32
    %eq3A_577 = arith.constant 0 : i32
    %eq3A_578 = arith.cmpi eq, %jit3A_576, %eq3A_577 : i32
    %jit3A_579 = arith.constant 1 : i32
    %select_n3A_580 = arith.select %eq3A_578, %jit3A_579, %jit3A_576 : i32
    %rem3A_581 = arith.remsi %add3A_551, %select_n3A_580 : i32
    %ne3A_582 = arith.constant 0 : i32
    %ne3A_583 = arith.cmpi ne, %rem3A_581, %ne3A_582 : i32
    %lt3A_584 = arith.constant 0 : i32
    %lt3A_585 = arith.cmpi slt, %rem3A_581, %lt3A_584 : i32
    %lt3A_586 = arith.constant 0 : i32
    %lt3A_587 = arith.cmpi slt, %select_n3A_580, %lt3A_586 : i32
    %ne3A_588 = arith.xori %lt3A_585, %lt3A_587 : i1
    %and3A_589 = arith.andi %ne3A_588, %ne3A_583 : i1
    %add3A_590 = arith.addi %rem3A_581, %select_n3A_580 : i32
    %select_n3A_591 = arith.select %and3A_589, %add3A_590, %rem3A_581 : i32
    %dma_start3A_592 = arith.constant 0 : i32
    %dma_start3A_593 = tpu.memref_slice %arg4[%select_n3A_575, %select_n3A_591, %dma_start3A_592] : memref<26x16384x64xf32, #tpu.memory_space<hbm>> -> memref<1x512x64xf32, #tpu.memory_space<hbm>>
    %dma_start3A_594 = tpu.memref_squeeze %dma_start3A_593 : memref<1x512x64xf32, #tpu.memory_space<hbm>> -> memref<512x64xf32, #tpu.memory_space<hbm>>
    %dma_start3A_595 = arith.constant 0 : i32
    %dma_start3A_596 = tpu.memref_slice %arg4[%select_n3A_575, %select_n3A_591, %dma_start3A_595] : memref<26x16384x64xf32, #tpu.memory_space<hbm>> -> memref<1x512x64xf32, #tpu.memory_space<hbm>>
    %dma_start3A_597 = tpu.memref_squeeze %dma_start3A_596 : memref<1x512x64xf32, #tpu.memory_space<hbm>> -> memref<512x64xf32, #tpu.memory_space<hbm>>
    tpu.enqueue_dma source(%arg8 : memref<512x64xf32, #tpu.memory_space<vmem>>) target(%dma_start3A_597 : memref<512x64xf32, #tpu.memory_space<hbm>>) target_semaphore(%arg14 : memref<!tpu.dma_semaphore, #tpu.memory_space<semaphore_mem>>)
    %dma_wait3A_598 = arith.constant 0 : i32
    %dma_wait3A_599 = tpu.memref_slice %arg4[%select_n3A_507, %select_n3A_523, %dma_wait3A_598] : memref<26x16384x64xf32, #tpu.memory_space<hbm>> -> memref<1x512x64xf32, #tpu.memory_space<hbm>>
    %dma_wait3A_600 = tpu.memref_squeeze %dma_wait3A_599 : memref<1x512x64xf32, #tpu.memory_space<hbm>> -> memref<512x64xf32, #tpu.memory_space<hbm>>
    %dma_wait3A_601 = arith.constant 0 : i32
    %dma_wait3A_602 = tpu.memref_slice %arg4[%select_n3A_507, %select_n3A_523, %dma_wait3A_601] : memref<26x16384x64xf32, #tpu.memory_space<hbm>> -> memref<1x512x64xf32, #tpu.memory_space<hbm>>
    %dma_wait3A_603 = tpu.memref_squeeze %dma_wait3A_602 : memref<1x512x64xf32, #tpu.memory_space<hbm>> -> memref<512x64xf32, #tpu.memory_space<hbm>>
    tpu.wait_dma2 semaphore(%arg13 : memref<!tpu.dma_semaphore, #tpu.memory_space<semaphore_mem>>) src(%arg7 : memref<512x64xf32, #tpu.memory_space<vmem>>) dst(%dma_wait3A_603 : memref<512x64xf32, #tpu.memory_space<hbm>>)
    %dma_start3A_604 = arith.constant 10 : i32
    %dma_start3A_605 = arith.constant 0 : i32
    %dma_start3A_606 = tpu.memref_slice %arg5[%dma_start3A_604, %dma_start3A_605] : memref<26x512xi32, #tpu.memory_space<vmem>> -> memref<1x512xi32, #tpu.memory_space<vmem>>
    %dma_start3A_607 = tpu.memref_squeeze %dma_start3A_606 : memref<1x512xi32, #tpu.memory_space<vmem>> -> memref<512xi32, #tpu.memory_space<vmem>>
    %dma_start3A_608 = arith.constant 0 : i32
    %dma_start3A_609 = arith.constant 0 : i32
    %dma_start3A_610 = tpu.memref_slice %arg3[%dma_start3A_608, %dma_start3A_609] : memref<1015808x64xf32, #tpu.memory_space<hbm>> -> memref<1015808x64xf32, #tpu.memory_space<hbm>>
    tpu.enqueue_indirect_dma source(%dma_start3A_610 : memref<1015808x64xf32, #tpu.memory_space<hbm>>) target(%arg7 : memref<512x64xf32, #tpu.memory_space<vmem>>) offsets(%dma_start3A_607 : memref<512xi32, #tpu.memory_space<vmem>>) semaphore(%arg10 : memref<!tpu.dma_semaphore, #tpu.memory_space<semaphore_mem>>)
    %dma_wait3A_611 = arith.constant 9 : i32
    %dma_wait3A_612 = arith.constant 0 : i32
    %dma_wait3A_613 = tpu.memref_slice %arg5[%dma_wait3A_611, %dma_wait3A_612] : memref<26x512xi32, #tpu.memory_space<vmem>> -> memref<1x512xi32, #tpu.memory_space<vmem>>
    %dma_wait3A_614 = tpu.memref_squeeze %dma_wait3A_613 : memref<1x512xi32, #tpu.memory_space<vmem>> -> memref<512xi32, #tpu.memory_space<vmem>>
    %dma_wait3A_615 = arith.constant 0 : i32
    %dma_wait3A_616 = arith.constant 0 : i32
    %dma_wait3A_617 = tpu.memref_slice %arg3[%dma_wait3A_615, %dma_wait3A_616] : memref<1015808x64xf32, #tpu.memory_space<hbm>> -> memref<1015808x64xf32, #tpu.memory_space<hbm>>
    tpu.wait_indirect_dma semaphore(%arg9 : memref<!tpu.dma_semaphore, #tpu.memory_space<semaphore_mem>>) src(%dma_wait3A_617 : memref<1015808x64xf32, #tpu.memory_space<hbm>>) dst(%arg6 : memref<512x64xf32, #tpu.memory_space<vmem>>)
    %add3A_618 = arith.constant 4608 : i32
    %add3A_619 = arith.addi %mul3A_2, %add3A_618 : i32
    %jit3A_620 = arith.constant 16384 : i32
    %div3A_621 = arith.divsi %add3A_619, %jit3A_620 : i32
    %sign3A_622 = arith.constant 0 : i32
    %sign3A_623 = arith.cmpi sgt, %add3A_619, %sign3A_622 : i32
    %sign3A_624 = arith.extui %sign3A_623 : i1 to i32
    %sign3A_625 = arith.constant 0 : i32
    %sign3A_626 = arith.cmpi slt, %add3A_619, %sign3A_625 : i32
    %sign3A_627 = arith.extui %sign3A_626 : i1 to i32
    %sign3A_628 = arith.subi %sign3A_624, %sign3A_627 : i32
    %sign3A_629 = arith.constant 0 : i32
    %sign3A_630 = arith.cmpi sgt, %jit3A_620, %sign3A_629 : i32
    %sign3A_631 = arith.extui %sign3A_630 : i1 to i32
    %sign3A_632 = arith.constant 0 : i32
    %sign3A_633 = arith.cmpi slt, %jit3A_620, %sign3A_632 : i32
    %sign3A_634 = arith.extui %sign3A_633 : i1 to i32
    %sign3A_635 = arith.subi %sign3A_631, %sign3A_634 : i32
    %ne3A_636 = arith.cmpi ne, %sign3A_628, %sign3A_635 : i32
    %rem3A_637 = arith.remsi %add3A_619, %jit3A_620 : i32
    %ne3A_638 = arith.constant 0 : i32
    %ne3A_639 = arith.cmpi ne, %rem3A_637, %ne3A_638 : i32
    %and3A_640 = arith.andi %ne3A_636, %ne3A_639 : i1
    %sub3A_641 = arith.constant 1 : i32
    %sub3A_642 = arith.subi %div3A_621, %sub3A_641 : i32
    %select_n3A_643 = arith.select %and3A_640, %sub3A_642, %div3A_621 : i32
    %jit3A_644 = arith.constant 16384 : i32
    %eq3A_645 = arith.constant 0 : i32
    %eq3A_646 = arith.cmpi eq, %jit3A_644, %eq3A_645 : i32
    %jit3A_647 = arith.constant 1 : i32
    %select_n3A_648 = arith.select %eq3A_646, %jit3A_647, %jit3A_644 : i32
    %rem3A_649 = arith.remsi %add3A_619, %select_n3A_648 : i32
    %ne3A_650 = arith.constant 0 : i32
    %ne3A_651 = arith.cmpi ne, %rem3A_649, %ne3A_650 : i32
    %lt3A_652 = arith.constant 0 : i32
    %lt3A_653 = arith.cmpi slt, %rem3A_649, %lt3A_652 : i32
    %lt3A_654 = arith.constant 0 : i32
    %lt3A_655 = arith.cmpi slt, %select_n3A_648, %lt3A_654 : i32
    %ne3A_656 = arith.xori %lt3A_653, %lt3A_655 : i1
    %and3A_657 = arith.andi %ne3A_656, %ne3A_651 : i1
    %add3A_658 = arith.addi %rem3A_649, %select_n3A_648 : i32
    %select_n3A_659 = arith.select %and3A_657, %add3A_658, %rem3A_649 : i32
    %dma_start3A_660 = arith.constant 0 : i32
    %dma_start3A_661 = tpu.memref_slice %arg4[%select_n3A_643, %select_n3A_659, %dma_start3A_660] : memref<26x16384x64xf32, #tpu.memory_space<hbm>> -> memref<1x512x64xf32, #tpu.memory_space<hbm>>
    %dma_start3A_662 = tpu.memref_squeeze %dma_start3A_661 : memref<1x512x64xf32, #tpu.memory_space<hbm>> -> memref<512x64xf32, #tpu.memory_space<hbm>>
    %dma_start3A_663 = arith.constant 0 : i32
    %dma_start3A_664 = tpu.memref_slice %arg4[%select_n3A_643, %select_n3A_659, %dma_start3A_663] : memref<26x16384x64xf32, #tpu.memory_space<hbm>> -> memref<1x512x64xf32, #tpu.memory_space<hbm>>
    %dma_start3A_665 = tpu.memref_squeeze %dma_start3A_664 : memref<1x512x64xf32, #tpu.memory_space<hbm>> -> memref<512x64xf32, #tpu.memory_space<hbm>>
    tpu.enqueue_dma source(%arg6 : memref<512x64xf32, #tpu.memory_space<vmem>>) target(%dma_start3A_665 : memref<512x64xf32, #tpu.memory_space<hbm>>) target_semaphore(%arg12 : memref<!tpu.dma_semaphore, #tpu.memory_space<semaphore_mem>>)
    %dma_wait3A_666 = arith.constant 0 : i32
    %dma_wait3A_667 = tpu.memref_slice %arg4[%select_n3A_575, %select_n3A_591, %dma_wait3A_666] : memref<26x16384x64xf32, #tpu.memory_space<hbm>> -> memref<1x512x64xf32, #tpu.memory_space<hbm>>
    %dma_wait3A_668 = tpu.memref_squeeze %dma_wait3A_667 : memref<1x512x64xf32, #tpu.memory_space<hbm>> -> memref<512x64xf32, #tpu.memory_space<hbm>>
    %dma_wait3A_669 = arith.constant 0 : i32
    %dma_wait3A_670 = tpu.memref_slice %arg4[%select_n3A_575, %select_n3A_591, %dma_wait3A_669] : memref<26x16384x64xf32, #tpu.memory_space<hbm>> -> memref<1x512x64xf32, #tpu.memory_space<hbm>>
    %dma_wait3A_671 = tpu.memref_squeeze %dma_wait3A_670 : memref<1x512x64xf32, #tpu.memory_space<hbm>> -> memref<512x64xf32, #tpu.memory_space<hbm>>
    tpu.wait_dma2 semaphore(%arg14 : memref<!tpu.dma_semaphore, #tpu.memory_space<semaphore_mem>>) src(%arg8 : memref<512x64xf32, #tpu.memory_space<vmem>>) dst(%dma_wait3A_671 : memref<512x64xf32, #tpu.memory_space<hbm>>)
    %dma_start3A_672 = arith.constant 11 : i32
    %dma_start3A_673 = arith.constant 0 : i32
    %dma_start3A_674 = tpu.memref_slice %arg5[%dma_start3A_672, %dma_start3A_673] : memref<26x512xi32, #tpu.memory_space<vmem>> -> memref<1x512xi32, #tpu.memory_space<vmem>>
    %dma_start3A_675 = tpu.memref_squeeze %dma_start3A_674 : memref<1x512xi32, #tpu.memory_space<vmem>> -> memref<512xi32, #tpu.memory_space<vmem>>
    %dma_start3A_676 = arith.constant 0 : i32
    %dma_start3A_677 = arith.constant 0 : i32
    %dma_start3A_678 = tpu.memref_slice %arg3[%dma_start3A_676, %dma_start3A_677] : memref<1015808x64xf32, #tpu.memory_space<hbm>> -> memref<1015808x64xf32, #tpu.memory_space<hbm>>
    tpu.enqueue_indirect_dma source(%dma_start3A_678 : memref<1015808x64xf32, #tpu.memory_space<hbm>>) target(%arg8 : memref<512x64xf32, #tpu.memory_space<vmem>>) offsets(%dma_start3A_675 : memref<512xi32, #tpu.memory_space<vmem>>) semaphore(%arg11 : memref<!tpu.dma_semaphore, #tpu.memory_space<semaphore_mem>>)
    %dma_wait3A_679 = arith.constant 10 : i32
    %dma_wait3A_680 = arith.constant 0 : i32
    %dma_wait3A_681 = tpu.memref_slice %arg5[%dma_wait3A_679, %dma_wait3A_680] : memref<26x512xi32, #tpu.memory_space<vmem>> -> memref<1x512xi32, #tpu.memory_space<vmem>>
    %dma_wait3A_682 = tpu.memref_squeeze %dma_wait3A_681 : memref<1x512xi32, #tpu.memory_space<vmem>> -> memref<512xi32, #tpu.memory_space<vmem>>
    %dma_wait3A_683 = arith.constant 0 : i32
    %dma_wait3A_684 = arith.constant 0 : i32
    %dma_wait3A_685 = tpu.memref_slice %arg3[%dma_wait3A_683, %dma_wait3A_684] : memref<1015808x64xf32, #tpu.memory_space<hbm>> -> memref<1015808x64xf32, #tpu.memory_space<hbm>>
    tpu.wait_indirect_dma semaphore(%arg10 : memref<!tpu.dma_semaphore, #tpu.memory_space<semaphore_mem>>) src(%dma_wait3A_685 : memref<1015808x64xf32, #tpu.memory_space<hbm>>) dst(%arg7 : memref<512x64xf32, #tpu.memory_space<vmem>>)
    %add3A_686 = arith.constant 5120 : i32
    %add3A_687 = arith.addi %mul3A_2, %add3A_686 : i32
    %jit3A_688 = arith.constant 16384 : i32
    %div3A_689 = arith.divsi %add3A_687, %jit3A_688 : i32
    %sign3A_690 = arith.constant 0 : i32
    %sign3A_691 = arith.cmpi sgt, %add3A_687, %sign3A_690 : i32
    %sign3A_692 = arith.extui %sign3A_691 : i1 to i32
    %sign3A_693 = arith.constant 0 : i32
    %sign3A_694 = arith.cmpi slt, %add3A_687, %sign3A_693 : i32
    %sign3A_695 = arith.extui %sign3A_694 : i1 to i32
    %sign3A_696 = arith.subi %sign3A_692, %sign3A_695 : i32
    %sign3A_697 = arith.constant 0 : i32
    %sign3A_698 = arith.cmpi sgt, %jit3A_688, %sign3A_697 : i32
    %sign3A_699 = arith.extui %sign3A_698 : i1 to i32
    %sign3A_700 = arith.constant 0 : i32
    %sign3A_701 = arith.cmpi slt, %jit3A_688, %sign3A_700 : i32
    %sign3A_702 = arith.extui %sign3A_701 : i1 to i32
    %sign3A_703 = arith.subi %sign3A_699, %sign3A_702 : i32
    %ne3A_704 = arith.cmpi ne, %sign3A_696, %sign3A_703 : i32
    %rem3A_705 = arith.remsi %add3A_687, %jit3A_688 : i32
    %ne3A_706 = arith.constant 0 : i32
    %ne3A_707 = arith.cmpi ne, %rem3A_705, %ne3A_706 : i32
    %and3A_708 = arith.andi %ne3A_704, %ne3A_707 : i1
    %sub3A_709 = arith.constant 1 : i32
    %sub3A_710 = arith.subi %div3A_689, %sub3A_709 : i32
    %select_n3A_711 = arith.select %and3A_708, %sub3A_710, %div3A_689 : i32
    %jit3A_712 = arith.constant 16384 : i32
    %eq3A_713 = arith.constant 0 : i32
    %eq3A_714 = arith.cmpi eq, %jit3A_712, %eq3A_713 : i32
    %jit3A_715 = arith.constant 1 : i32
    %select_n3A_716 = arith.select %eq3A_714, %jit3A_715, %jit3A_712 : i32
    %rem3A_717 = arith.remsi %add3A_687, %select_n3A_716 : i32
    %ne3A_718 = arith.constant 0 : i32
    %ne3A_719 = arith.cmpi ne, %rem3A_717, %ne3A_718 : i32
    %lt3A_720 = arith.constant 0 : i32
    %lt3A_721 = arith.cmpi slt, %rem3A_717, %lt3A_720 : i32
    %lt3A_722 = arith.constant 0 : i32
    %lt3A_723 = arith.cmpi slt, %select_n3A_716, %lt3A_722 : i32
    %ne3A_724 = arith.xori %lt3A_721, %lt3A_723 : i1
    %and3A_725 = arith.andi %ne3A_724, %ne3A_719 : i1
    %add3A_726 = arith.addi %rem3A_717, %select_n3A_716 : i32
    %select_n3A_727 = arith.select %and3A_725, %add3A_726, %rem3A_717 : i32
    %dma_start3A_728 = arith.constant 0 : i32
    %dma_start3A_729 = tpu.memref_slice %arg4[%select_n3A_711, %select_n3A_727, %dma_start3A_728] : memref<26x16384x64xf32, #tpu.memory_space<hbm>> -> memref<1x512x64xf32, #tpu.memory_space<hbm>>
    %dma_start3A_730 = tpu.memref_squeeze %dma_start3A_729 : memref<1x512x64xf32, #tpu.memory_space<hbm>> -> memref<512x64xf32, #tpu.memory_space<hbm>>
    %dma_start3A_731 = arith.constant 0 : i32
    %dma_start3A_732 = tpu.memref_slice %arg4[%select_n3A_711, %select_n3A_727, %dma_start3A_731] : memref<26x16384x64xf32, #tpu.memory_space<hbm>> -> memref<1x512x64xf32, #tpu.memory_space<hbm>>
    %dma_start3A_733 = tpu.memref_squeeze %dma_start3A_732 : memref<1x512x64xf32, #tpu.memory_space<hbm>> -> memref<512x64xf32, #tpu.memory_space<hbm>>
    tpu.enqueue_dma source(%arg7 : memref<512x64xf32, #tpu.memory_space<vmem>>) target(%dma_start3A_733 : memref<512x64xf32, #tpu.memory_space<hbm>>) target_semaphore(%arg13 : memref<!tpu.dma_semaphore, #tpu.memory_space<semaphore_mem>>)
    %dma_wait3A_734 = arith.constant 0 : i32
    %dma_wait3A_735 = tpu.memref_slice %arg4[%select_n3A_643, %select_n3A_659, %dma_wait3A_734] : memref<26x16384x64xf32, #tpu.memory_space<hbm>> -> memref<1x512x64xf32, #tpu.memory_space<hbm>>
    %dma_wait3A_736 = tpu.memref_squeeze %dma_wait3A_735 : memref<1x512x64xf32, #tpu.memory_space<hbm>> -> memref<512x64xf32, #tpu.memory_space<hbm>>
    %dma_wait3A_737 = arith.constant 0 : i32
    %dma_wait3A_738 = tpu.memref_slice %arg4[%select_n3A_643, %select_n3A_659, %dma_wait3A_737] : memref<26x16384x64xf32, #tpu.memory_space<hbm>> -> memref<1x512x64xf32, #tpu.memory_space<hbm>>
    %dma_wait3A_739 = tpu.memref_squeeze %dma_wait3A_738 : memref<1x512x64xf32, #tpu.memory_space<hbm>> -> memref<512x64xf32, #tpu.memory_space<hbm>>
    tpu.wait_dma2 semaphore(%arg12 : memref<!tpu.dma_semaphore, #tpu.memory_space<semaphore_mem>>) src(%arg6 : memref<512x64xf32, #tpu.memory_space<vmem>>) dst(%dma_wait3A_739 : memref<512x64xf32, #tpu.memory_space<hbm>>)
    %dma_start3A_740 = arith.constant 12 : i32
    %dma_start3A_741 = arith.constant 0 : i32
    %dma_start3A_742 = tpu.memref_slice %arg5[%dma_start3A_740, %dma_start3A_741] : memref<26x512xi32, #tpu.memory_space<vmem>> -> memref<1x512xi32, #tpu.memory_space<vmem>>
    %dma_start3A_743 = tpu.memref_squeeze %dma_start3A_742 : memref<1x512xi32, #tpu.memory_space<vmem>> -> memref<512xi32, #tpu.memory_space<vmem>>
    %dma_start3A_744 = arith.constant 0 : i32
    %dma_start3A_745 = arith.constant 0 : i32
    %dma_start3A_746 = tpu.memref_slice %arg3[%dma_start3A_744, %dma_start3A_745] : memref<1015808x64xf32, #tpu.memory_space<hbm>> -> memref<1015808x64xf32, #tpu.memory_space<hbm>>
    tpu.enqueue_indirect_dma source(%dma_start3A_746 : memref<1015808x64xf32, #tpu.memory_space<hbm>>) target(%arg6 : memref<512x64xf32, #tpu.memory_space<vmem>>) offsets(%dma_start3A_743 : memref<512xi32, #tpu.memory_space<vmem>>) semaphore(%arg9 : memref<!tpu.dma_semaphore, #tpu.memory_space<semaphore_mem>>)
    %dma_wait3A_747 = arith.constant 11 : i32
    %dma_wait3A_748 = arith.constant 0 : i32
    %dma_wait3A_749 = tpu.memref_slice %arg5[%dma_wait3A_747, %dma_wait3A_748] : memref<26x512xi32, #tpu.memory_space<vmem>> -> memref<1x512xi32, #tpu.memory_space<vmem>>
    %dma_wait3A_750 = tpu.memref_squeeze %dma_wait3A_749 : memref<1x512xi32, #tpu.memory_space<vmem>> -> memref<512xi32, #tpu.memory_space<vmem>>
    %dma_wait3A_751 = arith.constant 0 : i32
    %dma_wait3A_752 = arith.constant 0 : i32
    %dma_wait3A_753 = tpu.memref_slice %arg3[%dma_wait3A_751, %dma_wait3A_752] : memref<1015808x64xf32, #tpu.memory_space<hbm>> -> memref<1015808x64xf32, #tpu.memory_space<hbm>>
    tpu.wait_indirect_dma semaphore(%arg11 : memref<!tpu.dma_semaphore, #tpu.memory_space<semaphore_mem>>) src(%dma_wait3A_753 : memref<1015808x64xf32, #tpu.memory_space<hbm>>) dst(%arg8 : memref<512x64xf32, #tpu.memory_space<vmem>>)
    %add3A_754 = arith.constant 5632 : i32
    %add3A_755 = arith.addi %mul3A_2, %add3A_754 : i32
    %jit3A_756 = arith.constant 16384 : i32
    %div3A_757 = arith.divsi %add3A_755, %jit3A_756 : i32
    %sign3A_758 = arith.constant 0 : i32
    %sign3A_759 = arith.cmpi sgt, %add3A_755, %sign3A_758 : i32
    %sign3A_760 = arith.extui %sign3A_759 : i1 to i32
    %sign3A_761 = arith.constant 0 : i32
    %sign3A_762 = arith.cmpi slt, %add3A_755, %sign3A_761 : i32
    %sign3A_763 = arith.extui %sign3A_762 : i1 to i32
    %sign3A_764 = arith.subi %sign3A_760, %sign3A_763 : i32
    %sign3A_765 = arith.constant 0 : i32
    %sign3A_766 = arith.cmpi sgt, %jit3A_756, %sign3A_765 : i32
    %sign3A_767 = arith.extui %sign3A_766 : i1 to i32
    %sign3A_768 = arith.constant 0 : i32
    %sign3A_769 = arith.cmpi slt, %jit3A_756, %sign3A_768 : i32
    %sign3A_770 = arith.extui %sign3A_769 : i1 to i32
    %sign3A_771 = arith.subi %sign3A_767, %sign3A_770 : i32
    %ne3A_772 = arith.cmpi ne, %sign3A_764, %sign3A_771 : i32
    %rem3A_773 = arith.remsi %add3A_755, %jit3A_756 : i32
    %ne3A_774 = arith.constant 0 : i32
    %ne3A_775 = arith.cmpi ne, %rem3A_773, %ne3A_774 : i32
    %and3A_776 = arith.andi %ne3A_772, %ne3A_775 : i1
    %sub3A_777 = arith.constant 1 : i32
    %sub3A_778 = arith.subi %div3A_757, %sub3A_777 : i32
    %select_n3A_779 = arith.select %and3A_776, %sub3A_778, %div3A_757 : i32
    %jit3A_780 = arith.constant 16384 : i32
    %eq3A_781 = arith.constant 0 : i32
    %eq3A_782 = arith.cmpi eq, %jit3A_780, %eq3A_781 : i32
    %jit3A_783 = arith.constant 1 : i32
    %select_n3A_784 = arith.select %eq3A_782, %jit3A_783, %jit3A_780 : i32
    %rem3A_785 = arith.remsi %add3A_755, %select_n3A_784 : i32
    %ne3A_786 = arith.constant 0 : i32
    %ne3A_787 = arith.cmpi ne, %rem3A_785, %ne3A_786 : i32
    %lt3A_788 = arith.constant 0 : i32
    %lt3A_789 = arith.cmpi slt, %rem3A_785, %lt3A_788 : i32
    %lt3A_790 = arith.constant 0 : i32
    %lt3A_791 = arith.cmpi slt, %select_n3A_784, %lt3A_790 : i32
    %ne3A_792 = arith.xori %lt3A_789, %lt3A_791 : i1
    %and3A_793 = arith.andi %ne3A_792, %ne3A_787 : i1
    %add3A_794 = arith.addi %rem3A_785, %select_n3A_784 : i32
    %select_n3A_795 = arith.select %and3A_793, %add3A_794, %rem3A_785 : i32
    %dma_start3A_796 = arith.constant 0 : i32
    %dma_start3A_797 = tpu.memref_slice %arg4[%select_n3A_779, %select_n3A_795, %dma_start3A_796] : memref<26x16384x64xf32, #tpu.memory_space<hbm>> -> memref<1x512x64xf32, #tpu.memory_space<hbm>>
    %dma_start3A_798 = tpu.memref_squeeze %dma_start3A_797 : memref<1x512x64xf32, #tpu.memory_space<hbm>> -> memref<512x64xf32, #tpu.memory_space<hbm>>
    %dma_start3A_799 = arith.constant 0 : i32
    %dma_start3A_800 = tpu.memref_slice %arg4[%select_n3A_779, %select_n3A_795, %dma_start3A_799] : memref<26x16384x64xf32, #tpu.memory_space<hbm>> -> memref<1x512x64xf32, #tpu.memory_space<hbm>>
    %dma_start3A_801 = tpu.memref_squeeze %dma_start3A_800 : memref<1x512x64xf32, #tpu.memory_space<hbm>> -> memref<512x64xf32, #tpu.memory_space<hbm>>
    tpu.enqueue_dma source(%arg8 : memref<512x64xf32, #tpu.memory_space<vmem>>) target(%dma_start3A_801 : memref<512x64xf32, #tpu.memory_space<hbm>>) target_semaphore(%arg14 : memref<!tpu.dma_semaphore, #tpu.memory_space<semaphore_mem>>)
    %dma_wait3A_802 = arith.constant 0 : i32
    %dma_wait3A_803 = tpu.memref_slice %arg4[%select_n3A_711, %select_n3A_727, %dma_wait3A_802] : memref<26x16384x64xf32, #tpu.memory_space<hbm>> -> memref<1x512x64xf32, #tpu.memory_space<hbm>>
    %dma_wait3A_804 = tpu.memref_squeeze %dma_wait3A_803 : memref<1x512x64xf32, #tpu.memory_space<hbm>> -> memref<512x64xf32, #tpu.memory_space<hbm>>
    %dma_wait3A_805 = arith.constant 0 : i32
    %dma_wait3A_806 = tpu.memref_slice %arg4[%select_n3A_711, %select_n3A_727, %dma_wait3A_805] : memref<26x16384x64xf32, #tpu.memory_space<hbm>> -> memref<1x512x64xf32, #tpu.memory_space<hbm>>
    %dma_wait3A_807 = tpu.memref_squeeze %dma_wait3A_806 : memref<1x512x64xf32, #tpu.memory_space<hbm>> -> memref<512x64xf32, #tpu.memory_space<hbm>>
    tpu.wait_dma2 semaphore(%arg13 : memref<!tpu.dma_semaphore, #tpu.memory_space<semaphore_mem>>) src(%arg7 : memref<512x64xf32, #tpu.memory_space<vmem>>) dst(%dma_wait3A_807 : memref<512x64xf32, #tpu.memory_space<hbm>>)
    %dma_start3A_808 = arith.constant 13 : i32
    %dma_start3A_809 = arith.constant 0 : i32
    %dma_start3A_810 = tpu.memref_slice %arg5[%dma_start3A_808, %dma_start3A_809] : memref<26x512xi32, #tpu.memory_space<vmem>> -> memref<1x512xi32, #tpu.memory_space<vmem>>
    %dma_start3A_811 = tpu.memref_squeeze %dma_start3A_810 : memref<1x512xi32, #tpu.memory_space<vmem>> -> memref<512xi32, #tpu.memory_space<vmem>>
    %dma_start3A_812 = arith.constant 0 : i32
    %dma_start3A_813 = arith.constant 0 : i32
    %dma_start3A_814 = tpu.memref_slice %arg3[%dma_start3A_812, %dma_start3A_813] : memref<1015808x64xf32, #tpu.memory_space<hbm>> -> memref<1015808x64xf32, #tpu.memory_space<hbm>>
    tpu.enqueue_indirect_dma source(%dma_start3A_814 : memref<1015808x64xf32, #tpu.memory_space<hbm>>) target(%arg7 : memref<512x64xf32, #tpu.memory_space<vmem>>) offsets(%dma_start3A_811 : memref<512xi32, #tpu.memory_space<vmem>>) semaphore(%arg10 : memref<!tpu.dma_semaphore, #tpu.memory_space<semaphore_mem>>)
    %dma_wait3A_815 = arith.constant 12 : i32
    %dma_wait3A_816 = arith.constant 0 : i32
    %dma_wait3A_817 = tpu.memref_slice %arg5[%dma_wait3A_815, %dma_wait3A_816] : memref<26x512xi32, #tpu.memory_space<vmem>> -> memref<1x512xi32, #tpu.memory_space<vmem>>
    %dma_wait3A_818 = tpu.memref_squeeze %dma_wait3A_817 : memref<1x512xi32, #tpu.memory_space<vmem>> -> memref<512xi32, #tpu.memory_space<vmem>>
    %dma_wait3A_819 = arith.constant 0 : i32
    %dma_wait3A_820 = arith.constant 0 : i32
    %dma_wait3A_821 = tpu.memref_slice %arg3[%dma_wait3A_819, %dma_wait3A_820] : memref<1015808x64xf32, #tpu.memory_space<hbm>> -> memref<1015808x64xf32, #tpu.memory_space<hbm>>
    tpu.wait_indirect_dma semaphore(%arg9 : memref<!tpu.dma_semaphore, #tpu.memory_space<semaphore_mem>>) src(%dma_wait3A_821 : memref<1015808x64xf32, #tpu.memory_space<hbm>>) dst(%arg6 : memref<512x64xf32, #tpu.memory_space<vmem>>)
    %add3A_822 = arith.constant 6144 : i32
    %add3A_823 = arith.addi %mul3A_2, %add3A_822 : i32
    %jit3A_824 = arith.constant 16384 : i32
    %div3A_825 = arith.divsi %add3A_823, %jit3A_824 : i32
    %sign3A_826 = arith.constant 0 : i32
    %sign3A_827 = arith.cmpi sgt, %add3A_823, %sign3A_826 : i32
    %sign3A_828 = arith.extui %sign3A_827 : i1 to i32
    %sign3A_829 = arith.constant 0 : i32
    %sign3A_830 = arith.cmpi slt, %add3A_823, %sign3A_829 : i32
    %sign3A_831 = arith.extui %sign3A_830 : i1 to i32
    %sign3A_832 = arith.subi %sign3A_828, %sign3A_831 : i32
    %sign3A_833 = arith.constant 0 : i32
    %sign3A_834 = arith.cmpi sgt, %jit3A_824, %sign3A_833 : i32
    %sign3A_835 = arith.extui %sign3A_834 : i1 to i32
    %sign3A_836 = arith.constant 0 : i32
    %sign3A_837 = arith.cmpi slt, %jit3A_824, %sign3A_836 : i32
    %sign3A_838 = arith.extui %sign3A_837 : i1 to i32
    %sign3A_839 = arith.subi %sign3A_835, %sign3A_838 : i32
    %ne3A_840 = arith.cmpi ne, %sign3A_832, %sign3A_839 : i32
    %rem3A_841 = arith.remsi %add3A_823, %jit3A_824 : i32
    %ne3A_842 = arith.constant 0 : i32
    %ne3A_843 = arith.cmpi ne, %rem3A_841, %ne3A_842 : i32
    %and3A_844 = arith.andi %ne3A_840, %ne3A_843 : i1
    %sub3A_845 = arith.constant 1 : i32
    %sub3A_846 = arith.subi %div3A_825, %sub3A_845 : i32
    %select_n3A_847 = arith.select %and3A_844, %sub3A_846, %div3A_825 : i32
    %jit3A_848 = arith.constant 16384 : i32
    %eq3A_849 = arith.constant 0 : i32
    %eq3A_850 = arith.cmpi eq, %jit3A_848, %eq3A_849 : i32
    %jit3A_851 = arith.constant 1 : i32
    %select_n3A_852 = arith.select %eq3A_850, %jit3A_851, %jit3A_848 : i32
    %rem3A_853 = arith.remsi %add3A_823, %select_n3A_852 : i32
    %ne3A_854 = arith.constant 0 : i32
    %ne3A_855 = arith.cmpi ne, %rem3A_853, %ne3A_854 : i32
    %lt3A_856 = arith.constant 0 : i32
    %lt3A_857 = arith.cmpi slt, %rem3A_853, %lt3A_856 : i32
    %lt3A_858 = arith.constant 0 : i32
    %lt3A_859 = arith.cmpi slt, %select_n3A_852, %lt3A_858 : i32
    %ne3A_860 = arith.xori %lt3A_857, %lt3A_859 : i1
    %and3A_861 = arith.andi %ne3A_860, %ne3A_855 : i1
    %add3A_862 = arith.addi %rem3A_853, %select_n3A_852 : i32
    %select_n3A_863 = arith.select %and3A_861, %add3A_862, %rem3A_853 : i32
    %dma_start3A_864 = arith.constant 0 : i32
    %dma_start3A_865 = tpu.memref_slice %arg4[%select_n3A_847, %select_n3A_863, %dma_start3A_864] : memref<26x16384x64xf32, #tpu.memory_space<hbm>> -> memref<1x512x64xf32, #tpu.memory_space<hbm>>
    %dma_start3A_866 = tpu.memref_squeeze %dma_start3A_865 : memref<1x512x64xf32, #tpu.memory_space<hbm>> -> memref<512x64xf32, #tpu.memory_space<hbm>>
    %dma_start3A_867 = arith.constant 0 : i32
    %dma_start3A_868 = tpu.memref_slice %arg4[%select_n3A_847, %select_n3A_863, %dma_start3A_867] : memref<26x16384x64xf32, #tpu.memory_space<hbm>> -> memref<1x512x64xf32, #tpu.memory_space<hbm>>
    %dma_start3A_869 = tpu.memref_squeeze %dma_start3A_868 : memref<1x512x64xf32, #tpu.memory_space<hbm>> -> memref<512x64xf32, #tpu.memory_space<hbm>>
    tpu.enqueue_dma source(%arg6 : memref<512x64xf32, #tpu.memory_space<vmem>>) target(%dma_start3A_869 : memref<512x64xf32, #tpu.memory_space<hbm>>) target_semaphore(%arg12 : memref<!tpu.dma_semaphore, #tpu.memory_space<semaphore_mem>>)
    %dma_wait3A_870 = arith.constant 0 : i32
    %dma_wait3A_871 = tpu.memref_slice %arg4[%select_n3A_779, %select_n3A_795, %dma_wait3A_870] : memref<26x16384x64xf32, #tpu.memory_space<hbm>> -> memref<1x512x64xf32, #tpu.memory_space<hbm>>
    %dma_wait3A_872 = tpu.memref_squeeze %dma_wait3A_871 : memref<1x512x64xf32, #tpu.memory_space<hbm>> -> memref<512x64xf32, #tpu.memory_space<hbm>>
    %dma_wait3A_873 = arith.constant 0 : i32
    %dma_wait3A_874 = tpu.memref_slice %arg4[%select_n3A_779, %select_n3A_795, %dma_wait3A_873] : memref<26x16384x64xf32, #tpu.memory_space<hbm>> -> memref<1x512x64xf32, #tpu.memory_space<hbm>>
    %dma_wait3A_875 = tpu.memref_squeeze %dma_wait3A_874 : memref<1x512x64xf32, #tpu.memory_space<hbm>> -> memref<512x64xf32, #tpu.memory_space<hbm>>
    tpu.wait_dma2 semaphore(%arg14 : memref<!tpu.dma_semaphore, #tpu.memory_space<semaphore_mem>>) src(%arg8 : memref<512x64xf32, #tpu.memory_space<vmem>>) dst(%dma_wait3A_875 : memref<512x64xf32, #tpu.memory_space<hbm>>)
    %dma_start3A_876 = arith.constant 14 : i32
    %dma_start3A_877 = arith.constant 0 : i32
    %dma_start3A_878 = tpu.memref_slice %arg5[%dma_start3A_876, %dma_start3A_877] : memref<26x512xi32, #tpu.memory_space<vmem>> -> memref<1x512xi32, #tpu.memory_space<vmem>>
    %dma_start3A_879 = tpu.memref_squeeze %dma_start3A_878 : memref<1x512xi32, #tpu.memory_space<vmem>> -> memref<512xi32, #tpu.memory_space<vmem>>
    %dma_start3A_880 = arith.constant 0 : i32
    %dma_start3A_881 = arith.constant 0 : i32
    %dma_start3A_882 = tpu.memref_slice %arg3[%dma_start3A_880, %dma_start3A_881] : memref<1015808x64xf32, #tpu.memory_space<hbm>> -> memref<1015808x64xf32, #tpu.memory_space<hbm>>
    tpu.enqueue_indirect_dma source(%dma_start3A_882 : memref<1015808x64xf32, #tpu.memory_space<hbm>>) target(%arg8 : memref<512x64xf32, #tpu.memory_space<vmem>>) offsets(%dma_start3A_879 : memref<512xi32, #tpu.memory_space<vmem>>) semaphore(%arg11 : memref<!tpu.dma_semaphore, #tpu.memory_space<semaphore_mem>>)
    %dma_wait3A_883 = arith.constant 13 : i32
    %dma_wait3A_884 = arith.constant 0 : i32
    %dma_wait3A_885 = tpu.memref_slice %arg5[%dma_wait3A_883, %dma_wait3A_884] : memref<26x512xi32, #tpu.memory_space<vmem>> -> memref<1x512xi32, #tpu.memory_space<vmem>>
    %dma_wait3A_886 = tpu.memref_squeeze %dma_wait3A_885 : memref<1x512xi32, #tpu.memory_space<vmem>> -> memref<512xi32, #tpu.memory_space<vmem>>
    %dma_wait3A_887 = arith.constant 0 : i32
    %dma_wait3A_888 = arith.constant 0 : i32
    %dma_wait3A_889 = tpu.memref_slice %arg3[%dma_wait3A_887, %dma_wait3A_888] : memref<1015808x64xf32, #tpu.memory_space<hbm>> -> memref<1015808x64xf32, #tpu.memory_space<hbm>>
    tpu.wait_indirect_dma semaphore(%arg10 : memref<!tpu.dma_semaphore, #tpu.memory_space<semaphore_mem>>) src(%dma_wait3A_889 : memref<1015808x64xf32, #tpu.memory_space<hbm>>) dst(%arg7 : memref<512x64xf32, #tpu.memory_space<vmem>>)
    %add3A_890 = arith.constant 6656 : i32
    %add3A_891 = arith.addi %mul3A_2, %add3A_890 : i32
    %jit3A_892 = arith.constant 16384 : i32
    %div3A_893 = arith.divsi %add3A_891, %jit3A_892 : i32
    %sign3A_894 = arith.constant 0 : i32
    %sign3A_895 = arith.cmpi sgt, %add3A_891, %sign3A_894 : i32
    %sign3A_896 = arith.extui %sign3A_895 : i1 to i32
    %sign3A_897 = arith.constant 0 : i32
    %sign3A_898 = arith.cmpi slt, %add3A_891, %sign3A_897 : i32
    %sign3A_899 = arith.extui %sign3A_898 : i1 to i32
    %sign3A_900 = arith.subi %sign3A_896, %sign3A_899 : i32
    %sign3A_901 = arith.constant 0 : i32
    %sign3A_902 = arith.cmpi sgt, %jit3A_892, %sign3A_901 : i32
    %sign3A_903 = arith.extui %sign3A_902 : i1 to i32
    %sign3A_904 = arith.constant 0 : i32
    %sign3A_905 = arith.cmpi slt, %jit3A_892, %sign3A_904 : i32
    %sign3A_906 = arith.extui %sign3A_905 : i1 to i32
    %sign3A_907 = arith.subi %sign3A_903, %sign3A_906 : i32
    %ne3A_908 = arith.cmpi ne, %sign3A_900, %sign3A_907 : i32
    %rem3A_909 = arith.remsi %add3A_891, %jit3A_892 : i32
    %ne3A_910 = arith.constant 0 : i32
    %ne3A_911 = arith.cmpi ne, %rem3A_909, %ne3A_910 : i32
    %and3A_912 = arith.andi %ne3A_908, %ne3A_911 : i1
    %sub3A_913 = arith.constant 1 : i32
    %sub3A_914 = arith.subi %div3A_893, %sub3A_913 : i32
    %select_n3A_915 = arith.select %and3A_912, %sub3A_914, %div3A_893 : i32
    %jit3A_916 = arith.constant 16384 : i32
    %eq3A_917 = arith.constant 0 : i32
    %eq3A_918 = arith.cmpi eq, %jit3A_916, %eq3A_917 : i32
    %jit3A_919 = arith.constant 1 : i32
    %select_n3A_920 = arith.select %eq3A_918, %jit3A_919, %jit3A_916 : i32
    %rem3A_921 = arith.remsi %add3A_891, %select_n3A_920 : i32
    %ne3A_922 = arith.constant 0 : i32
    %ne3A_923 = arith.cmpi ne, %rem3A_921, %ne3A_922 : i32
    %lt3A_924 = arith.constant 0 : i32
    %lt3A_925 = arith.cmpi slt, %rem3A_921, %lt3A_924 : i32
    %lt3A_926 = arith.constant 0 : i32
    %lt3A_927 = arith.cmpi slt, %select_n3A_920, %lt3A_926 : i32
    %ne3A_928 = arith.xori %lt3A_925, %lt3A_927 : i1
    %and3A_929 = arith.andi %ne3A_928, %ne3A_923 : i1
    %add3A_930 = arith.addi %rem3A_921, %select_n3A_920 : i32
    %select_n3A_931 = arith.select %and3A_929, %add3A_930, %rem3A_921 : i32
    %dma_start3A_932 = arith.constant 0 : i32
    %dma_start3A_933 = tpu.memref_slice %arg4[%select_n3A_915, %select_n3A_931, %dma_start3A_932] : memref<26x16384x64xf32, #tpu.memory_space<hbm>> -> memref<1x512x64xf32, #tpu.memory_space<hbm>>
    %dma_start3A_934 = tpu.memref_squeeze %dma_start3A_933 : memref<1x512x64xf32, #tpu.memory_space<hbm>> -> memref<512x64xf32, #tpu.memory_space<hbm>>
    %dma_start3A_935 = arith.constant 0 : i32
    %dma_start3A_936 = tpu.memref_slice %arg4[%select_n3A_915, %select_n3A_931, %dma_start3A_935] : memref<26x16384x64xf32, #tpu.memory_space<hbm>> -> memref<1x512x64xf32, #tpu.memory_space<hbm>>
    %dma_start3A_937 = tpu.memref_squeeze %dma_start3A_936 : memref<1x512x64xf32, #tpu.memory_space<hbm>> -> memref<512x64xf32, #tpu.memory_space<hbm>>
    tpu.enqueue_dma source(%arg7 : memref<512x64xf32, #tpu.memory_space<vmem>>) target(%dma_start3A_937 : memref<512x64xf32, #tpu.memory_space<hbm>>) target_semaphore(%arg13 : memref<!tpu.dma_semaphore, #tpu.memory_space<semaphore_mem>>)
    %dma_wait3A_938 = arith.constant 0 : i32
    %dma_wait3A_939 = tpu.memref_slice %arg4[%select_n3A_847, %select_n3A_863, %dma_wait3A_938] : memref<26x16384x64xf32, #tpu.memory_space<hbm>> -> memref<1x512x64xf32, #tpu.memory_space<hbm>>
    %dma_wait3A_940 = tpu.memref_squeeze %dma_wait3A_939 : memref<1x512x64xf32, #tpu.memory_space<hbm>> -> memref<512x64xf32, #tpu.memory_space<hbm>>
    %dma_wait3A_941 = arith.constant 0 : i32
    %dma_wait3A_942 = tpu.memref_slice %arg4[%select_n3A_847, %select_n3A_863, %dma_wait3A_941] : memref<26x16384x64xf32, #tpu.memory_space<hbm>> -> memref<1x512x64xf32, #tpu.memory_space<hbm>>
    %dma_wait3A_943 = tpu.memref_squeeze %dma_wait3A_942 : memref<1x512x64xf32, #tpu.memory_space<hbm>> -> memref<512x64xf32, #tpu.memory_space<hbm>>
    tpu.wait_dma2 semaphore(%arg12 : memref<!tpu.dma_semaphore, #tpu.memory_space<semaphore_mem>>) src(%arg6 : memref<512x64xf32, #tpu.memory_space<vmem>>) dst(%dma_wait3A_943 : memref<512x64xf32, #tpu.memory_space<hbm>>)
    %dma_start3A_944 = arith.constant 15 : i32
    %dma_start3A_945 = arith.constant 0 : i32
    %dma_start3A_946 = tpu.memref_slice %arg5[%dma_start3A_944, %dma_start3A_945] : memref<26x512xi32, #tpu.memory_space<vmem>> -> memref<1x512xi32, #tpu.memory_space<vmem>>
    %dma_start3A_947 = tpu.memref_squeeze %dma_start3A_946 : memref<1x512xi32, #tpu.memory_space<vmem>> -> memref<512xi32, #tpu.memory_space<vmem>>
    %dma_start3A_948 = arith.constant 0 : i32
    %dma_start3A_949 = arith.constant 0 : i32
    %dma_start3A_950 = tpu.memref_slice %arg3[%dma_start3A_948, %dma_start3A_949] : memref<1015808x64xf32, #tpu.memory_space<hbm>> -> memref<1015808x64xf32, #tpu.memory_space<hbm>>
    tpu.enqueue_indirect_dma source(%dma_start3A_950 : memref<1015808x64xf32, #tpu.memory_space<hbm>>) target(%arg6 : memref<512x64xf32, #tpu.memory_space<vmem>>) offsets(%dma_start3A_947 : memref<512xi32, #tpu.memory_space<vmem>>) semaphore(%arg9 : memref<!tpu.dma_semaphore, #tpu.memory_space<semaphore_mem>>)
    %dma_wait3A_951 = arith.constant 14 : i32
    %dma_wait3A_952 = arith.constant 0 : i32
    %dma_wait3A_953 = tpu.memref_slice %arg5[%dma_wait3A_951, %dma_wait3A_952] : memref<26x512xi32, #tpu.memory_space<vmem>> -> memref<1x512xi32, #tpu.memory_space<vmem>>
    %dma_wait3A_954 = tpu.memref_squeeze %dma_wait3A_953 : memref<1x512xi32, #tpu.memory_space<vmem>> -> memref<512xi32, #tpu.memory_space<vmem>>
    %dma_wait3A_955 = arith.constant 0 : i32
    %dma_wait3A_956 = arith.constant 0 : i32
    %dma_wait3A_957 = tpu.memref_slice %arg3[%dma_wait3A_955, %dma_wait3A_956] : memref<1015808x64xf32, #tpu.memory_space<hbm>> -> memref<1015808x64xf32, #tpu.memory_space<hbm>>
    tpu.wait_indirect_dma semaphore(%arg11 : memref<!tpu.dma_semaphore, #tpu.memory_space<semaphore_mem>>) src(%dma_wait3A_957 : memref<1015808x64xf32, #tpu.memory_space<hbm>>) dst(%arg8 : memref<512x64xf32, #tpu.memory_space<vmem>>)
    %add3A_958 = arith.constant 7168 : i32
    %add3A_959 = arith.addi %mul3A_2, %add3A_958 : i32
    %jit3A_960 = arith.constant 16384 : i32
    %div3A_961 = arith.divsi %add3A_959, %jit3A_960 : i32
    %sign3A_962 = arith.constant 0 : i32
    %sign3A_963 = arith.cmpi sgt, %add3A_959, %sign3A_962 : i32
    %sign3A_964 = arith.extui %sign3A_963 : i1 to i32
    %sign3A_965 = arith.constant 0 : i32
    %sign3A_966 = arith.cmpi slt, %add3A_959, %sign3A_965 : i32
    %sign3A_967 = arith.extui %sign3A_966 : i1 to i32
    %sign3A_968 = arith.subi %sign3A_964, %sign3A_967 : i32
    %sign3A_969 = arith.constant 0 : i32
    %sign3A_970 = arith.cmpi sgt, %jit3A_960, %sign3A_969 : i32
    %sign3A_971 = arith.extui %sign3A_970 : i1 to i32
    %sign3A_972 = arith.constant 0 : i32
    %sign3A_973 = arith.cmpi slt, %jit3A_960, %sign3A_972 : i32
    %sign3A_974 = arith.extui %sign3A_973 : i1 to i32
    %sign3A_975 = arith.subi %sign3A_971, %sign3A_974 : i32
    %ne3A_976 = arith.cmpi ne, %sign3A_968, %sign3A_975 : i32
    %rem3A_977 = arith.remsi %add3A_959, %jit3A_960 : i32
    %ne3A_978 = arith.constant 0 : i32
    %ne3A_979 = arith.cmpi ne, %rem3A_977, %ne3A_978 : i32
    %and3A_980 = arith.andi %ne3A_976, %ne3A_979 : i1
    %sub3A_981 = arith.constant 1 : i32
    %sub3A_982 = arith.subi %div3A_961, %sub3A_981 : i32
    %select_n3A_983 = arith.select %and3A_980, %sub3A_982, %div3A_961 : i32
    %jit3A_984 = arith.constant 16384 : i32
    %eq3A_985 = arith.constant 0 : i32
    %eq3A_986 = arith.cmpi eq, %jit3A_984, %eq3A_985 : i32
    %jit3A_987 = arith.constant 1 : i32
    %select_n3A_988 = arith.select %eq3A_986, %jit3A_987, %jit3A_984 : i32
    %rem3A_989 = arith.remsi %add3A_959, %select_n3A_988 : i32
    %ne3A_990 = arith.constant 0 : i32
    %ne3A_991 = arith.cmpi ne, %rem3A_989, %ne3A_990 : i32
    %lt3A_992 = arith.constant 0 : i32
    %lt3A_993 = arith.cmpi slt, %rem3A_989, %lt3A_992 : i32
    %lt3A_994 = arith.constant 0 : i32
    %lt3A_995 = arith.cmpi slt, %select_n3A_988, %lt3A_994 : i32
    %ne3A_996 = arith.xori %lt3A_993, %lt3A_995 : i1
    %and3A_997 = arith.andi %ne3A_996, %ne3A_991 : i1
    %add3A_998 = arith.addi %rem3A_989, %select_n3A_988 : i32
    %select_n3A_999 = arith.select %and3A_997, %add3A_998, %rem3A_989 : i32
    %dma_start3A_1000 = arith.constant 0 : i32
    %dma_start3A_1001 = tpu.memref_slice %arg4[%select_n3A_983, %select_n3A_999, %dma_start3A_1000] : memref<26x16384x64xf32, #tpu.memory_space<hbm>> -> memref<1x512x64xf32, #tpu.memory_space<hbm>>
    %dma_start3A_1002 = tpu.memref_squeeze %dma_start3A_1001 : memref<1x512x64xf32, #tpu.memory_space<hbm>> -> memref<512x64xf32, #tpu.memory_space<hbm>>
    %dma_start3A_1003 = arith.constant 0 : i32
    %dma_start3A_1004 = tpu.memref_slice %arg4[%select_n3A_983, %select_n3A_999, %dma_start3A_1003] : memref<26x16384x64xf32, #tpu.memory_space<hbm>> -> memref<1x512x64xf32, #tpu.memory_space<hbm>>
    %dma_start3A_1005 = tpu.memref_squeeze %dma_start3A_1004 : memref<1x512x64xf32, #tpu.memory_space<hbm>> -> memref<512x64xf32, #tpu.memory_space<hbm>>
    tpu.enqueue_dma source(%arg8 : memref<512x64xf32, #tpu.memory_space<vmem>>) target(%dma_start3A_1005 : memref<512x64xf32, #tpu.memory_space<hbm>>) target_semaphore(%arg14 : memref<!tpu.dma_semaphore, #tpu.memory_space<semaphore_mem>>)
    %dma_wait3A_1006 = arith.constant 0 : i32
    %dma_wait3A_1007 = tpu.memref_slice %arg4[%select_n3A_915, %select_n3A_931, %dma_wait3A_1006] : memref<26x16384x64xf32, #tpu.memory_space<hbm>> -> memref<1x512x64xf32, #tpu.memory_space<hbm>>
    %dma_wait3A_1008 = tpu.memref_squeeze %dma_wait3A_1007 : memref<1x512x64xf32, #tpu.memory_space<hbm>> -> memref<512x64xf32, #tpu.memory_space<hbm>>
    %dma_wait3A_1009 = arith.constant 0 : i32
    %dma_wait3A_1010 = tpu.memref_slice %arg4[%select_n3A_915, %select_n3A_931, %dma_wait3A_1009] : memref<26x16384x64xf32, #tpu.memory_space<hbm>> -> memref<1x512x64xf32, #tpu.memory_space<hbm>>
    %dma_wait3A_1011 = tpu.memref_squeeze %dma_wait3A_1010 : memref<1x512x64xf32, #tpu.memory_space<hbm>> -> memref<512x64xf32, #tpu.memory_space<hbm>>
    tpu.wait_dma2 semaphore(%arg13 : memref<!tpu.dma_semaphore, #tpu.memory_space<semaphore_mem>>) src(%arg7 : memref<512x64xf32, #tpu.memory_space<vmem>>) dst(%dma_wait3A_1011 : memref<512x64xf32, #tpu.memory_space<hbm>>)
    %dma_start3A_1012 = arith.constant 16 : i32
    %dma_start3A_1013 = arith.constant 0 : i32
    %dma_start3A_1014 = tpu.memref_slice %arg5[%dma_start3A_1012, %dma_start3A_1013] : memref<26x512xi32, #tpu.memory_space<vmem>> -> memref<1x512xi32, #tpu.memory_space<vmem>>
    %dma_start3A_1015 = tpu.memref_squeeze %dma_start3A_1014 : memref<1x512xi32, #tpu.memory_space<vmem>> -> memref<512xi32, #tpu.memory_space<vmem>>
    %dma_start3A_1016 = arith.constant 0 : i32
    %dma_start3A_1017 = arith.constant 0 : i32
    %dma_start3A_1018 = tpu.memref_slice %arg3[%dma_start3A_1016, %dma_start3A_1017] : memref<1015808x64xf32, #tpu.memory_space<hbm>> -> memref<1015808x64xf32, #tpu.memory_space<hbm>>
    tpu.enqueue_indirect_dma source(%dma_start3A_1018 : memref<1015808x64xf32, #tpu.memory_space<hbm>>) target(%arg7 : memref<512x64xf32, #tpu.memory_space<vmem>>) offsets(%dma_start3A_1015 : memref<512xi32, #tpu.memory_space<vmem>>) semaphore(%arg10 : memref<!tpu.dma_semaphore, #tpu.memory_space<semaphore_mem>>)
    %dma_wait3A_1019 = arith.constant 15 : i32
    %dma_wait3A_1020 = arith.constant 0 : i32
    %dma_wait3A_1021 = tpu.memref_slice %arg5[%dma_wait3A_1019, %dma_wait3A_1020] : memref<26x512xi32, #tpu.memory_space<vmem>> -> memref<1x512xi32, #tpu.memory_space<vmem>>
    %dma_wait3A_1022 = tpu.memref_squeeze %dma_wait3A_1021 : memref<1x512xi32, #tpu.memory_space<vmem>> -> memref<512xi32, #tpu.memory_space<vmem>>
    %dma_wait3A_1023 = arith.constant 0 : i32
    %dma_wait3A_1024 = arith.constant 0 : i32
    %dma_wait3A_1025 = tpu.memref_slice %arg3[%dma_wait3A_1023, %dma_wait3A_1024] : memref<1015808x64xf32, #tpu.memory_space<hbm>> -> memref<1015808x64xf32, #tpu.memory_space<hbm>>
    tpu.wait_indirect_dma semaphore(%arg9 : memref<!tpu.dma_semaphore, #tpu.memory_space<semaphore_mem>>) src(%dma_wait3A_1025 : memref<1015808x64xf32, #tpu.memory_space<hbm>>) dst(%arg6 : memref<512x64xf32, #tpu.memory_space<vmem>>)
    %add3A_1026 = arith.constant 7680 : i32
    %add3A_1027 = arith.addi %mul3A_2, %add3A_1026 : i32
    %jit3A_1028 = arith.constant 16384 : i32
    %div3A_1029 = arith.divsi %add3A_1027, %jit3A_1028 : i32
    %sign3A_1030 = arith.constant 0 : i32
    %sign3A_1031 = arith.cmpi sgt, %add3A_1027, %sign3A_1030 : i32
    %sign3A_1032 = arith.extui %sign3A_1031 : i1 to i32
    %sign3A_1033 = arith.constant 0 : i32
    %sign3A_1034 = arith.cmpi slt, %add3A_1027, %sign3A_1033 : i32
    %sign3A_1035 = arith.extui %sign3A_1034 : i1 to i32
    %sign3A_1036 = arith.subi %sign3A_1032, %sign3A_1035 : i32
    %sign3A_1037 = arith.constant 0 : i32
    %sign3A_1038 = arith.cmpi sgt, %jit3A_1028, %sign3A_1037 : i32
    %sign3A_1039 = arith.extui %sign3A_1038 : i1 to i32
    %sign3A_1040 = arith.constant 0 : i32
    %sign3A_1041 = arith.cmpi slt, %jit3A_1028, %sign3A_1040 : i32
    %sign3A_1042 = arith.extui %sign3A_1041 : i1 to i32
    %sign3A_1043 = arith.subi %sign3A_1039, %sign3A_1042 : i32
    %ne3A_1044 = arith.cmpi ne, %sign3A_1036, %sign3A_1043 : i32
    %rem3A_1045 = arith.remsi %add3A_1027, %jit3A_1028 : i32
    %ne3A_1046 = arith.constant 0 : i32
    %ne3A_1047 = arith.cmpi ne, %rem3A_1045, %ne3A_1046 : i32
    %and3A_1048 = arith.andi %ne3A_1044, %ne3A_1047 : i1
    %sub3A_1049 = arith.constant 1 : i32
    %sub3A_1050 = arith.subi %div3A_1029, %sub3A_1049 : i32
    %select_n3A_1051 = arith.select %and3A_1048, %sub3A_1050, %div3A_1029 : i32
    %jit3A_1052 = arith.constant 16384 : i32
    %eq3A_1053 = arith.constant 0 : i32
    %eq3A_1054 = arith.cmpi eq, %jit3A_1052, %eq3A_1053 : i32
    %jit3A_1055 = arith.constant 1 : i32
    %select_n3A_1056 = arith.select %eq3A_1054, %jit3A_1055, %jit3A_1052 : i32
    %rem3A_1057 = arith.remsi %add3A_1027, %select_n3A_1056 : i32
    %ne3A_1058 = arith.constant 0 : i32
    %ne3A_1059 = arith.cmpi ne, %rem3A_1057, %ne3A_1058 : i32
    %lt3A_1060 = arith.constant 0 : i32
    %lt3A_1061 = arith.cmpi slt, %rem3A_1057, %lt3A_1060 : i32
    %lt3A_1062 = arith.constant 0 : i32
    %lt3A_1063 = arith.cmpi slt, %select_n3A_1056, %lt3A_1062 : i32
    %ne3A_1064 = arith.xori %lt3A_1061, %lt3A_1063 : i1
    %and3A_1065 = arith.andi %ne3A_1064, %ne3A_1059 : i1
    %add3A_1066 = arith.addi %rem3A_1057, %select_n3A_1056 : i32
    %select_n3A_1067 = arith.select %and3A_1065, %add3A_1066, %rem3A_1057 : i32
    %dma_start3A_1068 = arith.constant 0 : i32
    %dma_start3A_1069 = tpu.memref_slice %arg4[%select_n3A_1051, %select_n3A_1067, %dma_start3A_1068] : memref<26x16384x64xf32, #tpu.memory_space<hbm>> -> memref<1x512x64xf32, #tpu.memory_space<hbm>>
    %dma_start3A_1070 = tpu.memref_squeeze %dma_start3A_1069 : memref<1x512x64xf32, #tpu.memory_space<hbm>> -> memref<512x64xf32, #tpu.memory_space<hbm>>
    %dma_start3A_1071 = arith.constant 0 : i32
    %dma_start3A_1072 = tpu.memref_slice %arg4[%select_n3A_1051, %select_n3A_1067, %dma_start3A_1071] : memref<26x16384x64xf32, #tpu.memory_space<hbm>> -> memref<1x512x64xf32, #tpu.memory_space<hbm>>
    %dma_start3A_1073 = tpu.memref_squeeze %dma_start3A_1072 : memref<1x512x64xf32, #tpu.memory_space<hbm>> -> memref<512x64xf32, #tpu.memory_space<hbm>>
    tpu.enqueue_dma source(%arg6 : memref<512x64xf32, #tpu.memory_space<vmem>>) target(%dma_start3A_1073 : memref<512x64xf32, #tpu.memory_space<hbm>>) target_semaphore(%arg12 : memref<!tpu.dma_semaphore, #tpu.memory_space<semaphore_mem>>)
    %dma_wait3A_1074 = arith.constant 0 : i32
    %dma_wait3A_1075 = tpu.memref_slice %arg4[%select_n3A_983, %select_n3A_999, %dma_wait3A_1074] : memref<26x16384x64xf32, #tpu.memory_space<hbm>> -> memref<1x512x64xf32, #tpu.memory_space<hbm>>
    %dma_wait3A_1076 = tpu.memref_squeeze %dma_wait3A_1075 : memref<1x512x64xf32, #tpu.memory_space<hbm>> -> memref<512x64xf32, #tpu.memory_space<hbm>>
    %dma_wait3A_1077 = arith.constant 0 : i32
    %dma_wait3A_1078 = tpu.memref_slice %arg4[%select_n3A_983, %select_n3A_999, %dma_wait3A_1077] : memref<26x16384x64xf32, #tpu.memory_space<hbm>> -> memref<1x512x64xf32, #tpu.memory_space<hbm>>
    %dma_wait3A_1079 = tpu.memref_squeeze %dma_wait3A_1078 : memref<1x512x64xf32, #tpu.memory_space<hbm>> -> memref<512x64xf32, #tpu.memory_space<hbm>>
    tpu.wait_dma2 semaphore(%arg14 : memref<!tpu.dma_semaphore, #tpu.memory_space<semaphore_mem>>) src(%arg8 : memref<512x64xf32, #tpu.memory_space<vmem>>) dst(%dma_wait3A_1079 : memref<512x64xf32, #tpu.memory_space<hbm>>)
    %dma_start3A_1080 = arith.constant 17 : i32
    %dma_start3A_1081 = arith.constant 0 : i32
    %dma_start3A_1082 = tpu.memref_slice %arg5[%dma_start3A_1080, %dma_start3A_1081] : memref<26x512xi32, #tpu.memory_space<vmem>> -> memref<1x512xi32, #tpu.memory_space<vmem>>
    %dma_start3A_1083 = tpu.memref_squeeze %dma_start3A_1082 : memref<1x512xi32, #tpu.memory_space<vmem>> -> memref<512xi32, #tpu.memory_space<vmem>>
    %dma_start3A_1084 = arith.constant 0 : i32
    %dma_start3A_1085 = arith.constant 0 : i32
    %dma_start3A_1086 = tpu.memref_slice %arg3[%dma_start3A_1084, %dma_start3A_1085] : memref<1015808x64xf32, #tpu.memory_space<hbm>> -> memref<1015808x64xf32, #tpu.memory_space<hbm>>
    tpu.enqueue_indirect_dma source(%dma_start3A_1086 : memref<1015808x64xf32, #tpu.memory_space<hbm>>) target(%arg8 : memref<512x64xf32, #tpu.memory_space<vmem>>) offsets(%dma_start3A_1083 : memref<512xi32, #tpu.memory_space<vmem>>) semaphore(%arg11 : memref<!tpu.dma_semaphore, #tpu.memory_space<semaphore_mem>>)
    %dma_wait3A_1087 = arith.constant 16 : i32
    %dma_wait3A_1088 = arith.constant 0 : i32
    %dma_wait3A_1089 = tpu.memref_slice %arg5[%dma_wait3A_1087, %dma_wait3A_1088] : memref<26x512xi32, #tpu.memory_space<vmem>> -> memref<1x512xi32, #tpu.memory_space<vmem>>
    %dma_wait3A_1090 = tpu.memref_squeeze %dma_wait3A_1089 : memref<1x512xi32, #tpu.memory_space<vmem>> -> memref<512xi32, #tpu.memory_space<vmem>>
    %dma_wait3A_1091 = arith.constant 0 : i32
    %dma_wait3A_1092 = arith.constant 0 : i32
    %dma_wait3A_1093 = tpu.memref_slice %arg3[%dma_wait3A_1091, %dma_wait3A_1092] : memref<1015808x64xf32, #tpu.memory_space<hbm>> -> memref<1015808x64xf32, #tpu.memory_space<hbm>>
    tpu.wait_indirect_dma semaphore(%arg10 : memref<!tpu.dma_semaphore, #tpu.memory_space<semaphore_mem>>) src(%dma_wait3A_1093 : memref<1015808x64xf32, #tpu.memory_space<hbm>>) dst(%arg7 : memref<512x64xf32, #tpu.memory_space<vmem>>)
    %add3A_1094 = arith.constant 8192 : i32
    %add3A_1095 = arith.addi %mul3A_2, %add3A_1094 : i32
    %jit3A_1096 = arith.constant 16384 : i32
    %div3A_1097 = arith.divsi %add3A_1095, %jit3A_1096 : i32
    %sign3A_1098 = arith.constant 0 : i32
    %sign3A_1099 = arith.cmpi sgt, %add3A_1095, %sign3A_1098 : i32
    %sign3A_1100 = arith.extui %sign3A_1099 : i1 to i32
    %sign3A_1101 = arith.constant 0 : i32
    %sign3A_1102 = arith.cmpi slt, %add3A_1095, %sign3A_1101 : i32
    %sign3A_1103 = arith.extui %sign3A_1102 : i1 to i32
    %sign3A_1104 = arith.subi %sign3A_1100, %sign3A_1103 : i32
    %sign3A_1105 = arith.constant 0 : i32
    %sign3A_1106 = arith.cmpi sgt, %jit3A_1096, %sign3A_1105 : i32
    %sign3A_1107 = arith.extui %sign3A_1106 : i1 to i32
    %sign3A_1108 = arith.constant 0 : i32
    %sign3A_1109 = arith.cmpi slt, %jit3A_1096, %sign3A_1108 : i32
    %sign3A_1110 = arith.extui %sign3A_1109 : i1 to i32
    %sign3A_1111 = arith.subi %sign3A_1107, %sign3A_1110 : i32
    %ne3A_1112 = arith.cmpi ne, %sign3A_1104, %sign3A_1111 : i32
    %rem3A_1113 = arith.remsi %add3A_1095, %jit3A_1096 : i32
    %ne3A_1114 = arith.constant 0 : i32
    %ne3A_1115 = arith.cmpi ne, %rem3A_1113, %ne3A_1114 : i32
    %and3A_1116 = arith.andi %ne3A_1112, %ne3A_1115 : i1
    %sub3A_1117 = arith.constant 1 : i32
    %sub3A_1118 = arith.subi %div3A_1097, %sub3A_1117 : i32
    %select_n3A_1119 = arith.select %and3A_1116, %sub3A_1118, %div3A_1097 : i32
    %jit3A_1120 = arith.constant 16384 : i32
    %eq3A_1121 = arith.constant 0 : i32
    %eq3A_1122 = arith.cmpi eq, %jit3A_1120, %eq3A_1121 : i32
    %jit3A_1123 = arith.constant 1 : i32
    %select_n3A_1124 = arith.select %eq3A_1122, %jit3A_1123, %jit3A_1120 : i32
    %rem3A_1125 = arith.remsi %add3A_1095, %select_n3A_1124 : i32
    %ne3A_1126 = arith.constant 0 : i32
    %ne3A_1127 = arith.cmpi ne, %rem3A_1125, %ne3A_1126 : i32
    %lt3A_1128 = arith.constant 0 : i32
    %lt3A_1129 = arith.cmpi slt, %rem3A_1125, %lt3A_1128 : i32
    %lt3A_1130 = arith.constant 0 : i32
    %lt3A_1131 = arith.cmpi slt, %select_n3A_1124, %lt3A_1130 : i32
    %ne3A_1132 = arith.xori %lt3A_1129, %lt3A_1131 : i1
    %and3A_1133 = arith.andi %ne3A_1132, %ne3A_1127 : i1
    %add3A_1134 = arith.addi %rem3A_1125, %select_n3A_1124 : i32
    %select_n3A_1135 = arith.select %and3A_1133, %add3A_1134, %rem3A_1125 : i32
    %dma_start3A_1136 = arith.constant 0 : i32
    %dma_start3A_1137 = tpu.memref_slice %arg4[%select_n3A_1119, %select_n3A_1135, %dma_start3A_1136] : memref<26x16384x64xf32, #tpu.memory_space<hbm>> -> memref<1x512x64xf32, #tpu.memory_space<hbm>>
    %dma_start3A_1138 = tpu.memref_squeeze %dma_start3A_1137 : memref<1x512x64xf32, #tpu.memory_space<hbm>> -> memref<512x64xf32, #tpu.memory_space<hbm>>
    %dma_start3A_1139 = arith.constant 0 : i32
    %dma_start3A_1140 = tpu.memref_slice %arg4[%select_n3A_1119, %select_n3A_1135, %dma_start3A_1139] : memref<26x16384x64xf32, #tpu.memory_space<hbm>> -> memref<1x512x64xf32, #tpu.memory_space<hbm>>
    %dma_start3A_1141 = tpu.memref_squeeze %dma_start3A_1140 : memref<1x512x64xf32, #tpu.memory_space<hbm>> -> memref<512x64xf32, #tpu.memory_space<hbm>>
    tpu.enqueue_dma source(%arg7 : memref<512x64xf32, #tpu.memory_space<vmem>>) target(%dma_start3A_1141 : memref<512x64xf32, #tpu.memory_space<hbm>>) target_semaphore(%arg13 : memref<!tpu.dma_semaphore, #tpu.memory_space<semaphore_mem>>)
    %dma_wait3A_1142 = arith.constant 0 : i32
    %dma_wait3A_1143 = tpu.memref_slice %arg4[%select_n3A_1051, %select_n3A_1067, %dma_wait3A_1142] : memref<26x16384x64xf32, #tpu.memory_space<hbm>> -> memref<1x512x64xf32, #tpu.memory_space<hbm>>
    %dma_wait3A_1144 = tpu.memref_squeeze %dma_wait3A_1143 : memref<1x512x64xf32, #tpu.memory_space<hbm>> -> memref<512x64xf32, #tpu.memory_space<hbm>>
    %dma_wait3A_1145 = arith.constant 0 : i32
    %dma_wait3A_1146 = tpu.memref_slice %arg4[%select_n3A_1051, %select_n3A_1067, %dma_wait3A_1145] : memref<26x16384x64xf32, #tpu.memory_space<hbm>> -> memref<1x512x64xf32, #tpu.memory_space<hbm>>
    %dma_wait3A_1147 = tpu.memref_squeeze %dma_wait3A_1146 : memref<1x512x64xf32, #tpu.memory_space<hbm>> -> memref<512x64xf32, #tpu.memory_space<hbm>>
    tpu.wait_dma2 semaphore(%arg12 : memref<!tpu.dma_semaphore, #tpu.memory_space<semaphore_mem>>) src(%arg6 : memref<512x64xf32, #tpu.memory_space<vmem>>) dst(%dma_wait3A_1147 : memref<512x64xf32, #tpu.memory_space<hbm>>)
    %dma_start3A_1148 = arith.constant 18 : i32
    %dma_start3A_1149 = arith.constant 0 : i32
    %dma_start3A_1150 = tpu.memref_slice %arg5[%dma_start3A_1148, %dma_start3A_1149] : memref<26x512xi32, #tpu.memory_space<vmem>> -> memref<1x512xi32, #tpu.memory_space<vmem>>
    %dma_start3A_1151 = tpu.memref_squeeze %dma_start3A_1150 : memref<1x512xi32, #tpu.memory_space<vmem>> -> memref<512xi32, #tpu.memory_space<vmem>>
    %dma_start3A_1152 = arith.constant 0 : i32
    %dma_start3A_1153 = arith.constant 0 : i32
    %dma_start3A_1154 = tpu.memref_slice %arg3[%dma_start3A_1152, %dma_start3A_1153] : memref<1015808x64xf32, #tpu.memory_space<hbm>> -> memref<1015808x64xf32, #tpu.memory_space<hbm>>
    tpu.enqueue_indirect_dma source(%dma_start3A_1154 : memref<1015808x64xf32, #tpu.memory_space<hbm>>) target(%arg6 : memref<512x64xf32, #tpu.memory_space<vmem>>) offsets(%dma_start3A_1151 : memref<512xi32, #tpu.memory_space<vmem>>) semaphore(%arg9 : memref<!tpu.dma_semaphore, #tpu.memory_space<semaphore_mem>>)
    %dma_wait3A_1155 = arith.constant 17 : i32
    %dma_wait3A_1156 = arith.constant 0 : i32
    %dma_wait3A_1157 = tpu.memref_slice %arg5[%dma_wait3A_1155, %dma_wait3A_1156] : memref<26x512xi32, #tpu.memory_space<vmem>> -> memref<1x512xi32, #tpu.memory_space<vmem>>
    %dma_wait3A_1158 = tpu.memref_squeeze %dma_wait3A_1157 : memref<1x512xi32, #tpu.memory_space<vmem>> -> memref<512xi32, #tpu.memory_space<vmem>>
    %dma_wait3A_1159 = arith.constant 0 : i32
    %dma_wait3A_1160 = arith.constant 0 : i32
    %dma_wait3A_1161 = tpu.memref_slice %arg3[%dma_wait3A_1159, %dma_wait3A_1160] : memref<1015808x64xf32, #tpu.memory_space<hbm>> -> memref<1015808x64xf32, #tpu.memory_space<hbm>>
    tpu.wait_indirect_dma semaphore(%arg11 : memref<!tpu.dma_semaphore, #tpu.memory_space<semaphore_mem>>) src(%dma_wait3A_1161 : memref<1015808x64xf32, #tpu.memory_space<hbm>>) dst(%arg8 : memref<512x64xf32, #tpu.memory_space<vmem>>)
    %add3A_1162 = arith.constant 8704 : i32
    %add3A_1163 = arith.addi %mul3A_2, %add3A_1162 : i32
    %jit3A_1164 = arith.constant 16384 : i32
    %div3A_1165 = arith.divsi %add3A_1163, %jit3A_1164 : i32
    %sign3A_1166 = arith.constant 0 : i32
    %sign3A_1167 = arith.cmpi sgt, %add3A_1163, %sign3A_1166 : i32
    %sign3A_1168 = arith.extui %sign3A_1167 : i1 to i32
    %sign3A_1169 = arith.constant 0 : i32
    %sign3A_1170 = arith.cmpi slt, %add3A_1163, %sign3A_1169 : i32
    %sign3A_1171 = arith.extui %sign3A_1170 : i1 to i32
    %sign3A_1172 = arith.subi %sign3A_1168, %sign3A_1171 : i32
    %sign3A_1173 = arith.constant 0 : i32
    %sign3A_1174 = arith.cmpi sgt, %jit3A_1164, %sign3A_1173 : i32
    %sign3A_1175 = arith.extui %sign3A_1174 : i1 to i32
    %sign3A_1176 = arith.constant 0 : i32
    %sign3A_1177 = arith.cmpi slt, %jit3A_1164, %sign3A_1176 : i32
    %sign3A_1178 = arith.extui %sign3A_1177 : i1 to i32
    %sign3A_1179 = arith.subi %sign3A_1175, %sign3A_1178 : i32
    %ne3A_1180 = arith.cmpi ne, %sign3A_1172, %sign3A_1179 : i32
    %rem3A_1181 = arith.remsi %add3A_1163, %jit3A_1164 : i32
    %ne3A_1182 = arith.constant 0 : i32
    %ne3A_1183 = arith.cmpi ne, %rem3A_1181, %ne3A_1182 : i32
    %and3A_1184 = arith.andi %ne3A_1180, %ne3A_1183 : i1
    %sub3A_1185 = arith.constant 1 : i32
    %sub3A_1186 = arith.subi %div3A_1165, %sub3A_1185 : i32
    %select_n3A_1187 = arith.select %and3A_1184, %sub3A_1186, %div3A_1165 : i32
    %jit3A_1188 = arith.constant 16384 : i32
    %eq3A_1189 = arith.constant 0 : i32
    %eq3A_1190 = arith.cmpi eq, %jit3A_1188, %eq3A_1189 : i32
    %jit3A_1191 = arith.constant 1 : i32
    %select_n3A_1192 = arith.select %eq3A_1190, %jit3A_1191, %jit3A_1188 : i32
    %rem3A_1193 = arith.remsi %add3A_1163, %select_n3A_1192 : i32
    %ne3A_1194 = arith.constant 0 : i32
    %ne3A_1195 = arith.cmpi ne, %rem3A_1193, %ne3A_1194 : i32
    %lt3A_1196 = arith.constant 0 : i32
    %lt3A_1197 = arith.cmpi slt, %rem3A_1193, %lt3A_1196 : i32
    %lt3A_1198 = arith.constant 0 : i32
    %lt3A_1199 = arith.cmpi slt, %select_n3A_1192, %lt3A_1198 : i32
    %ne3A_1200 = arith.xori %lt3A_1197, %lt3A_1199 : i1
    %and3A_1201 = arith.andi %ne3A_1200, %ne3A_1195 : i1
    %add3A_1202 = arith.addi %rem3A_1193, %select_n3A_1192 : i32
    %select_n3A_1203 = arith.select %and3A_1201, %add3A_1202, %rem3A_1193 : i32
    %dma_start3A_1204 = arith.constant 0 : i32
    %dma_start3A_1205 = tpu.memref_slice %arg4[%select_n3A_1187, %select_n3A_1203, %dma_start3A_1204] : memref<26x16384x64xf32, #tpu.memory_space<hbm>> -> memref<1x512x64xf32, #tpu.memory_space<hbm>>
    %dma_start3A_1206 = tpu.memref_squeeze %dma_start3A_1205 : memref<1x512x64xf32, #tpu.memory_space<hbm>> -> memref<512x64xf32, #tpu.memory_space<hbm>>
    %dma_start3A_1207 = arith.constant 0 : i32
    %dma_start3A_1208 = tpu.memref_slice %arg4[%select_n3A_1187, %select_n3A_1203, %dma_start3A_1207] : memref<26x16384x64xf32, #tpu.memory_space<hbm>> -> memref<1x512x64xf32, #tpu.memory_space<hbm>>
    %dma_start3A_1209 = tpu.memref_squeeze %dma_start3A_1208 : memref<1x512x64xf32, #tpu.memory_space<hbm>> -> memref<512x64xf32, #tpu.memory_space<hbm>>
    tpu.enqueue_dma source(%arg8 : memref<512x64xf32, #tpu.memory_space<vmem>>) target(%dma_start3A_1209 : memref<512x64xf32, #tpu.memory_space<hbm>>) target_semaphore(%arg14 : memref<!tpu.dma_semaphore, #tpu.memory_space<semaphore_mem>>)
    %dma_wait3A_1210 = arith.constant 0 : i32
    %dma_wait3A_1211 = tpu.memref_slice %arg4[%select_n3A_1119, %select_n3A_1135, %dma_wait3A_1210] : memref<26x16384x64xf32, #tpu.memory_space<hbm>> -> memref<1x512x64xf32, #tpu.memory_space<hbm>>
    %dma_wait3A_1212 = tpu.memref_squeeze %dma_wait3A_1211 : memref<1x512x64xf32, #tpu.memory_space<hbm>> -> memref<512x64xf32, #tpu.memory_space<hbm>>
    %dma_wait3A_1213 = arith.constant 0 : i32
    %dma_wait3A_1214 = tpu.memref_slice %arg4[%select_n3A_1119, %select_n3A_1135, %dma_wait3A_1213] : memref<26x16384x64xf32, #tpu.memory_space<hbm>> -> memref<1x512x64xf32, #tpu.memory_space<hbm>>
    %dma_wait3A_1215 = tpu.memref_squeeze %dma_wait3A_1214 : memref<1x512x64xf32, #tpu.memory_space<hbm>> -> memref<512x64xf32, #tpu.memory_space<hbm>>
    tpu.wait_dma2 semaphore(%arg13 : memref<!tpu.dma_semaphore, #tpu.memory_space<semaphore_mem>>) src(%arg7 : memref<512x64xf32, #tpu.memory_space<vmem>>) dst(%dma_wait3A_1215 : memref<512x64xf32, #tpu.memory_space<hbm>>)
    %dma_start3A_1216 = arith.constant 19 : i32
    %dma_start3A_1217 = arith.constant 0 : i32
    %dma_start3A_1218 = tpu.memref_slice %arg5[%dma_start3A_1216, %dma_start3A_1217] : memref<26x512xi32, #tpu.memory_space<vmem>> -> memref<1x512xi32, #tpu.memory_space<vmem>>
    %dma_start3A_1219 = tpu.memref_squeeze %dma_start3A_1218 : memref<1x512xi32, #tpu.memory_space<vmem>> -> memref<512xi32, #tpu.memory_space<vmem>>
    %dma_start3A_1220 = arith.constant 0 : i32
    %dma_start3A_1221 = arith.constant 0 : i32
    %dma_start3A_1222 = tpu.memref_slice %arg3[%dma_start3A_1220, %dma_start3A_1221] : memref<1015808x64xf32, #tpu.memory_space<hbm>> -> memref<1015808x64xf32, #tpu.memory_space<hbm>>
    tpu.enqueue_indirect_dma source(%dma_start3A_1222 : memref<1015808x64xf32, #tpu.memory_space<hbm>>) target(%arg7 : memref<512x64xf32, #tpu.memory_space<vmem>>) offsets(%dma_start3A_1219 : memref<512xi32, #tpu.memory_space<vmem>>) semaphore(%arg10 : memref<!tpu.dma_semaphore, #tpu.memory_space<semaphore_mem>>)
    %dma_wait3A_1223 = arith.constant 18 : i32
    %dma_wait3A_1224 = arith.constant 0 : i32
    %dma_wait3A_1225 = tpu.memref_slice %arg5[%dma_wait3A_1223, %dma_wait3A_1224] : memref<26x512xi32, #tpu.memory_space<vmem>> -> memref<1x512xi32, #tpu.memory_space<vmem>>
    %dma_wait3A_1226 = tpu.memref_squeeze %dma_wait3A_1225 : memref<1x512xi32, #tpu.memory_space<vmem>> -> memref<512xi32, #tpu.memory_space<vmem>>
    %dma_wait3A_1227 = arith.constant 0 : i32
    %dma_wait3A_1228 = arith.constant 0 : i32
    %dma_wait3A_1229 = tpu.memref_slice %arg3[%dma_wait3A_1227, %dma_wait3A_1228] : memref<1015808x64xf32, #tpu.memory_space<hbm>> -> memref<1015808x64xf32, #tpu.memory_space<hbm>>
    tpu.wait_indirect_dma semaphore(%arg9 : memref<!tpu.dma_semaphore, #tpu.memory_space<semaphore_mem>>) src(%dma_wait3A_1229 : memref<1015808x64xf32, #tpu.memory_space<hbm>>) dst(%arg6 : memref<512x64xf32, #tpu.memory_space<vmem>>)
    %add3A_1230 = arith.constant 9216 : i32
    %add3A_1231 = arith.addi %mul3A_2, %add3A_1230 : i32
    %jit3A_1232 = arith.constant 16384 : i32
    %div3A_1233 = arith.divsi %add3A_1231, %jit3A_1232 : i32
    %sign3A_1234 = arith.constant 0 : i32
    %sign3A_1235 = arith.cmpi sgt, %add3A_1231, %sign3A_1234 : i32
    %sign3A_1236 = arith.extui %sign3A_1235 : i1 to i32
    %sign3A_1237 = arith.constant 0 : i32
    %sign3A_1238 = arith.cmpi slt, %add3A_1231, %sign3A_1237 : i32
    %sign3A_1239 = arith.extui %sign3A_1238 : i1 to i32
    %sign3A_1240 = arith.subi %sign3A_1236, %sign3A_1239 : i32
    %sign3A_1241 = arith.constant 0 : i32
    %sign3A_1242 = arith.cmpi sgt, %jit3A_1232, %sign3A_1241 : i32
    %sign3A_1243 = arith.extui %sign3A_1242 : i1 to i32
    %sign3A_1244 = arith.constant 0 : i32
    %sign3A_1245 = arith.cmpi slt, %jit3A_1232, %sign3A_1244 : i32
    %sign3A_1246 = arith.extui %sign3A_1245 : i1 to i32
    %sign3A_1247 = arith.subi %sign3A_1243, %sign3A_1246 : i32
    %ne3A_1248 = arith.cmpi ne, %sign3A_1240, %sign3A_1247 : i32
    %rem3A_1249 = arith.remsi %add3A_1231, %jit3A_1232 : i32
    %ne3A_1250 = arith.constant 0 : i32
    %ne3A_1251 = arith.cmpi ne, %rem3A_1249, %ne3A_1250 : i32
    %and3A_1252 = arith.andi %ne3A_1248, %ne3A_1251 : i1
    %sub3A_1253 = arith.constant 1 : i32
    %sub3A_1254 = arith.subi %div3A_1233, %sub3A_1253 : i32
    %select_n3A_1255 = arith.select %and3A_1252, %sub3A_1254, %div3A_1233 : i32
    %jit3A_1256 = arith.constant 16384 : i32
    %eq3A_1257 = arith.constant 0 : i32
    %eq3A_1258 = arith.cmpi eq, %jit3A_1256, %eq3A_1257 : i32
    %jit3A_1259 = arith.constant 1 : i32
    %select_n3A_1260 = arith.select %eq3A_1258, %jit3A_1259, %jit3A_1256 : i32
    %rem3A_1261 = arith.remsi %add3A_1231, %select_n3A_1260 : i32
    %ne3A_1262 = arith.constant 0 : i32
    %ne3A_1263 = arith.cmpi ne, %rem3A_1261, %ne3A_1262 : i32
    %lt3A_1264 = arith.constant 0 : i32
    %lt3A_1265 = arith.cmpi slt, %rem3A_1261, %lt3A_1264 : i32
    %lt3A_1266 = arith.constant 0 : i32
    %lt3A_1267 = arith.cmpi slt, %select_n3A_1260, %lt3A_1266 : i32
    %ne3A_1268 = arith.xori %lt3A_1265, %lt3A_1267 : i1
    %and3A_1269 = arith.andi %ne3A_1268, %ne3A_1263 : i1
    %add3A_1270 = arith.addi %rem3A_1261, %select_n3A_1260 : i32
    %select_n3A_1271 = arith.select %and3A_1269, %add3A_1270, %rem3A_1261 : i32
    %dma_start3A_1272 = arith.constant 0 : i32
    %dma_start3A_1273 = tpu.memref_slice %arg4[%select_n3A_1255, %select_n3A_1271, %dma_start3A_1272] : memref<26x16384x64xf32, #tpu.memory_space<hbm>> -> memref<1x512x64xf32, #tpu.memory_space<hbm>>
    %dma_start3A_1274 = tpu.memref_squeeze %dma_start3A_1273 : memref<1x512x64xf32, #tpu.memory_space<hbm>> -> memref<512x64xf32, #tpu.memory_space<hbm>>
    %dma_start3A_1275 = arith.constant 0 : i32
    %dma_start3A_1276 = tpu.memref_slice %arg4[%select_n3A_1255, %select_n3A_1271, %dma_start3A_1275] : memref<26x16384x64xf32, #tpu.memory_space<hbm>> -> memref<1x512x64xf32, #tpu.memory_space<hbm>>
    %dma_start3A_1277 = tpu.memref_squeeze %dma_start3A_1276 : memref<1x512x64xf32, #tpu.memory_space<hbm>> -> memref<512x64xf32, #tpu.memory_space<hbm>>
    tpu.enqueue_dma source(%arg6 : memref<512x64xf32, #tpu.memory_space<vmem>>) target(%dma_start3A_1277 : memref<512x64xf32, #tpu.memory_space<hbm>>) target_semaphore(%arg12 : memref<!tpu.dma_semaphore, #tpu.memory_space<semaphore_mem>>)
    %dma_wait3A_1278 = arith.constant 0 : i32
    %dma_wait3A_1279 = tpu.memref_slice %arg4[%select_n3A_1187, %select_n3A_1203, %dma_wait3A_1278] : memref<26x16384x64xf32, #tpu.memory_space<hbm>> -> memref<1x512x64xf32, #tpu.memory_space<hbm>>
    %dma_wait3A_1280 = tpu.memref_squeeze %dma_wait3A_1279 : memref<1x512x64xf32, #tpu.memory_space<hbm>> -> memref<512x64xf32, #tpu.memory_space<hbm>>
    %dma_wait3A_1281 = arith.constant 0 : i32
    %dma_wait3A_1282 = tpu.memref_slice %arg4[%select_n3A_1187, %select_n3A_1203, %dma_wait3A_1281] : memref<26x16384x64xf32, #tpu.memory_space<hbm>> -> memref<1x512x64xf32, #tpu.memory_space<hbm>>
    %dma_wait3A_1283 = tpu.memref_squeeze %dma_wait3A_1282 : memref<1x512x64xf32, #tpu.memory_space<hbm>> -> memref<512x64xf32, #tpu.memory_space<hbm>>
    tpu.wait_dma2 semaphore(%arg14 : memref<!tpu.dma_semaphore, #tpu.memory_space<semaphore_mem>>) src(%arg8 : memref<512x64xf32, #tpu.memory_space<vmem>>) dst(%dma_wait3A_1283 : memref<512x64xf32, #tpu.memory_space<hbm>>)
    %dma_start3A_1284 = arith.constant 20 : i32
    %dma_start3A_1285 = arith.constant 0 : i32
    %dma_start3A_1286 = tpu.memref_slice %arg5[%dma_start3A_1284, %dma_start3A_1285] : memref<26x512xi32, #tpu.memory_space<vmem>> -> memref<1x512xi32, #tpu.memory_space<vmem>>
    %dma_start3A_1287 = tpu.memref_squeeze %dma_start3A_1286 : memref<1x512xi32, #tpu.memory_space<vmem>> -> memref<512xi32, #tpu.memory_space<vmem>>
    %dma_start3A_1288 = arith.constant 0 : i32
    %dma_start3A_1289 = arith.constant 0 : i32
    %dma_start3A_1290 = tpu.memref_slice %arg3[%dma_start3A_1288, %dma_start3A_1289] : memref<1015808x64xf32, #tpu.memory_space<hbm>> -> memref<1015808x64xf32, #tpu.memory_space<hbm>>
    tpu.enqueue_indirect_dma source(%dma_start3A_1290 : memref<1015808x64xf32, #tpu.memory_space<hbm>>) target(%arg8 : memref<512x64xf32, #tpu.memory_space<vmem>>) offsets(%dma_start3A_1287 : memref<512xi32, #tpu.memory_space<vmem>>) semaphore(%arg11 : memref<!tpu.dma_semaphore, #tpu.memory_space<semaphore_mem>>)
    %dma_wait3A_1291 = arith.constant 19 : i32
    %dma_wait3A_1292 = arith.constant 0 : i32
    %dma_wait3A_1293 = tpu.memref_slice %arg5[%dma_wait3A_1291, %dma_wait3A_1292] : memref<26x512xi32, #tpu.memory_space<vmem>> -> memref<1x512xi32, #tpu.memory_space<vmem>>
    %dma_wait3A_1294 = tpu.memref_squeeze %dma_wait3A_1293 : memref<1x512xi32, #tpu.memory_space<vmem>> -> memref<512xi32, #tpu.memory_space<vmem>>
    %dma_wait3A_1295 = arith.constant 0 : i32
    %dma_wait3A_1296 = arith.constant 0 : i32
    %dma_wait3A_1297 = tpu.memref_slice %arg3[%dma_wait3A_1295, %dma_wait3A_1296] : memref<1015808x64xf32, #tpu.memory_space<hbm>> -> memref<1015808x64xf32, #tpu.memory_space<hbm>>
    tpu.wait_indirect_dma semaphore(%arg10 : memref<!tpu.dma_semaphore, #tpu.memory_space<semaphore_mem>>) src(%dma_wait3A_1297 : memref<1015808x64xf32, #tpu.memory_space<hbm>>) dst(%arg7 : memref<512x64xf32, #tpu.memory_space<vmem>>)
    %add3A_1298 = arith.constant 9728 : i32
    %add3A_1299 = arith.addi %mul3A_2, %add3A_1298 : i32
    %jit3A_1300 = arith.constant 16384 : i32
    %div3A_1301 = arith.divsi %add3A_1299, %jit3A_1300 : i32
    %sign3A_1302 = arith.constant 0 : i32
    %sign3A_1303 = arith.cmpi sgt, %add3A_1299, %sign3A_1302 : i32
    %sign3A_1304 = arith.extui %sign3A_1303 : i1 to i32
    %sign3A_1305 = arith.constant 0 : i32
    %sign3A_1306 = arith.cmpi slt, %add3A_1299, %sign3A_1305 : i32
    %sign3A_1307 = arith.extui %sign3A_1306 : i1 to i32
    %sign3A_1308 = arith.subi %sign3A_1304, %sign3A_1307 : i32
    %sign3A_1309 = arith.constant 0 : i32
    %sign3A_1310 = arith.cmpi sgt, %jit3A_1300, %sign3A_1309 : i32
    %sign3A_1311 = arith.extui %sign3A_1310 : i1 to i32
    %sign3A_1312 = arith.constant 0 : i32
    %sign3A_1313 = arith.cmpi slt, %jit3A_1300, %sign3A_1312 : i32
    %sign3A_1314 = arith.extui %sign3A_1313 : i1 to i32
    %sign3A_1315 = arith.subi %sign3A_1311, %sign3A_1314 : i32
    %ne3A_1316 = arith.cmpi ne, %sign3A_1308, %sign3A_1315 : i32
    %rem3A_1317 = arith.remsi %add3A_1299, %jit3A_1300 : i32
    %ne3A_1318 = arith.constant 0 : i32
    %ne3A_1319 = arith.cmpi ne, %rem3A_1317, %ne3A_1318 : i32
    %and3A_1320 = arith.andi %ne3A_1316, %ne3A_1319 : i1
    %sub3A_1321 = arith.constant 1 : i32
    %sub3A_1322 = arith.subi %div3A_1301, %sub3A_1321 : i32
    %select_n3A_1323 = arith.select %and3A_1320, %sub3A_1322, %div3A_1301 : i32
    %jit3A_1324 = arith.constant 16384 : i32
    %eq3A_1325 = arith.constant 0 : i32
    %eq3A_1326 = arith.cmpi eq, %jit3A_1324, %eq3A_1325 : i32
    %jit3A_1327 = arith.constant 1 : i32
    %select_n3A_1328 = arith.select %eq3A_1326, %jit3A_1327, %jit3A_1324 : i32
    %rem3A_1329 = arith.remsi %add3A_1299, %select_n3A_1328 : i32
    %ne3A_1330 = arith.constant 0 : i32
    %ne3A_1331 = arith.cmpi ne, %rem3A_1329, %ne3A_1330 : i32
    %lt3A_1332 = arith.constant 0 : i32
    %lt3A_1333 = arith.cmpi slt, %rem3A_1329, %lt3A_1332 : i32
    %lt3A_1334 = arith.constant 0 : i32
    %lt3A_1335 = arith.cmpi slt, %select_n3A_1328, %lt3A_1334 : i32
    %ne3A_1336 = arith.xori %lt3A_1333, %lt3A_1335 : i1
    %and3A_1337 = arith.andi %ne3A_1336, %ne3A_1331 : i1
    %add3A_1338 = arith.addi %rem3A_1329, %select_n3A_1328 : i32
    %select_n3A_1339 = arith.select %and3A_1337, %add3A_1338, %rem3A_1329 : i32
    %dma_start3A_1340 = arith.constant 0 : i32
    %dma_start3A_1341 = tpu.memref_slice %arg4[%select_n3A_1323, %select_n3A_1339, %dma_start3A_1340] : memref<26x16384x64xf32, #tpu.memory_space<hbm>> -> memref<1x512x64xf32, #tpu.memory_space<hbm>>
    %dma_start3A_1342 = tpu.memref_squeeze %dma_start3A_1341 : memref<1x512x64xf32, #tpu.memory_space<hbm>> -> memref<512x64xf32, #tpu.memory_space<hbm>>
    %dma_start3A_1343 = arith.constant 0 : i32
    %dma_start3A_1344 = tpu.memref_slice %arg4[%select_n3A_1323, %select_n3A_1339, %dma_start3A_1343] : memref<26x16384x64xf32, #tpu.memory_space<hbm>> -> memref<1x512x64xf32, #tpu.memory_space<hbm>>
    %dma_start3A_1345 = tpu.memref_squeeze %dma_start3A_1344 : memref<1x512x64xf32, #tpu.memory_space<hbm>> -> memref<512x64xf32, #tpu.memory_space<hbm>>
    tpu.enqueue_dma source(%arg7 : memref<512x64xf32, #tpu.memory_space<vmem>>) target(%dma_start3A_1345 : memref<512x64xf32, #tpu.memory_space<hbm>>) target_semaphore(%arg13 : memref<!tpu.dma_semaphore, #tpu.memory_space<semaphore_mem>>)
    %dma_wait3A_1346 = arith.constant 0 : i32
    %dma_wait3A_1347 = tpu.memref_slice %arg4[%select_n3A_1255, %select_n3A_1271, %dma_wait3A_1346] : memref<26x16384x64xf32, #tpu.memory_space<hbm>> -> memref<1x512x64xf32, #tpu.memory_space<hbm>>
    %dma_wait3A_1348 = tpu.memref_squeeze %dma_wait3A_1347 : memref<1x512x64xf32, #tpu.memory_space<hbm>> -> memref<512x64xf32, #tpu.memory_space<hbm>>
    %dma_wait3A_1349 = arith.constant 0 : i32
    %dma_wait3A_1350 = tpu.memref_slice %arg4[%select_n3A_1255, %select_n3A_1271, %dma_wait3A_1349] : memref<26x16384x64xf32, #tpu.memory_space<hbm>> -> memref<1x512x64xf32, #tpu.memory_space<hbm>>
    %dma_wait3A_1351 = tpu.memref_squeeze %dma_wait3A_1350 : memref<1x512x64xf32, #tpu.memory_space<hbm>> -> memref<512x64xf32, #tpu.memory_space<hbm>>
    tpu.wait_dma2 semaphore(%arg12 : memref<!tpu.dma_semaphore, #tpu.memory_space<semaphore_mem>>) src(%arg6 : memref<512x64xf32, #tpu.memory_space<vmem>>) dst(%dma_wait3A_1351 : memref<512x64xf32, #tpu.memory_space<hbm>>)
    %dma_start3A_1352 = arith.constant 21 : i32
    %dma_start3A_1353 = arith.constant 0 : i32
    %dma_start3A_1354 = tpu.memref_slice %arg5[%dma_start3A_1352, %dma_start3A_1353] : memref<26x512xi32, #tpu.memory_space<vmem>> -> memref<1x512xi32, #tpu.memory_space<vmem>>
    %dma_start3A_1355 = tpu.memref_squeeze %dma_start3A_1354 : memref<1x512xi32, #tpu.memory_space<vmem>> -> memref<512xi32, #tpu.memory_space<vmem>>
    %dma_start3A_1356 = arith.constant 0 : i32
    %dma_start3A_1357 = arith.constant 0 : i32
    %dma_start3A_1358 = tpu.memref_slice %arg3[%dma_start3A_1356, %dma_start3A_1357] : memref<1015808x64xf32, #tpu.memory_space<hbm>> -> memref<1015808x64xf32, #tpu.memory_space<hbm>>
    tpu.enqueue_indirect_dma source(%dma_start3A_1358 : memref<1015808x64xf32, #tpu.memory_space<hbm>>) target(%arg6 : memref<512x64xf32, #tpu.memory_space<vmem>>) offsets(%dma_start3A_1355 : memref<512xi32, #tpu.memory_space<vmem>>) semaphore(%arg9 : memref<!tpu.dma_semaphore, #tpu.memory_space<semaphore_mem>>)
    %dma_wait3A_1359 = arith.constant 20 : i32
    %dma_wait3A_1360 = arith.constant 0 : i32
    %dma_wait3A_1361 = tpu.memref_slice %arg5[%dma_wait3A_1359, %dma_wait3A_1360] : memref<26x512xi32, #tpu.memory_space<vmem>> -> memref<1x512xi32, #tpu.memory_space<vmem>>
    %dma_wait3A_1362 = tpu.memref_squeeze %dma_wait3A_1361 : memref<1x512xi32, #tpu.memory_space<vmem>> -> memref<512xi32, #tpu.memory_space<vmem>>
    %dma_wait3A_1363 = arith.constant 0 : i32
    %dma_wait3A_1364 = arith.constant 0 : i32
    %dma_wait3A_1365 = tpu.memref_slice %arg3[%dma_wait3A_1363, %dma_wait3A_1364] : memref<1015808x64xf32, #tpu.memory_space<hbm>> -> memref<1015808x64xf32, #tpu.memory_space<hbm>>
    tpu.wait_indirect_dma semaphore(%arg11 : memref<!tpu.dma_semaphore, #tpu.memory_space<semaphore_mem>>) src(%dma_wait3A_1365 : memref<1015808x64xf32, #tpu.memory_space<hbm>>) dst(%arg8 : memref<512x64xf32, #tpu.memory_space<vmem>>)
    %add3A_1366 = arith.constant 10240 : i32
    %add3A_1367 = arith.addi %mul3A_2, %add3A_1366 : i32
    %jit3A_1368 = arith.constant 16384 : i32
    %div3A_1369 = arith.divsi %add3A_1367, %jit3A_1368 : i32
    %sign3A_1370 = arith.constant 0 : i32
    %sign3A_1371 = arith.cmpi sgt, %add3A_1367, %sign3A_1370 : i32
    %sign3A_1372 = arith.extui %sign3A_1371 : i1 to i32
    %sign3A_1373 = arith.constant 0 : i32
    %sign3A_1374 = arith.cmpi slt, %add3A_1367, %sign3A_1373 : i32
    %sign3A_1375 = arith.extui %sign3A_1374 : i1 to i32
    %sign3A_1376 = arith.subi %sign3A_1372, %sign3A_1375 : i32
    %sign3A_1377 = arith.constant 0 : i32
    %sign3A_1378 = arith.cmpi sgt, %jit3A_1368, %sign3A_1377 : i32
    %sign3A_1379 = arith.extui %sign3A_1378 : i1 to i32
    %sign3A_1380 = arith.constant 0 : i32
    %sign3A_1381 = arith.cmpi slt, %jit3A_1368, %sign3A_1380 : i32
    %sign3A_1382 = arith.extui %sign3A_1381 : i1 to i32
    %sign3A_1383 = arith.subi %sign3A_1379, %sign3A_1382 : i32
    %ne3A_1384 = arith.cmpi ne, %sign3A_1376, %sign3A_1383 : i32
    %rem3A_1385 = arith.remsi %add3A_1367, %jit3A_1368 : i32
    %ne3A_1386 = arith.constant 0 : i32
    %ne3A_1387 = arith.cmpi ne, %rem3A_1385, %ne3A_1386 : i32
    %and3A_1388 = arith.andi %ne3A_1384, %ne3A_1387 : i1
    %sub3A_1389 = arith.constant 1 : i32
    %sub3A_1390 = arith.subi %div3A_1369, %sub3A_1389 : i32
    %select_n3A_1391 = arith.select %and3A_1388, %sub3A_1390, %div3A_1369 : i32
    %jit3A_1392 = arith.constant 16384 : i32
    %eq3A_1393 = arith.constant 0 : i32
    %eq3A_1394 = arith.cmpi eq, %jit3A_1392, %eq3A_1393 : i32
    %jit3A_1395 = arith.constant 1 : i32
    %select_n3A_1396 = arith.select %eq3A_1394, %jit3A_1395, %jit3A_1392 : i32
    %rem3A_1397 = arith.remsi %add3A_1367, %select_n3A_1396 : i32
    %ne3A_1398 = arith.constant 0 : i32
    %ne3A_1399 = arith.cmpi ne, %rem3A_1397, %ne3A_1398 : i32
    %lt3A_1400 = arith.constant 0 : i32
    %lt3A_1401 = arith.cmpi slt, %rem3A_1397, %lt3A_1400 : i32
    %lt3A_1402 = arith.constant 0 : i32
    %lt3A_1403 = arith.cmpi slt, %select_n3A_1396, %lt3A_1402 : i32
    %ne3A_1404 = arith.xori %lt3A_1401, %lt3A_1403 : i1
    %and3A_1405 = arith.andi %ne3A_1404, %ne3A_1399 : i1
    %add3A_1406 = arith.addi %rem3A_1397, %select_n3A_1396 : i32
    %select_n3A_1407 = arith.select %and3A_1405, %add3A_1406, %rem3A_1397 : i32
    %dma_start3A_1408 = arith.constant 0 : i32
    %dma_start3A_1409 = tpu.memref_slice %arg4[%select_n3A_1391, %select_n3A_1407, %dma_start3A_1408] : memref<26x16384x64xf32, #tpu.memory_space<hbm>> -> memref<1x512x64xf32, #tpu.memory_space<hbm>>
    %dma_start3A_1410 = tpu.memref_squeeze %dma_start3A_1409 : memref<1x512x64xf32, #tpu.memory_space<hbm>> -> memref<512x64xf32, #tpu.memory_space<hbm>>
    %dma_start3A_1411 = arith.constant 0 : i32
    %dma_start3A_1412 = tpu.memref_slice %arg4[%select_n3A_1391, %select_n3A_1407, %dma_start3A_1411] : memref<26x16384x64xf32, #tpu.memory_space<hbm>> -> memref<1x512x64xf32, #tpu.memory_space<hbm>>
    %dma_start3A_1413 = tpu.memref_squeeze %dma_start3A_1412 : memref<1x512x64xf32, #tpu.memory_space<hbm>> -> memref<512x64xf32, #tpu.memory_space<hbm>>
    tpu.enqueue_dma source(%arg8 : memref<512x64xf32, #tpu.memory_space<vmem>>) target(%dma_start3A_1413 : memref<512x64xf32, #tpu.memory_space<hbm>>) target_semaphore(%arg14 : memref<!tpu.dma_semaphore, #tpu.memory_space<semaphore_mem>>)
    %dma_wait3A_1414 = arith.constant 0 : i32
    %dma_wait3A_1415 = tpu.memref_slice %arg4[%select_n3A_1323, %select_n3A_1339, %dma_wait3A_1414] : memref<26x16384x64xf32, #tpu.memory_space<hbm>> -> memref<1x512x64xf32, #tpu.memory_space<hbm>>
    %dma_wait3A_1416 = tpu.memref_squeeze %dma_wait3A_1415 : memref<1x512x64xf32, #tpu.memory_space<hbm>> -> memref<512x64xf32, #tpu.memory_space<hbm>>
    %dma_wait3A_1417 = arith.constant 0 : i32
    %dma_wait3A_1418 = tpu.memref_slice %arg4[%select_n3A_1323, %select_n3A_1339, %dma_wait3A_1417] : memref<26x16384x64xf32, #tpu.memory_space<hbm>> -> memref<1x512x64xf32, #tpu.memory_space<hbm>>
    %dma_wait3A_1419 = tpu.memref_squeeze %dma_wait3A_1418 : memref<1x512x64xf32, #tpu.memory_space<hbm>> -> memref<512x64xf32, #tpu.memory_space<hbm>>
    tpu.wait_dma2 semaphore(%arg13 : memref<!tpu.dma_semaphore, #tpu.memory_space<semaphore_mem>>) src(%arg7 : memref<512x64xf32, #tpu.memory_space<vmem>>) dst(%dma_wait3A_1419 : memref<512x64xf32, #tpu.memory_space<hbm>>)
    %dma_start3A_1420 = arith.constant 22 : i32
    %dma_start3A_1421 = arith.constant 0 : i32
    %dma_start3A_1422 = tpu.memref_slice %arg5[%dma_start3A_1420, %dma_start3A_1421] : memref<26x512xi32, #tpu.memory_space<vmem>> -> memref<1x512xi32, #tpu.memory_space<vmem>>
    %dma_start3A_1423 = tpu.memref_squeeze %dma_start3A_1422 : memref<1x512xi32, #tpu.memory_space<vmem>> -> memref<512xi32, #tpu.memory_space<vmem>>
    %dma_start3A_1424 = arith.constant 0 : i32
    %dma_start3A_1425 = arith.constant 0 : i32
    %dma_start3A_1426 = tpu.memref_slice %arg3[%dma_start3A_1424, %dma_start3A_1425] : memref<1015808x64xf32, #tpu.memory_space<hbm>> -> memref<1015808x64xf32, #tpu.memory_space<hbm>>
    tpu.enqueue_indirect_dma source(%dma_start3A_1426 : memref<1015808x64xf32, #tpu.memory_space<hbm>>) target(%arg7 : memref<512x64xf32, #tpu.memory_space<vmem>>) offsets(%dma_start3A_1423 : memref<512xi32, #tpu.memory_space<vmem>>) semaphore(%arg10 : memref<!tpu.dma_semaphore, #tpu.memory_space<semaphore_mem>>)
    %dma_wait3A_1427 = arith.constant 21 : i32
    %dma_wait3A_1428 = arith.constant 0 : i32
    %dma_wait3A_1429 = tpu.memref_slice %arg5[%dma_wait3A_1427, %dma_wait3A_1428] : memref<26x512xi32, #tpu.memory_space<vmem>> -> memref<1x512xi32, #tpu.memory_space<vmem>>
    %dma_wait3A_1430 = tpu.memref_squeeze %dma_wait3A_1429 : memref<1x512xi32, #tpu.memory_space<vmem>> -> memref<512xi32, #tpu.memory_space<vmem>>
    %dma_wait3A_1431 = arith.constant 0 : i32
    %dma_wait3A_1432 = arith.constant 0 : i32
    %dma_wait3A_1433 = tpu.memref_slice %arg3[%dma_wait3A_1431, %dma_wait3A_1432] : memref<1015808x64xf32, #tpu.memory_space<hbm>> -> memref<1015808x64xf32, #tpu.memory_space<hbm>>
    tpu.wait_indirect_dma semaphore(%arg9 : memref<!tpu.dma_semaphore, #tpu.memory_space<semaphore_mem>>) src(%dma_wait3A_1433 : memref<1015808x64xf32, #tpu.memory_space<hbm>>) dst(%arg6 : memref<512x64xf32, #tpu.memory_space<vmem>>)
    %add3A_1434 = arith.constant 10752 : i32
    %add3A_1435 = arith.addi %mul3A_2, %add3A_1434 : i32
    %jit3A_1436 = arith.constant 16384 : i32
    %div3A_1437 = arith.divsi %add3A_1435, %jit3A_1436 : i32
    %sign3A_1438 = arith.constant 0 : i32
    %sign3A_1439 = arith.cmpi sgt, %add3A_1435, %sign3A_1438 : i32
    %sign3A_1440 = arith.extui %sign3A_1439 : i1 to i32
    %sign3A_1441 = arith.constant 0 : i32
    %sign3A_1442 = arith.cmpi slt, %add3A_1435, %sign3A_1441 : i32
    %sign3A_1443 = arith.extui %sign3A_1442 : i1 to i32
    %sign3A_1444 = arith.subi %sign3A_1440, %sign3A_1443 : i32
    %sign3A_1445 = arith.constant 0 : i32
    %sign3A_1446 = arith.cmpi sgt, %jit3A_1436, %sign3A_1445 : i32
    %sign3A_1447 = arith.extui %sign3A_1446 : i1 to i32
    %sign3A_1448 = arith.constant 0 : i32
    %sign3A_1449 = arith.cmpi slt, %jit3A_1436, %sign3A_1448 : i32
    %sign3A_1450 = arith.extui %sign3A_1449 : i1 to i32
    %sign3A_1451 = arith.subi %sign3A_1447, %sign3A_1450 : i32
    %ne3A_1452 = arith.cmpi ne, %sign3A_1444, %sign3A_1451 : i32
    %rem3A_1453 = arith.remsi %add3A_1435, %jit3A_1436 : i32
    %ne3A_1454 = arith.constant 0 : i32
    %ne3A_1455 = arith.cmpi ne, %rem3A_1453, %ne3A_1454 : i32
    %and3A_1456 = arith.andi %ne3A_1452, %ne3A_1455 : i1
    %sub3A_1457 = arith.constant 1 : i32
    %sub3A_1458 = arith.subi %div3A_1437, %sub3A_1457 : i32
    %select_n3A_1459 = arith.select %and3A_1456, %sub3A_1458, %div3A_1437 : i32
    %jit3A_1460 = arith.constant 16384 : i32
    %eq3A_1461 = arith.constant 0 : i32
    %eq3A_1462 = arith.cmpi eq, %jit3A_1460, %eq3A_1461 : i32
    %jit3A_1463 = arith.constant 1 : i32
    %select_n3A_1464 = arith.select %eq3A_1462, %jit3A_1463, %jit3A_1460 : i32
    %rem3A_1465 = arith.remsi %add3A_1435, %select_n3A_1464 : i32
    %ne3A_1466 = arith.constant 0 : i32
    %ne3A_1467 = arith.cmpi ne, %rem3A_1465, %ne3A_1466 : i32
    %lt3A_1468 = arith.constant 0 : i32
    %lt3A_1469 = arith.cmpi slt, %rem3A_1465, %lt3A_1468 : i32
    %lt3A_1470 = arith.constant 0 : i32
    %lt3A_1471 = arith.cmpi slt, %select_n3A_1464, %lt3A_1470 : i32
    %ne3A_1472 = arith.xori %lt3A_1469, %lt3A_1471 : i1
    %and3A_1473 = arith.andi %ne3A_1472, %ne3A_1467 : i1
    %add3A_1474 = arith.addi %rem3A_1465, %select_n3A_1464 : i32
    %select_n3A_1475 = arith.select %and3A_1473, %add3A_1474, %rem3A_1465 : i32
    %dma_start3A_1476 = arith.constant 0 : i32
    %dma_start3A_1477 = tpu.memref_slice %arg4[%select_n3A_1459, %select_n3A_1475, %dma_start3A_1476] : memref<26x16384x64xf32, #tpu.memory_space<hbm>> -> memref<1x512x64xf32, #tpu.memory_space<hbm>>
    %dma_start3A_1478 = tpu.memref_squeeze %dma_start3A_1477 : memref<1x512x64xf32, #tpu.memory_space<hbm>> -> memref<512x64xf32, #tpu.memory_space<hbm>>
    %dma_start3A_1479 = arith.constant 0 : i32
    %dma_start3A_1480 = tpu.memref_slice %arg4[%select_n3A_1459, %select_n3A_1475, %dma_start3A_1479] : memref<26x16384x64xf32, #tpu.memory_space<hbm>> -> memref<1x512x64xf32, #tpu.memory_space<hbm>>
    %dma_start3A_1481 = tpu.memref_squeeze %dma_start3A_1480 : memref<1x512x64xf32, #tpu.memory_space<hbm>> -> memref<512x64xf32, #tpu.memory_space<hbm>>
    tpu.enqueue_dma source(%arg6 : memref<512x64xf32, #tpu.memory_space<vmem>>) target(%dma_start3A_1481 : memref<512x64xf32, #tpu.memory_space<hbm>>) target_semaphore(%arg12 : memref<!tpu.dma_semaphore, #tpu.memory_space<semaphore_mem>>)
    %dma_wait3A_1482 = arith.constant 0 : i32
    %dma_wait3A_1483 = tpu.memref_slice %arg4[%select_n3A_1391, %select_n3A_1407, %dma_wait3A_1482] : memref<26x16384x64xf32, #tpu.memory_space<hbm>> -> memref<1x512x64xf32, #tpu.memory_space<hbm>>
    %dma_wait3A_1484 = tpu.memref_squeeze %dma_wait3A_1483 : memref<1x512x64xf32, #tpu.memory_space<hbm>> -> memref<512x64xf32, #tpu.memory_space<hbm>>
    %dma_wait3A_1485 = arith.constant 0 : i32
    %dma_wait3A_1486 = tpu.memref_slice %arg4[%select_n3A_1391, %select_n3A_1407, %dma_wait3A_1485] : memref<26x16384x64xf32, #tpu.memory_space<hbm>> -> memref<1x512x64xf32, #tpu.memory_space<hbm>>
    %dma_wait3A_1487 = tpu.memref_squeeze %dma_wait3A_1486 : memref<1x512x64xf32, #tpu.memory_space<hbm>> -> memref<512x64xf32, #tpu.memory_space<hbm>>
    tpu.wait_dma2 semaphore(%arg14 : memref<!tpu.dma_semaphore, #tpu.memory_space<semaphore_mem>>) src(%arg8 : memref<512x64xf32, #tpu.memory_space<vmem>>) dst(%dma_wait3A_1487 : memref<512x64xf32, #tpu.memory_space<hbm>>)
    %dma_start3A_1488 = arith.constant 23 : i32
    %dma_start3A_1489 = arith.constant 0 : i32
    %dma_start3A_1490 = tpu.memref_slice %arg5[%dma_start3A_1488, %dma_start3A_1489] : memref<26x512xi32, #tpu.memory_space<vmem>> -> memref<1x512xi32, #tpu.memory_space<vmem>>
    %dma_start3A_1491 = tpu.memref_squeeze %dma_start3A_1490 : memref<1x512xi32, #tpu.memory_space<vmem>> -> memref<512xi32, #tpu.memory_space<vmem>>
    %dma_start3A_1492 = arith.constant 0 : i32
    %dma_start3A_1493 = arith.constant 0 : i32
    %dma_start3A_1494 = tpu.memref_slice %arg3[%dma_start3A_1492, %dma_start3A_1493] : memref<1015808x64xf32, #tpu.memory_space<hbm>> -> memref<1015808x64xf32, #tpu.memory_space<hbm>>
    tpu.enqueue_indirect_dma source(%dma_start3A_1494 : memref<1015808x64xf32, #tpu.memory_space<hbm>>) target(%arg8 : memref<512x64xf32, #tpu.memory_space<vmem>>) offsets(%dma_start3A_1491 : memref<512xi32, #tpu.memory_space<vmem>>) semaphore(%arg11 : memref<!tpu.dma_semaphore, #tpu.memory_space<semaphore_mem>>)
    %dma_wait3A_1495 = arith.constant 22 : i32
    %dma_wait3A_1496 = arith.constant 0 : i32
    %dma_wait3A_1497 = tpu.memref_slice %arg5[%dma_wait3A_1495, %dma_wait3A_1496] : memref<26x512xi32, #tpu.memory_space<vmem>> -> memref<1x512xi32, #tpu.memory_space<vmem>>
    %dma_wait3A_1498 = tpu.memref_squeeze %dma_wait3A_1497 : memref<1x512xi32, #tpu.memory_space<vmem>> -> memref<512xi32, #tpu.memory_space<vmem>>
    %dma_wait3A_1499 = arith.constant 0 : i32
    %dma_wait3A_1500 = arith.constant 0 : i32
    %dma_wait3A_1501 = tpu.memref_slice %arg3[%dma_wait3A_1499, %dma_wait3A_1500] : memref<1015808x64xf32, #tpu.memory_space<hbm>> -> memref<1015808x64xf32, #tpu.memory_space<hbm>>
    tpu.wait_indirect_dma semaphore(%arg10 : memref<!tpu.dma_semaphore, #tpu.memory_space<semaphore_mem>>) src(%dma_wait3A_1501 : memref<1015808x64xf32, #tpu.memory_space<hbm>>) dst(%arg7 : memref<512x64xf32, #tpu.memory_space<vmem>>)
    %add3A_1502 = arith.constant 11264 : i32
    %add3A_1503 = arith.addi %mul3A_2, %add3A_1502 : i32
    %jit3A_1504 = arith.constant 16384 : i32
    %div3A_1505 = arith.divsi %add3A_1503, %jit3A_1504 : i32
    %sign3A_1506 = arith.constant 0 : i32
    %sign3A_1507 = arith.cmpi sgt, %add3A_1503, %sign3A_1506 : i32
    %sign3A_1508 = arith.extui %sign3A_1507 : i1 to i32
    %sign3A_1509 = arith.constant 0 : i32
    %sign3A_1510 = arith.cmpi slt, %add3A_1503, %sign3A_1509 : i32
    %sign3A_1511 = arith.extui %sign3A_1510 : i1 to i32
    %sign3A_1512 = arith.subi %sign3A_1508, %sign3A_1511 : i32
    %sign3A_1513 = arith.constant 0 : i32
    %sign3A_1514 = arith.cmpi sgt, %jit3A_1504, %sign3A_1513 : i32
    %sign3A_1515 = arith.extui %sign3A_1514 : i1 to i32
    %sign3A_1516 = arith.constant 0 : i32
    %sign3A_1517 = arith.cmpi slt, %jit3A_1504, %sign3A_1516 : i32
    %sign3A_1518 = arith.extui %sign3A_1517 : i1 to i32
    %sign3A_1519 = arith.subi %sign3A_1515, %sign3A_1518 : i32
    %ne3A_1520 = arith.cmpi ne, %sign3A_1512, %sign3A_1519 : i32
    %rem3A_1521 = arith.remsi %add3A_1503, %jit3A_1504 : i32
    %ne3A_1522 = arith.constant 0 : i32
    %ne3A_1523 = arith.cmpi ne, %rem3A_1521, %ne3A_1522 : i32
    %and3A_1524 = arith.andi %ne3A_1520, %ne3A_1523 : i1
    %sub3A_1525 = arith.constant 1 : i32
    %sub3A_1526 = arith.subi %div3A_1505, %sub3A_1525 : i32
    %select_n3A_1527 = arith.select %and3A_1524, %sub3A_1526, %div3A_1505 : i32
    %jit3A_1528 = arith.constant 16384 : i32
    %eq3A_1529 = arith.constant 0 : i32
    %eq3A_1530 = arith.cmpi eq, %jit3A_1528, %eq3A_1529 : i32
    %jit3A_1531 = arith.constant 1 : i32
    %select_n3A_1532 = arith.select %eq3A_1530, %jit3A_1531, %jit3A_1528 : i32
    %rem3A_1533 = arith.remsi %add3A_1503, %select_n3A_1532 : i32
    %ne3A_1534 = arith.constant 0 : i32
    %ne3A_1535 = arith.cmpi ne, %rem3A_1533, %ne3A_1534 : i32
    %lt3A_1536 = arith.constant 0 : i32
    %lt3A_1537 = arith.cmpi slt, %rem3A_1533, %lt3A_1536 : i32
    %lt3A_1538 = arith.constant 0 : i32
    %lt3A_1539 = arith.cmpi slt, %select_n3A_1532, %lt3A_1538 : i32
    %ne3A_1540 = arith.xori %lt3A_1537, %lt3A_1539 : i1
    %and3A_1541 = arith.andi %ne3A_1540, %ne3A_1535 : i1
    %add3A_1542 = arith.addi %rem3A_1533, %select_n3A_1532 : i32
    %select_n3A_1543 = arith.select %and3A_1541, %add3A_1542, %rem3A_1533 : i32
    %dma_start3A_1544 = arith.constant 0 : i32
    %dma_start3A_1545 = tpu.memref_slice %arg4[%select_n3A_1527, %select_n3A_1543, %dma_start3A_1544] : memref<26x16384x64xf32, #tpu.memory_space<hbm>> -> memref<1x512x64xf32, #tpu.memory_space<hbm>>
    %dma_start3A_1546 = tpu.memref_squeeze %dma_start3A_1545 : memref<1x512x64xf32, #tpu.memory_space<hbm>> -> memref<512x64xf32, #tpu.memory_space<hbm>>
    %dma_start3A_1547 = arith.constant 0 : i32
    %dma_start3A_1548 = tpu.memref_slice %arg4[%select_n3A_1527, %select_n3A_1543, %dma_start3A_1547] : memref<26x16384x64xf32, #tpu.memory_space<hbm>> -> memref<1x512x64xf32, #tpu.memory_space<hbm>>
    %dma_start3A_1549 = tpu.memref_squeeze %dma_start3A_1548 : memref<1x512x64xf32, #tpu.memory_space<hbm>> -> memref<512x64xf32, #tpu.memory_space<hbm>>
    tpu.enqueue_dma source(%arg7 : memref<512x64xf32, #tpu.memory_space<vmem>>) target(%dma_start3A_1549 : memref<512x64xf32, #tpu.memory_space<hbm>>) target_semaphore(%arg13 : memref<!tpu.dma_semaphore, #tpu.memory_space<semaphore_mem>>)
    %dma_wait3A_1550 = arith.constant 0 : i32
    %dma_wait3A_1551 = tpu.memref_slice %arg4[%select_n3A_1459, %select_n3A_1475, %dma_wait3A_1550] : memref<26x16384x64xf32, #tpu.memory_space<hbm>> -> memref<1x512x64xf32, #tpu.memory_space<hbm>>
    %dma_wait3A_1552 = tpu.memref_squeeze %dma_wait3A_1551 : memref<1x512x64xf32, #tpu.memory_space<hbm>> -> memref<512x64xf32, #tpu.memory_space<hbm>>
    %dma_wait3A_1553 = arith.constant 0 : i32
    %dma_wait3A_1554 = tpu.memref_slice %arg4[%select_n3A_1459, %select_n3A_1475, %dma_wait3A_1553] : memref<26x16384x64xf32, #tpu.memory_space<hbm>> -> memref<1x512x64xf32, #tpu.memory_space<hbm>>
    %dma_wait3A_1555 = tpu.memref_squeeze %dma_wait3A_1554 : memref<1x512x64xf32, #tpu.memory_space<hbm>> -> memref<512x64xf32, #tpu.memory_space<hbm>>
    tpu.wait_dma2 semaphore(%arg12 : memref<!tpu.dma_semaphore, #tpu.memory_space<semaphore_mem>>) src(%arg6 : memref<512x64xf32, #tpu.memory_space<vmem>>) dst(%dma_wait3A_1555 : memref<512x64xf32, #tpu.memory_space<hbm>>)
    %dma_start3A_1556 = arith.constant 24 : i32
    %dma_start3A_1557 = arith.constant 0 : i32
    %dma_start3A_1558 = tpu.memref_slice %arg5[%dma_start3A_1556, %dma_start3A_1557] : memref<26x512xi32, #tpu.memory_space<vmem>> -> memref<1x512xi32, #tpu.memory_space<vmem>>
    %dma_start3A_1559 = tpu.memref_squeeze %dma_start3A_1558 : memref<1x512xi32, #tpu.memory_space<vmem>> -> memref<512xi32, #tpu.memory_space<vmem>>
    %dma_start3A_1560 = arith.constant 0 : i32
    %dma_start3A_1561 = arith.constant 0 : i32
    %dma_start3A_1562 = tpu.memref_slice %arg3[%dma_start3A_1560, %dma_start3A_1561] : memref<1015808x64xf32, #tpu.memory_space<hbm>> -> memref<1015808x64xf32, #tpu.memory_space<hbm>>
    tpu.enqueue_indirect_dma source(%dma_start3A_1562 : memref<1015808x64xf32, #tpu.memory_space<hbm>>) target(%arg6 : memref<512x64xf32, #tpu.memory_space<vmem>>) offsets(%dma_start3A_1559 : memref<512xi32, #tpu.memory_space<vmem>>) semaphore(%arg9 : memref<!tpu.dma_semaphore, #tpu.memory_space<semaphore_mem>>)
    %dma_wait3A_1563 = arith.constant 23 : i32
    %dma_wait3A_1564 = arith.constant 0 : i32
    %dma_wait3A_1565 = tpu.memref_slice %arg5[%dma_wait3A_1563, %dma_wait3A_1564] : memref<26x512xi32, #tpu.memory_space<vmem>> -> memref<1x512xi32, #tpu.memory_space<vmem>>
    %dma_wait3A_1566 = tpu.memref_squeeze %dma_wait3A_1565 : memref<1x512xi32, #tpu.memory_space<vmem>> -> memref<512xi32, #tpu.memory_space<vmem>>
    %dma_wait3A_1567 = arith.constant 0 : i32
    %dma_wait3A_1568 = arith.constant 0 : i32
    %dma_wait3A_1569 = tpu.memref_slice %arg3[%dma_wait3A_1567, %dma_wait3A_1568] : memref<1015808x64xf32, #tpu.memory_space<hbm>> -> memref<1015808x64xf32, #tpu.memory_space<hbm>>
    tpu.wait_indirect_dma semaphore(%arg11 : memref<!tpu.dma_semaphore, #tpu.memory_space<semaphore_mem>>) src(%dma_wait3A_1569 : memref<1015808x64xf32, #tpu.memory_space<hbm>>) dst(%arg8 : memref<512x64xf32, #tpu.memory_space<vmem>>)
    %add3A_1570 = arith.constant 11776 : i32
    %add3A_1571 = arith.addi %mul3A_2, %add3A_1570 : i32
    %jit3A_1572 = arith.constant 16384 : i32
    %div3A_1573 = arith.divsi %add3A_1571, %jit3A_1572 : i32
    %sign3A_1574 = arith.constant 0 : i32
    %sign3A_1575 = arith.cmpi sgt, %add3A_1571, %sign3A_1574 : i32
    %sign3A_1576 = arith.extui %sign3A_1575 : i1 to i32
    %sign3A_1577 = arith.constant 0 : i32
    %sign3A_1578 = arith.cmpi slt, %add3A_1571, %sign3A_1577 : i32
    %sign3A_1579 = arith.extui %sign3A_1578 : i1 to i32
    %sign3A_1580 = arith.subi %sign3A_1576, %sign3A_1579 : i32
    %sign3A_1581 = arith.constant 0 : i32
    %sign3A_1582 = arith.cmpi sgt, %jit3A_1572, %sign3A_1581 : i32
    %sign3A_1583 = arith.extui %sign3A_1582 : i1 to i32
    %sign3A_1584 = arith.constant 0 : i32
    %sign3A_1585 = arith.cmpi slt, %jit3A_1572, %sign3A_1584 : i32
    %sign3A_1586 = arith.extui %sign3A_1585 : i1 to i32
    %sign3A_1587 = arith.subi %sign3A_1583, %sign3A_1586 : i32
    %ne3A_1588 = arith.cmpi ne, %sign3A_1580, %sign3A_1587 : i32
    %rem3A_1589 = arith.remsi %add3A_1571, %jit3A_1572 : i32
    %ne3A_1590 = arith.constant 0 : i32
    %ne3A_1591 = arith.cmpi ne, %rem3A_1589, %ne3A_1590 : i32
    %and3A_1592 = arith.andi %ne3A_1588, %ne3A_1591 : i1
    %sub3A_1593 = arith.constant 1 : i32
    %sub3A_1594 = arith.subi %div3A_1573, %sub3A_1593 : i32
    %select_n3A_1595 = arith.select %and3A_1592, %sub3A_1594, %div3A_1573 : i32
    %jit3A_1596 = arith.constant 16384 : i32
    %eq3A_1597 = arith.constant 0 : i32
    %eq3A_1598 = arith.cmpi eq, %jit3A_1596, %eq3A_1597 : i32
    %jit3A_1599 = arith.constant 1 : i32
    %select_n3A_1600 = arith.select %eq3A_1598, %jit3A_1599, %jit3A_1596 : i32
    %rem3A_1601 = arith.remsi %add3A_1571, %select_n3A_1600 : i32
    %ne3A_1602 = arith.constant 0 : i32
    %ne3A_1603 = arith.cmpi ne, %rem3A_1601, %ne3A_1602 : i32
    %lt3A_1604 = arith.constant 0 : i32
    %lt3A_1605 = arith.cmpi slt, %rem3A_1601, %lt3A_1604 : i32
    %lt3A_1606 = arith.constant 0 : i32
    %lt3A_1607 = arith.cmpi slt, %select_n3A_1600, %lt3A_1606 : i32
    %ne3A_1608 = arith.xori %lt3A_1605, %lt3A_1607 : i1
    %and3A_1609 = arith.andi %ne3A_1608, %ne3A_1603 : i1
    %add3A_1610 = arith.addi %rem3A_1601, %select_n3A_1600 : i32
    %select_n3A_1611 = arith.select %and3A_1609, %add3A_1610, %rem3A_1601 : i32
    %dma_start3A_1612 = arith.constant 0 : i32
    %dma_start3A_1613 = tpu.memref_slice %arg4[%select_n3A_1595, %select_n3A_1611, %dma_start3A_1612] : memref<26x16384x64xf32, #tpu.memory_space<hbm>> -> memref<1x512x64xf32, #tpu.memory_space<hbm>>
    %dma_start3A_1614 = tpu.memref_squeeze %dma_start3A_1613 : memref<1x512x64xf32, #tpu.memory_space<hbm>> -> memref<512x64xf32, #tpu.memory_space<hbm>>
    %dma_start3A_1615 = arith.constant 0 : i32
    %dma_start3A_1616 = tpu.memref_slice %arg4[%select_n3A_1595, %select_n3A_1611, %dma_start3A_1615] : memref<26x16384x64xf32, #tpu.memory_space<hbm>> -> memref<1x512x64xf32, #tpu.memory_space<hbm>>
    %dma_start3A_1617 = tpu.memref_squeeze %dma_start3A_1616 : memref<1x512x64xf32, #tpu.memory_space<hbm>> -> memref<512x64xf32, #tpu.memory_space<hbm>>
    tpu.enqueue_dma source(%arg8 : memref<512x64xf32, #tpu.memory_space<vmem>>) target(%dma_start3A_1617 : memref<512x64xf32, #tpu.memory_space<hbm>>) target_semaphore(%arg14 : memref<!tpu.dma_semaphore, #tpu.memory_space<semaphore_mem>>)
    %dma_wait3A_1618 = arith.constant 0 : i32
    %dma_wait3A_1619 = tpu.memref_slice %arg4[%select_n3A_1527, %select_n3A_1543, %dma_wait3A_1618] : memref<26x16384x64xf32, #tpu.memory_space<hbm>> -> memref<1x512x64xf32, #tpu.memory_space<hbm>>
    %dma_wait3A_1620 = tpu.memref_squeeze %dma_wait3A_1619 : memref<1x512x64xf32, #tpu.memory_space<hbm>> -> memref<512x64xf32, #tpu.memory_space<hbm>>
    %dma_wait3A_1621 = arith.constant 0 : i32
    %dma_wait3A_1622 = tpu.memref_slice %arg4[%select_n3A_1527, %select_n3A_1543, %dma_wait3A_1621] : memref<26x16384x64xf32, #tpu.memory_space<hbm>> -> memref<1x512x64xf32, #tpu.memory_space<hbm>>
    %dma_wait3A_1623 = tpu.memref_squeeze %dma_wait3A_1622 : memref<1x512x64xf32, #tpu.memory_space<hbm>> -> memref<512x64xf32, #tpu.memory_space<hbm>>
    tpu.wait_dma2 semaphore(%arg13 : memref<!tpu.dma_semaphore, #tpu.memory_space<semaphore_mem>>) src(%arg7 : memref<512x64xf32, #tpu.memory_space<vmem>>) dst(%dma_wait3A_1623 : memref<512x64xf32, #tpu.memory_space<hbm>>)
    %dma_start3A_1624 = arith.constant 25 : i32
    %dma_start3A_1625 = arith.constant 0 : i32
    %dma_start3A_1626 = tpu.memref_slice %arg5[%dma_start3A_1624, %dma_start3A_1625] : memref<26x512xi32, #tpu.memory_space<vmem>> -> memref<1x512xi32, #tpu.memory_space<vmem>>
    %dma_start3A_1627 = tpu.memref_squeeze %dma_start3A_1626 : memref<1x512xi32, #tpu.memory_space<vmem>> -> memref<512xi32, #tpu.memory_space<vmem>>
    %dma_start3A_1628 = arith.constant 0 : i32
    %dma_start3A_1629 = arith.constant 0 : i32
    %dma_start3A_1630 = tpu.memref_slice %arg3[%dma_start3A_1628, %dma_start3A_1629] : memref<1015808x64xf32, #tpu.memory_space<hbm>> -> memref<1015808x64xf32, #tpu.memory_space<hbm>>
    tpu.enqueue_indirect_dma source(%dma_start3A_1630 : memref<1015808x64xf32, #tpu.memory_space<hbm>>) target(%arg7 : memref<512x64xf32, #tpu.memory_space<vmem>>) offsets(%dma_start3A_1627 : memref<512xi32, #tpu.memory_space<vmem>>) semaphore(%arg10 : memref<!tpu.dma_semaphore, #tpu.memory_space<semaphore_mem>>)
    %dma_wait3A_1631 = arith.constant 24 : i32
    %dma_wait3A_1632 = arith.constant 0 : i32
    %dma_wait3A_1633 = tpu.memref_slice %arg5[%dma_wait3A_1631, %dma_wait3A_1632] : memref<26x512xi32, #tpu.memory_space<vmem>> -> memref<1x512xi32, #tpu.memory_space<vmem>>
    %dma_wait3A_1634 = tpu.memref_squeeze %dma_wait3A_1633 : memref<1x512xi32, #tpu.memory_space<vmem>> -> memref<512xi32, #tpu.memory_space<vmem>>
    %dma_wait3A_1635 = arith.constant 0 : i32
    %dma_wait3A_1636 = arith.constant 0 : i32
    %dma_wait3A_1637 = tpu.memref_slice %arg3[%dma_wait3A_1635, %dma_wait3A_1636] : memref<1015808x64xf32, #tpu.memory_space<hbm>> -> memref<1015808x64xf32, #tpu.memory_space<hbm>>
    tpu.wait_indirect_dma semaphore(%arg9 : memref<!tpu.dma_semaphore, #tpu.memory_space<semaphore_mem>>) src(%dma_wait3A_1637 : memref<1015808x64xf32, #tpu.memory_space<hbm>>) dst(%arg6 : memref<512x64xf32, #tpu.memory_space<vmem>>)
    %add3A_1638 = arith.constant 12288 : i32
    %add3A_1639 = arith.addi %mul3A_2, %add3A_1638 : i32
    %jit3A_1640 = arith.constant 16384 : i32
    %div3A_1641 = arith.divsi %add3A_1639, %jit3A_1640 : i32
    %sign3A_1642 = arith.constant 0 : i32
    %sign3A_1643 = arith.cmpi sgt, %add3A_1639, %sign3A_1642 : i32
    %sign3A_1644 = arith.extui %sign3A_1643 : i1 to i32
    %sign3A_1645 = arith.constant 0 : i32
    %sign3A_1646 = arith.cmpi slt, %add3A_1639, %sign3A_1645 : i32
    %sign3A_1647 = arith.extui %sign3A_1646 : i1 to i32
    %sign3A_1648 = arith.subi %sign3A_1644, %sign3A_1647 : i32
    %sign3A_1649 = arith.constant 0 : i32
    %sign3A_1650 = arith.cmpi sgt, %jit3A_1640, %sign3A_1649 : i32
    %sign3A_1651 = arith.extui %sign3A_1650 : i1 to i32
    %sign3A_1652 = arith.constant 0 : i32
    %sign3A_1653 = arith.cmpi slt, %jit3A_1640, %sign3A_1652 : i32
    %sign3A_1654 = arith.extui %sign3A_1653 : i1 to i32
    %sign3A_1655 = arith.subi %sign3A_1651, %sign3A_1654 : i32
    %ne3A_1656 = arith.cmpi ne, %sign3A_1648, %sign3A_1655 : i32
    %rem3A_1657 = arith.remsi %add3A_1639, %jit3A_1640 : i32
    %ne3A_1658 = arith.constant 0 : i32
    %ne3A_1659 = arith.cmpi ne, %rem3A_1657, %ne3A_1658 : i32
    %and3A_1660 = arith.andi %ne3A_1656, %ne3A_1659 : i1
    %sub3A_1661 = arith.constant 1 : i32
    %sub3A_1662 = arith.subi %div3A_1641, %sub3A_1661 : i32
    %select_n3A_1663 = arith.select %and3A_1660, %sub3A_1662, %div3A_1641 : i32
    %jit3A_1664 = arith.constant 16384 : i32
    %eq3A_1665 = arith.constant 0 : i32
    %eq3A_1666 = arith.cmpi eq, %jit3A_1664, %eq3A_1665 : i32
    %jit3A_1667 = arith.constant 1 : i32
    %select_n3A_1668 = arith.select %eq3A_1666, %jit3A_1667, %jit3A_1664 : i32
    %rem3A_1669 = arith.remsi %add3A_1639, %select_n3A_1668 : i32
    %ne3A_1670 = arith.constant 0 : i32
    %ne3A_1671 = arith.cmpi ne, %rem3A_1669, %ne3A_1670 : i32
    %lt3A_1672 = arith.constant 0 : i32
    %lt3A_1673 = arith.cmpi slt, %rem3A_1669, %lt3A_1672 : i32
    %lt3A_1674 = arith.constant 0 : i32
    %lt3A_1675 = arith.cmpi slt, %select_n3A_1668, %lt3A_1674 : i32
    %ne3A_1676 = arith.xori %lt3A_1673, %lt3A_1675 : i1
    %and3A_1677 = arith.andi %ne3A_1676, %ne3A_1671 : i1
    %add3A_1678 = arith.addi %rem3A_1669, %select_n3A_1668 : i32
    %select_n3A_1679 = arith.select %and3A_1677, %add3A_1678, %rem3A_1669 : i32
    %dma_start3A_1680 = arith.constant 0 : i32
    %dma_start3A_1681 = tpu.memref_slice %arg4[%select_n3A_1663, %select_n3A_1679, %dma_start3A_1680] : memref<26x16384x64xf32, #tpu.memory_space<hbm>> -> memref<1x512x64xf32, #tpu.memory_space<hbm>>
    %dma_start3A_1682 = tpu.memref_squeeze %dma_start3A_1681 : memref<1x512x64xf32, #tpu.memory_space<hbm>> -> memref<512x64xf32, #tpu.memory_space<hbm>>
    %dma_start3A_1683 = arith.constant 0 : i32
    %dma_start3A_1684 = tpu.memref_slice %arg4[%select_n3A_1663, %select_n3A_1679, %dma_start3A_1683] : memref<26x16384x64xf32, #tpu.memory_space<hbm>> -> memref<1x512x64xf32, #tpu.memory_space<hbm>>
    %dma_start3A_1685 = tpu.memref_squeeze %dma_start3A_1684 : memref<1x512x64xf32, #tpu.memory_space<hbm>> -> memref<512x64xf32, #tpu.memory_space<hbm>>
    tpu.enqueue_dma source(%arg6 : memref<512x64xf32, #tpu.memory_space<vmem>>) target(%dma_start3A_1685 : memref<512x64xf32, #tpu.memory_space<hbm>>) target_semaphore(%arg12 : memref<!tpu.dma_semaphore, #tpu.memory_space<semaphore_mem>>)
    %dma_wait3A_1686 = arith.constant 25 : i32
    %dma_wait3A_1687 = arith.constant 0 : i32
    %dma_wait3A_1688 = tpu.memref_slice %arg5[%dma_wait3A_1686, %dma_wait3A_1687] : memref<26x512xi32, #tpu.memory_space<vmem>> -> memref<1x512xi32, #tpu.memory_space<vmem>>
    %dma_wait3A_1689 = tpu.memref_squeeze %dma_wait3A_1688 : memref<1x512xi32, #tpu.memory_space<vmem>> -> memref<512xi32, #tpu.memory_space<vmem>>
    %dma_wait3A_1690 = arith.constant 0 : i32
    %dma_wait3A_1691 = arith.constant 0 : i32
    %dma_wait3A_1692 = tpu.memref_slice %arg3[%dma_wait3A_1690, %dma_wait3A_1691] : memref<1015808x64xf32, #tpu.memory_space<hbm>> -> memref<1015808x64xf32, #tpu.memory_space<hbm>>
    tpu.wait_indirect_dma semaphore(%arg10 : memref<!tpu.dma_semaphore, #tpu.memory_space<semaphore_mem>>) src(%dma_wait3A_1692 : memref<1015808x64xf32, #tpu.memory_space<hbm>>) dst(%arg7 : memref<512x64xf32, #tpu.memory_space<vmem>>)
    %add3A_1693 = arith.constant 12800 : i32
    %add3A_1694 = arith.addi %mul3A_2, %add3A_1693 : i32
    %jit3A_1695 = arith.constant 16384 : i32
    %div3A_1696 = arith.divsi %add3A_1694, %jit3A_1695 : i32
    %sign3A_1697 = arith.constant 0 : i32
    %sign3A_1698 = arith.cmpi sgt, %add3A_1694, %sign3A_1697 : i32
    %sign3A_1699 = arith.extui %sign3A_1698 : i1 to i32
    %sign3A_1700 = arith.constant 0 : i32
    %sign3A_1701 = arith.cmpi slt, %add3A_1694, %sign3A_1700 : i32
    %sign3A_1702 = arith.extui %sign3A_1701 : i1 to i32
    %sign3A_1703 = arith.subi %sign3A_1699, %sign3A_1702 : i32
    %sign3A_1704 = arith.constant 0 : i32
    %sign3A_1705 = arith.cmpi sgt, %jit3A_1695, %sign3A_1704 : i32
    %sign3A_1706 = arith.extui %sign3A_1705 : i1 to i32
    %sign3A_1707 = arith.constant 0 : i32
    %sign3A_1708 = arith.cmpi slt, %jit3A_1695, %sign3A_1707 : i32
    %sign3A_1709 = arith.extui %sign3A_1708 : i1 to i32
    %sign3A_1710 = arith.subi %sign3A_1706, %sign3A_1709 : i32
    %ne3A_1711 = arith.cmpi ne, %sign3A_1703, %sign3A_1710 : i32
    %rem3A_1712 = arith.remsi %add3A_1694, %jit3A_1695 : i32
    %ne3A_1713 = arith.constant 0 : i32
    %ne3A_1714 = arith.cmpi ne, %rem3A_1712, %ne3A_1713 : i32
    %and3A_1715 = arith.andi %ne3A_1711, %ne3A_1714 : i1
    %sub3A_1716 = arith.constant 1 : i32
    %sub3A_1717 = arith.subi %div3A_1696, %sub3A_1716 : i32
    %select_n3A_1718 = arith.select %and3A_1715, %sub3A_1717, %div3A_1696 : i32
    %jit3A_1719 = arith.constant 16384 : i32
    %eq3A_1720 = arith.constant 0 : i32
    %eq3A_1721 = arith.cmpi eq, %jit3A_1719, %eq3A_1720 : i32
    %jit3A_1722 = arith.constant 1 : i32
    %select_n3A_1723 = arith.select %eq3A_1721, %jit3A_1722, %jit3A_1719 : i32
    %rem3A_1724 = arith.remsi %add3A_1694, %select_n3A_1723 : i32
    %ne3A_1725 = arith.constant 0 : i32
    %ne3A_1726 = arith.cmpi ne, %rem3A_1724, %ne3A_1725 : i32
    %lt3A_1727 = arith.constant 0 : i32
    %lt3A_1728 = arith.cmpi slt, %rem3A_1724, %lt3A_1727 : i32
    %lt3A_1729 = arith.constant 0 : i32
    %lt3A_1730 = arith.cmpi slt, %select_n3A_1723, %lt3A_1729 : i32
    %ne3A_1731 = arith.xori %lt3A_1728, %lt3A_1730 : i1
    %and3A_1732 = arith.andi %ne3A_1731, %ne3A_1726 : i1
    %add3A_1733 = arith.addi %rem3A_1724, %select_n3A_1723 : i32
    %select_n3A_1734 = arith.select %and3A_1732, %add3A_1733, %rem3A_1724 : i32
    %dma_start3A_1735 = arith.constant 0 : i32
    %dma_start3A_1736 = tpu.memref_slice %arg4[%select_n3A_1718, %select_n3A_1734, %dma_start3A_1735] : memref<26x16384x64xf32, #tpu.memory_space<hbm>> -> memref<1x512x64xf32, #tpu.memory_space<hbm>>
    %dma_start3A_1737 = tpu.memref_squeeze %dma_start3A_1736 : memref<1x512x64xf32, #tpu.memory_space<hbm>> -> memref<512x64xf32, #tpu.memory_space<hbm>>
    %dma_start3A_1738 = arith.constant 0 : i32
    %dma_start3A_1739 = tpu.memref_slice %arg4[%select_n3A_1718, %select_n3A_1734, %dma_start3A_1738] : memref<26x16384x64xf32, #tpu.memory_space<hbm>> -> memref<1x512x64xf32, #tpu.memory_space<hbm>>
    %dma_start3A_1740 = tpu.memref_squeeze %dma_start3A_1739 : memref<1x512x64xf32, #tpu.memory_space<hbm>> -> memref<512x64xf32, #tpu.memory_space<hbm>>
    tpu.enqueue_dma source(%arg7 : memref<512x64xf32, #tpu.memory_space<vmem>>) target(%dma_start3A_1740 : memref<512x64xf32, #tpu.memory_space<hbm>>) target_semaphore(%arg13 : memref<!tpu.dma_semaphore, #tpu.memory_space<semaphore_mem>>)
    %dma_wait3A_1741 = arith.constant 0 : i32
    %dma_wait3A_1742 = tpu.memref_slice %arg4[%select_n3A_1595, %select_n3A_1611, %dma_wait3A_1741] : memref<26x16384x64xf32, #tpu.memory_space<hbm>> -> memref<1x512x64xf32, #tpu.memory_space<hbm>>
    %dma_wait3A_1743 = tpu.memref_squeeze %dma_wait3A_1742 : memref<1x512x64xf32, #tpu.memory_space<hbm>> -> memref<512x64xf32, #tpu.memory_space<hbm>>
    %dma_wait3A_1744 = arith.constant 0 : i32
    %dma_wait3A_1745 = tpu.memref_slice %arg4[%select_n3A_1595, %select_n3A_1611, %dma_wait3A_1744] : memref<26x16384x64xf32, #tpu.memory_space<hbm>> -> memref<1x512x64xf32, #tpu.memory_space<hbm>>
    %dma_wait3A_1746 = tpu.memref_squeeze %dma_wait3A_1745 : memref<1x512x64xf32, #tpu.memory_space<hbm>> -> memref<512x64xf32, #tpu.memory_space<hbm>>
    tpu.wait_dma2 semaphore(%arg14 : memref<!tpu.dma_semaphore, #tpu.memory_space<semaphore_mem>>) src(%arg8 : memref<512x64xf32, #tpu.memory_space<vmem>>) dst(%dma_wait3A_1746 : memref<512x64xf32, #tpu.memory_space<hbm>>)
    %dma_wait3A_1747 = arith.constant 0 : i32
    %dma_wait3A_1748 = tpu.memref_slice %arg4[%select_n3A_1663, %select_n3A_1679, %dma_wait3A_1747] : memref<26x16384x64xf32, #tpu.memory_space<hbm>> -> memref<1x512x64xf32, #tpu.memory_space<hbm>>
    %dma_wait3A_1749 = tpu.memref_squeeze %dma_wait3A_1748 : memref<1x512x64xf32, #tpu.memory_space<hbm>> -> memref<512x64xf32, #tpu.memory_space<hbm>>
    %dma_wait3A_1750 = arith.constant 0 : i32
    %dma_wait3A_1751 = tpu.memref_slice %arg4[%select_n3A_1663, %select_n3A_1679, %dma_wait3A_1750] : memref<26x16384x64xf32, #tpu.memory_space<hbm>> -> memref<1x512x64xf32, #tpu.memory_space<hbm>>
    %dma_wait3A_1752 = tpu.memref_squeeze %dma_wait3A_1751 : memref<1x512x64xf32, #tpu.memory_space<hbm>> -> memref<512x64xf32, #tpu.memory_space<hbm>>
    tpu.wait_dma2 semaphore(%arg12 : memref<!tpu.dma_semaphore, #tpu.memory_space<semaphore_mem>>) src(%arg6 : memref<512x64xf32, #tpu.memory_space<vmem>>) dst(%dma_wait3A_1752 : memref<512x64xf32, #tpu.memory_space<hbm>>)
    %dma_wait3A_1753 = arith.constant 0 : i32
    %dma_wait3A_1754 = tpu.memref_slice %arg4[%select_n3A_1718, %select_n3A_1734, %dma_wait3A_1753] : memref<26x16384x64xf32, #tpu.memory_space<hbm>> -> memref<1x512x64xf32, #tpu.memory_space<hbm>>
    %dma_wait3A_1755 = tpu.memref_squeeze %dma_wait3A_1754 : memref<1x512x64xf32, #tpu.memory_space<hbm>> -> memref<512x64xf32, #tpu.memory_space<hbm>>
    %dma_wait3A_1756 = arith.constant 0 : i32
    %dma_wait3A_1757 = tpu.memref_slice %arg4[%select_n3A_1718, %select_n3A_1734, %dma_wait3A_1756] : memref<26x16384x64xf32, #tpu.memory_space<hbm>> -> memref<1x512x64xf32, #tpu.memory_space<hbm>>
    %dma_wait3A_1758 = tpu.memref_squeeze %dma_wait3A_1757 : memref<1x512x64xf32, #tpu.memory_space<hbm>> -> memref<512x64xf32, #tpu.memory_space<hbm>>
    tpu.wait_dma2 semaphore(%arg13 : memref<!tpu.dma_semaphore, #tpu.memory_space<semaphore_mem>>) src(%arg7 : memref<512x64xf32, #tpu.memory_space<vmem>>) dst(%dma_wait3A_1758 : memref<512x64xf32, #tpu.memory_space<hbm>>)
    return
  }
}

module attributes {stable_mosaic.version = 14 : i64} {
  func.func @_tc_transpose_body(%arg0: i32, %arg1: memref<64x8192xf32, #tpu.memory_space<vmem>>, %arg2: memref<64x8192xf32, #tpu.memory_space<vmem>>, %arg3: memref<64x8192xf32, #tpu.memory_space<vmem>>, %arg4: memref<64x8192xf32, #tpu.memory_space<vmem>>, %arg5: memref<64x64xf32, #tpu.memory_space<vmem>>, %arg6: memref<8192x128xf32, #tpu.memory_space<vmem>>) attributes {dimension_semantics = [#tpu.dimension_semantics<arbitrary>], iteration_bounds = array<i64: 62>, scalar_prefetch = 0 : i64, scratch_operands = 0 : i64, tpu.core_type = #tpu.core_type<tc>, window_params = [{transform_indices = @transform_0, window_bounds = array<i64: 64, 8192>}, {transform_indices = @transform_1, window_bounds = array<i64: 64, 8192>}, {transform_indices = @transform_2, window_bounds = array<i64: 64, 8192>}, {transform_indices = @transform_3, window_bounds = array<i64: 64, 8192>}, {pipeline_mode = #tpu.pipeline_mode<synchronous>, transform_indices = @transform_4, window_bounds = array<i64: 64, 64>}, {transform_indices = @transform_5, window_bounds = array<i64: 8192, 128>}]} {
    %get3A = arith.constant 0 : index
    %get3A_0 = arith.constant 0 : index
    %get3A_1 = vector.load %arg5[%get3A, %get3A_0] : memref<64x64xf32, #tpu.memory_space<vmem>>, vector<64x64xf32>
    %lt3A = arith.constant 61 : i32
    %lt3A_2 = arith.cmpi slt, %arg0, %lt3A : i32
    %convert_element_type3A = arith.extui %lt3A_2 : i1 to i32
    %cond3A = arith.constant 0 : i32
    %cond3A_3 = arith.cmpi ne, %convert_element_type3A, %cond3A : i32
    scf.if %cond3A_3 {
      %get3A_8 = arith.constant 0 : index
      %get3A_9 = arith.constant 0 : index
      %get3A_10 = vector.load %arg1[%get3A_8, %get3A_9] : memref<64x8192xf32, #tpu.memory_space<vmem>>, vector<64x8192xf32>
      %dot_general3A = arith.constant dense<0.000000e+00> : vector<8192x64xf32>
      %dot_general3A_11 = tpu.matmul %get3A_10, %get3A_1, %dot_general3A {dimension_numbers = #tpu.dot_dimension_numbers<[0], [0], [1], [1], [0, 1, 1, 1], [], []>, transpose_lhs_hint = false} : vector<64x8192xf32>, vector<64x64xf32>, vector<8192x64xf32> -> vector<8192x64xf32>
      %swap3A = arith.constant 0 : index
      %swap3A_12 = arith.constant 0 : index
      %swap3A_13 = vector.load %arg6[%swap3A, %swap3A_12] : memref<8192x128xf32, #tpu.memory_space<vmem>>, vector<8192x64xf32>
      tpu.vector_store %arg6[%swap3A, %swap3A_12], %dot_general3A_11 {strides = array<i32>} : memref<8192x128xf32, #tpu.memory_space<vmem>>, vector<8192x64xf32>,
      %get3A_14 = arith.constant 0 : index
      %get3A_15 = arith.constant 0 : index
      %get3A_16 = vector.load %arg2[%get3A_14, %get3A_15] : memref<64x8192xf32, #tpu.memory_space<vmem>>, vector<64x8192xf32>
      %dot_general3A_17 = arith.constant dense<0.000000e+00> : vector<8192x64xf32>
      %dot_general3A_18 = tpu.matmul %get3A_16, %get3A_1, %dot_general3A_17 {dimension_numbers = #tpu.dot_dimension_numbers<[0], [0], [1], [1], [0, 1, 1, 1], [], []>, transpose_lhs_hint = false} : vector<64x8192xf32>, vector<64x64xf32>, vector<8192x64xf32> -> vector<8192x64xf32>
      %swap3A_19 = arith.constant 0 : index
      %swap3A_20 = arith.constant 64 : index
      %swap3A_21 = vector.load %arg6[%swap3A_19, %swap3A_20] : memref<8192x128xf32, #tpu.memory_space<vmem>>, vector<8192x64xf32>
      tpu.vector_store %arg6[%swap3A_19, %swap3A_20], %dot_general3A_18 {strides = array<i32>} : memref<8192x128xf32, #tpu.memory_space<vmem>>, vector<8192x64xf32>,
    } else {
    }
    %eq3A = arith.constant 61 : i32
    %eq3A_4 = arith.cmpi eq, %arg0, %eq3A : i32
    %convert_element_type3A_5 = arith.extui %eq3A_4 : i1 to i32
    %cond3A_6 = arith.constant 0 : i32
    %cond3A_7 = arith.cmpi ne, %convert_element_type3A_5, %cond3A_6 : i32
    scf.if %cond3A_7 {
      %get3A_8 = arith.constant 0 : index
      %get3A_9 = arith.constant 0 : index
      %get3A_10 = vector.load %arg3[%get3A_8, %get3A_9] : memref<64x8192xf32, #tpu.memory_space<vmem>>, vector<64x8192xf32>
      %dot_general3A = arith.constant dense<0.000000e+00> : vector<8192x64xf32>
      %dot_general3A_11 = tpu.matmul %get3A_10, %get3A_1, %dot_general3A {dimension_numbers = #tpu.dot_dimension_numbers<[0], [0], [1], [1], [0, 1, 1, 1], [], []>, transpose_lhs_hint = false} : vector<64x8192xf32>, vector<64x64xf32>, vector<8192x64xf32> -> vector<8192x64xf32>
      %swap3A = arith.constant 0 : index
      %swap3A_12 = arith.constant 0 : index
      %swap3A_13 = vector.load %arg6[%swap3A, %swap3A_12] : memref<8192x128xf32, #tpu.memory_space<vmem>>, vector<8192x64xf32>
      tpu.vector_store %arg6[%swap3A, %swap3A_12], %dot_general3A_11 {strides = array<i32>} : memref<8192x128xf32, #tpu.memory_space<vmem>>, vector<8192x64xf32>,
      %get3A_14 = arith.constant 0 : index
      %get3A_15 = arith.constant 0 : index
      %get3A_16 = vector.load %arg4[%get3A_14, %get3A_15] : memref<64x8192xf32, #tpu.memory_space<vmem>>, vector<64x8192xf32>
      %dot_general3A_17 = arith.constant dense<0.000000e+00> : vector<8192x64xf32>
      %dot_general3A_18 = tpu.matmul %get3A_16, %get3A_1, %dot_general3A_17 {dimension_numbers = #tpu.dot_dimension_numbers<[0], [0], [1], [1], [0, 1, 1, 1], [], []>, transpose_lhs_hint = false} : vector<64x8192xf32>, vector<64x64xf32>, vector<8192x64xf32> -> vector<8192x64xf32>
      %swap3A_19 = arith.constant 0 : index
      %swap3A_20 = arith.constant 64 : index
      %swap3A_21 = vector.load %arg6[%swap3A_19, %swap3A_20] : memref<8192x128xf32, #tpu.memory_space<vmem>>, vector<8192x64xf32>
      tpu.vector_store %arg6[%swap3A_19, %swap3A_20], %dot_general3A_18 {strides = array<i32>} : memref<8192x128xf32, #tpu.memory_space<vmem>>, vector<8192x64xf32>,
    } else {
    }
    return
  }
  func.func @transform_0(%arg0: i32) -> (i32, i32) {
    %mul3A = arith.constant 2 : i32
    %mul3A_0 = arith.muli %mul3A, %arg0 : i32
    %min3A = arith.constant 121 : i32
    %min3A_1 = arith.minsi %mul3A_0, %min3A : i32
    %c0_i32 = arith.constant 0 : i32
    %c0_i32_2 = arith.constant 0 : i32
    return %c0_i32, %min3A_1 : i32, i32
  }
  func.func @transform_1(%arg0: i32) -> (i32, i32) {
    %mul3A = arith.constant 2 : i32
    %mul3A_0 = arith.muli %mul3A, %arg0 : i32
    %add3A = arith.constant 1 : i32
    %add3A_1 = arith.addi %mul3A_0, %add3A : i32
    %min3A = arith.constant 121 : i32
    %min3A_2 = arith.minsi %add3A_1, %min3A : i32
    %c0_i32 = arith.constant 0 : i32
    %c0_i32_3 = arith.constant 0 : i32
    return %c0_i32, %min3A_2 : i32, i32
  }
  func.func @transform_2(%arg0: i32) -> (i32, i32) {
    %c0_i32 = arith.constant 0 : i32
    %c0_i32_0 = arith.constant 0 : i32
    %c0_i32_1 = arith.constant 0 : i32
    return %c0_i32, %c0_i32_0 : i32, i32
  }
  func.func @transform_3(%arg0: i32) -> (i32, i32) {
    %c0_i32 = arith.constant 0 : i32
    %c1_i32 = arith.constant 1 : i32
    %c0_i32_0 = arith.constant 0 : i32
    return %c0_i32, %c1_i32 : i32, i32
  }
  func.func @transform_4(%arg0: i32) -> (i32, i32) {
    %c0_i32 = arith.constant 0 : i32
    %c0_i32_0 = arith.constant 0 : i32
    %c0_i32_1 = arith.constant 0 : i32
    return %c0_i32, %c0_i32_0 : i32, i32
  }
  func.func @transform_5(%arg0: i32) -> (i32, i32) {
    %c0_i32 = arith.constant 0 : i32
    %c0_i32_0 = arith.constant 0 : i32
    return %arg0, %c0_i32 : i32, i32
  }
}

</mosaic_0001>

<sc_bundles>
// kernel: kernel.4.cloned.1.call-start
scs
__scs_entry_jumppad:
0x0: {  	(pc) =	sbr.rel $0x88, $3  }
0x1: {  	(tag) =	ssettag $0x0;
	lr =	simm.s32 $0x1  }
0x2: {  	[smem:$0x3F9F] =	sst lr;
	_ =	strace $0xD0000000  }
0x3: {  	_ = 	snop  }
0x4: {  	_ = 	snop  }
0x5: {  	_ = 	snop  }
0x6: {  	_ = 	snop  }
0x7: {  	_ = 	snop  }
__scs_overlays_trampoline_lowered:
0x8: {  	[smem:$0x3FAE] =	sst s0  }
0x9: {  	[smem:$0x3FAF] =	sst s1  }
0xa: {  	[smem:$0x3FB0] =	sst s2  }
0xb: {  	[smem:$0x3FB1] =	sst s3  }
0xc: {  	[smem:$0x3FB2] =	sst s4  }
0xd: {  	[smem:$0x3FB3] =	sst s5  }
0xe: {  	[smem:$0x3FB4] =	sst s6  }
0xf: {  	[smem:$0x3FB5] =	sst s7  }
0x10: {  	[smem:$0x3FB6] =	sst s8  }
0x11: {  	[smem:$0x3FB7] =	sst s9;
	s0 =	simm.s32 @!p0 $0x0  }
0x12: {  	s1 =	sld [smem:$0x3F9D];
	s0 =	simm.s32 @p0 $0x1  }
0x13: {  	[smem:$0x3FB8] =	sst s0;
	s0 =	simm.s32 @!p1 $0x0  }
0x14: {  	s2 =	sld [smem:$0x3F9C];
	s0 =	simm.s32 @p1 $0x1  }
0x15: {  	[smem:$0x3FB9] =	sst s0;
	s0 =	simm.s32 @!p2 $0x0  }
0x16: {  	s3 =	sld [smem:$0x3FDB];
	s0 =	simm.s32 @p2 $0x1  }
0x17: {  	s4 =	simm.s32 $0x1BF5;
	[smem:$0x3FBB] =	sst s0  }
0x18: {  	s0 =	sld [smem:$0x3F9E];
	_ =	swait.ge [sflag:s4], $0x0  }
0x19: {  	s7 =	sld [smem:$0x3F9F]  }
0x1a: {  	s8 =	sadd.s32 $0xFFFFE003, lr  }
0x1b: {  	s9 =	sadd.s32 $0xFFFFFEF7, lr;
	s5 =	simm.s32 $0xFFFFFFFF;
	p2 =	slt.u32 s8, $0xFFFFF086  }
0x1c: {  	p1 =	slt.u32 s9, $0xF7A;
	s5 =	simm.s32 @!p2 $0x0  }
0x1d: {  	s5 =	simm.s32 @p1 $0x1;
	p0 =	seq.s32 s7, s2  }
0x1e: {  	s7 =	smul.u32 @!p0 $0xF7A, s2;
	p2 =	seq.s32 @!p0 s5, $0x0  }
0x1f: {  	s9 =	smul.u32 $0xF7A, s1;
	s8 =	simm.s32 @!p0 $0x1BF5;
	p2 =	por !p2, p0  }
0x20: {  	[sflag:s8] =	ssyncset.s32 @!p0 $0xFFFFF086;
	s6 =	sadd.s32 @!p0 s3, s7;
	s7 =	simm.s32 @!p0 $0x108  }
0x21: {  	s3 =	sadd.s32 s3, s9;
	s6 =	sadd.s32 @!p0 $0x88, s6;
	s7 =	simm.s32 @p2 $0x1082  }
0x22: {  	[simem:s7], [sflag:s8] =	dma.local @!p0 [hbm:s6], $0xF7A  }
0x23: {  	s9 =	sor.u32 $0xD0000000, s2;
	s6 =	simm.s32 $0x108;
	_ =	swait.ge @!p0 [sflag:s8], $0x0  }
0x24: {  	s3 =	sadd.s32 $0x88, s3;
	s6 =	simm.s32 @!p1 $0x1082;
	[sflag:s4] =	ssyncset.s32 $0xFFFFF086  }
0x25: {  	[simem:s6], [sflag:s4] =	dma.local [hbm:s3], $0xF7A  }
0x26: {  	[smem:$0x3F9F] =	sst s1;
	(tag) =	ssettag s2;
	_ =	strace s9  }
0x27: {  	s1 =	sld [smem:$0x3FAF]  }
0x28: {  	s2 =	sld [smem:$0x3FB0]  }
0x29: {  	s4 =	sld [smem:$0x3FB2]  }
0x2a: {  	p0 =	seq.s32 s5, $0x0;
	s5 =	sld [smem:$0x3FB3]  }
0x2b: {  	s6 =	sld [smem:$0x3FB4]  }
0x2c: {  	s7 =	sld [smem:$0x3FB5]  }
0x2d: {  	s3 =	simm.s32 $0x108;
	s8 =	sld [smem:$0x3FB6]  }
0x2e: {  	s3 =	simm.s32 @!p0 $0x1082;
	s9 =	sld [smem:$0x3FB7]  }
0x2f: {  	lr =	sadd.s32 s0, s3;
	s0 =	sld [smem:$0x3FAE]  }
0x30: {  	s3 =	sld [smem:$0x3FB1]  }
0x31: {  	[smem:$0x3FBA] =	sst s10  }
0x32: {  	s10 =	sld [smem:$0x3FB8];
	_ =	sdelay $0x3  }
0x33: {  	p0 =	seq.s32 s10, $0x1;
	s10 =	sld [smem:$0x3FBA];
	_ =	sdelay $0x3  }
0x34: {  	[smem:$0x3FBA] =	sst s10  }
0x35: {  	s10 =	sld [smem:$0x3FB9];
	_ =	sdelay $0x3  }
0x36: {  	p1 =	seq.s32 s10, $0x1;
	s10 =	sld [smem:$0x3FBA];
	_ =	sdelay $0x3  }
0x37: {  	[smem:$0x3FBA] =	sst s10  }
0x38: {  	s10 =	sld [smem:$0x3FBB]  }
0x39: {  	_ = 	snop;
	(pc) =	sbr.ind lr, $3  }
0x3a: {  	_ = 	snop  }
0x3b: {  	_ = 	snop  }
0x3c: {  	p2 =	seq.s32 s10, $0x1;
	s10 =	sld [smem:$0x3FBA]  }
0x3d: {  	_ =	shalt  }
0x3e: {  	_ =	shalt  }
0x3f: {  	_ =	shalt  }
0x40: {  	_ =	shalt  }
0x41: {  	_ =	shalt  }
0x42: {  	_ =	shalt  }
0x43: {  	_ =	shalt  }
0x44: {  	_ =	shalt  }
0x45: {  	_ =	shalt  }
0x46: {  	_ =	shalt  }
0x47: {  	_ =	shalt  }
0x48: {  	_ =	shalt  }
0x49: {  	_ =	shalt  }
0x4a: {  	_ =	shalt  }
0x4b: {  	_ =	shalt  }
0x4c: {  	_ =	shalt  }
0x4d: {  	_ =	shalt  }
0x4e: {  	_ =	shalt  }
0x4f: {  	_ =	shalt  }
0x50: {  	_ =	shalt  }
0x51: {  	_ =	shalt  }
0x52: {  	_ =	shalt  }
0x53: {  	_ =	shalt  }
0x54: {  	_ =	shalt  }
0x55: {  	_ =	shalt  }
0x56: {  	_ =	shalt  }
0x57: {  	_ =	shalt  }
0x58: {  	_ =	shalt  }
0x59: {  	_ =	shalt  }
0x5a: {  	_ =	shalt  }
0x5b: {  	_ =	shalt  }
0x5c: {  	_ =	shalt  }
0x5d: {  	_ =	shalt  }
0x5e: {  	_ =	shalt  }
0x5f: {  	_ =	shalt  }
0x60: {  	_ =	shalt  }
0x61: {  	_ =	shalt  }
0x62: {  	_ =	shalt  }
0x63: {  	_ =	shalt  }
0x64: {  	_ =	shalt  }
0x65: {  	_ =	shalt  }
0x66: {  	_ =	shalt  }
0x67: {  	_ =	shalt  }
0x68: {  	_ =	shalt  }
0x69: {  	_ =	shalt  }
0x6a: {  	_ =	shalt  }
0x6b: {  	_ =	shalt  }
0x6c: {  	_ =	shalt  }
0x6d: {  	_ =	shalt  }
0x6e: {  	_ =	shalt  }
0x6f: {  	_ =	shalt  }
0x70: {  	_ =	shalt  }
0x71: {  	_ =	shalt  }
0x72: {  	_ =	shalt  }
0x73: {  	_ =	shalt  }
0x74: {  	_ =	shalt  }
0x75: {  	_ =	shalt  }
0x76: {  	_ =	shalt  }
0x77: {  	_ =	shalt  }
0x78: {  	_ =	shalt  }
0x79: {  	_ =	shalt  }
0x7a: {  	_ =	shalt  }
0x7b: {  	_ =	shalt  }
0x7c: {  	_ =	shalt  }
0x7d: {  	_ =	shalt  }
0x7e: {  	_ =	shalt  }
0x7f: {  	_ =	shalt  }
0x80: {  	_ =	shalt  }
0x81: {  	_ =	shalt  }
0x82: {  	_ =	shalt  }
0x83: {  	_ =	shalt  }
0x84: {  	_ =	shalt  }
0x85: {  	_ =	shalt  }
0x86: {  	_ =	shalt  }
0x87: {  	_ =	shalt  }
.Lfunc_end0:
.L_simem_size_0:
called_computation.1_lowered:
.L_overlay_start_0:
0x88: {  	s2 =	sld [smem:$0x3FD9]  }
0x89: {  	s3 =	sld [smem:$0x3FFE];
	_ =	sdelay $0x1  }
0x8a: {  	s1 =	srdreg.scid  }
0x8b: {  	s0 =	sand.u32 $0x1, s1  }
0x8c: {  	s17 =	sshll.u32 s0, $0xA;
	s2 =	sadd.s32 s3, s2  }
0x8d: {  	s2 =	sadd.s32 s2, s17  }
0x8e: {  	[smem:$0x3FC6] =	sst s2  }
0x8f: {  	_ = 	snop  }
0x90: {  	s2 =	sld [smem:$0x3FD0];
	(tm) =	ssettm $0x1  }
0x91: {  	s18 =	sld [smem:$0x3FFB];
	_ =	sdelay $0x3  }
0x92: {  	_ =	strace s18  }
0x93: {  	s3 =	sld [smem:$0x3FFC];
	_ =	sdelay $0x3  }
0x94: {  	_ =	strace s3  }
0x95: {  	s3 =	sld [smem:$0x3FFD];
	_ =	sdelay $0x3  }
0x96: {  	_ =	strace s3  }
0x97: {  	_ =	strace $0x8FFFFFFF  }
0x98: {  	s19 =	sld [smem:$0x3FDB];
	_ =	sdelay $0x1  }
0x99: {  	s4 =	simm.s32 $_scs_section_size  }
0x9a: {  	s5 =	simm.s32 $_size__tile_overlayer_lowered;
	s6 =	simm.s32 $_tile_overlayer_lowered  }
0x9b: {  	s22 =	simm.s32 $0x1BFF;
	s21 =	sshll.u32 s6, $0x1;
	s3 =	sadd.s32 s4, s19  }
0x9c: {  	s7 =	simm.s32 $0x0;
	s20 =	sshll.u32 s5, $0x1;
	s5 =	sadd.s32 s21, s3  }
0x9d: {  	[timem:s7], [sflag:s22] =	dma.local [hbm:s5], s20  }
0x9e: {  	_ =	swait.ge [sflag:s22], s20  }
0x9f: {  	s4 =	ssub.s32 $0x0, s20;
	[sflag:s22] =	ssyncset.done $0x0  }
0xa0: {  	[sflag:s22] =	ssyncadd.s32 s4;
	_ =	sdelay $0x1  }
0xa1: {  	s23 =	simm.s32 $0x1B8B  }
0xa2: {  	_ =	swait.ge [sflag:s23], $0x1  }
0xa3: {  	[sflag:s23] =	ssyncset.done $0x0  }
0xa4: {  	s25 =	simm.s32 $0x1B8E;
	s24 =	sld [smem:$0x3FFE];
	[sflag:s23] =	ssyncadd.s32 $0xFFFFFFFF  }
0xa5: {  	s26 =	simm.s32 $execute0_lowered;
	[smem:$0x3FD2] =	sst s25  }
0xa6: {  	s5 =	sshll.u32 s26, $0x1;
	_ =	strace $0x80000046;
	[dreg:$0x1] =	wrdreg $0xFFFFFFFF  }
0xa7: {  	s28 =	simm.s32 $_size_execute0_lowered;
	s3 =	sadd.s32 s3, s5;
	[dreg:$0x0] =	wrdreg $0x0  }
0xa8: {  	s5 =	sshll.u32 s28, $0x1;
	[dreg:$0x2] =	wrdreg s3  }
0xa9: {  	[dreg:$0x3] =	wrdreg s5  }
0xaa: {  	[dreg:$0x4] =	wrdreg $0xC0  }
0xab: {  	_ =	task [dreg:s7], $0x5FFFF  }
0xac: {  	[dreg:$0x1] =	wrdreg $0xFFFFFFFF  }
0xad: {  	[dreg:$0x0] =	wrdreg $0x60  }
0xae: {  	[dreg:$0x2] =	wrdreg s24  }
0xaf: {  	[dreg:$0x3] =	wrdreg s2  }
0xb0: {  	[dreg:$0x4] =	wrdreg $0x9  }
0xb1: {  	_ =	task.clear_ibuf [dreg:s7], $0x5FFFF;
	_ =	strace $0x90000046  }
0xb2: {  	s29 =	simm.s32 $0x9;
	_ =	strace $0x80000048  }
0xb3: {  	_ =	swait.ge [sflag:s29], $0x1  }
0xb4: {  	[sflag:s29] =	ssyncadd.s32 $0xFFFFFFFF  }
0xb5: {  	_ =	strace $0x90000048  }
0xb6: {  	_ =	sfence  }
0xb7: {  	s30 =	sld [smem:$0x0];
	_ =	sdelay $0x2  }
0xb8: {  	s31 =	sshll.u32 s1, $0xD;
	s1 =	sshrl.u32 s1, $0x2  }
0xb9: {  	s3 =	sand.u32 $0x4000, s31;
	s1 =	sadd.s32 s1, s30  }
0xba: {  	s0 =	sor.u32 s3, s0;
	s1 =	sshll.u32 s1, $0x11  }
0xbb: {  	s0 =	sor.u32 s1, s0  }
0xbc: {  	s0 =	sadd.s32 $0x8F2B, s0  }
0xbd: {  	[sflag:s0] =	ssyncadd.remote.s32 $0x1  }
0xbe: {  	_ =	sfence.sel $0xFFFF  }
0xbf: {  	[dreg:$0x0] =	wrdreg $0xFFFFFFFF;
	(pc) =	sbr.abs _section_cstart, $3  }
0xc0: {  	[dreg:$0x1] =	wrdreg $0xFFFFFFFF  }
0xc1: {  	_ =	task.clear_ibuf [dreg:s7], $0x2FFFF;
	_ =	strace $0x9FFFFFFF  }
0xc2: {  	(tm) =	ssettm $0x7FFFFFFF  }
0xc3: {  	_ =	shalt  }
tec
execute0_lowered:
.L_overlay_start_1:
0x0: {  	(tag) =	ssettag $0x1  }
0x1: {  	s0 =	srdreg.scid;
	s1 =	stileid.u32  }
0x2: {  	s0 =	sand.u32 $0x1, s0;
	s1 =	sshll.u32 s1, $0x1  }
0x3: {  	s2 =	sor.u32 s0, s1  }
0x4: {  	s3 =	smul.u32 $0x680, s2  }
0x5: {  	s4 =	rddreg [dreg:$0x1];
	s5 =	smul.u32 $0xD0000, s2  }
0x6: {  	s1 =	rddreg [dreg:$0x0]  }
0x7: {  	s2 =	simm.s32 $0x0;
	s3 =	sadd.s32 s3, s1;
	s5 =	sshrl.u32 s5, $0x3  }
0x8: {  	[smem:$0x7FF] =	sst s2;
	s3 =	sadd.s32 $0x800, s3;
	s30 =	sadd.s32 s4, s5  }
0x9: {  	_ =	strace $0x80000047;
	[dreg:$0x3] =	wrdreg s3;
	s15 =	sadd.s32 $0x1000, s30  }
0xa: {  	s16 =	sadd.s32 $0x2000, s30;
	[dreg:$0x4] =	wrdreg s15  }
0xb: {  	s17 =	sadd.s32 $0x3000, s30;
	[dreg:$0x5] =	wrdreg s16  }
0xc: {  	s18 =	sadd.s32 $0x4000, s30;
	[dreg:$0x6] =	wrdreg s17  }
0xd: {  	s19 =	sadd.s32 $0x5000, s30;
	[dreg:$0x7] =	wrdreg s18  }
0xe: {  	s20 =	sadd.s32 $0x6000, s30;
	[dreg:$0x8] =	wrdreg s19  }
0xf: {  	s21 =	sadd.s32 $0x7000, s30;
	[dreg:$0x9] =	wrdreg s20  }
0x10: {  	s22 =	sadd.s32 $0x8000, s30;
	[dreg:$0xa] =	wrdreg s21  }
0x11: {  	s23 =	sadd.s32 $0x9000, s30;
	[dreg:$0xb] =	wrdreg s22  }
0x12: {  	s24 =	sadd.s32 $0xA000, s30;
	[dreg:$0xc] =	wrdreg s23  }
0x13: {  	s25 =	sadd.s32 $0xB000, s30;
	[dreg:$0xd] =	wrdreg s24  }
0x14: {  	s26 =	sadd.s32 $0xC000, s30;
	[dreg:$0xe] =	wrdreg s25  }
0x15: {  	s4 =	sadd.s32 $0xD000, s30;
	[dreg:$0xf] =	wrdreg s26  }
0x16: {  	s5 =	sadd.s32 $0xE000, s30;
	[dreg:$0x10] =	wrdreg s4  }
0x17: {  	s6 =	sadd.s32 $0xF000, s30;
	[dreg:$0x11] =	wrdreg s5  }
0x18: {  	s7 =	sadd.s32 $0x10000, s30;
	[dreg:$0x12] =	wrdreg s6  }
0x19: {  	s8 =	sadd.s32 $0x11000, s30;
	[dreg:$0x13] =	wrdreg s7  }
0x1a: {  	s9 =	sadd.s32 $0x12000, s30;
	[dreg:$0x14] =	wrdreg s8  }
0x1b: {  	s31 =	simm.s32 $0x7;
	s10 =	sadd.s32 $0x13000, s30;
	[dreg:$0x15] =	wrdreg s9  }
0x1c: {  	s29 =	simm.s32 $0x1600;
	s11 =	sadd.s32 $0x14000, s30;
	[dreg:$0x16] =	wrdreg s10  }
0x1d: {  	s28 =	simm.s32 $0x1800;
	s12 =	sadd.s32 $0x15000, s30;
	[dreg:$0x17] =	wrdreg s11  }
0x1e: {  	p0 =	por $0x0, $0x0;
	s13 =	sadd.s32 $0x16000, s30;
	[dreg:$0x18] =	wrdreg s12  }
0x1f: {  	s0 =	ssub.s32 $0x2, s0;
	s14 =	sadd.s32 $0x17000, s30;
	[dreg:$0x19] =	wrdreg s13  }
0x20: {  	s3 =	simm.s32 $0xB400;
	s15 =	sshrl.u32 s0, $0x1;
	[dreg:$0x1a] =	wrdreg s14  }
0x21: {  	s16 =	sadd.s32 $0x18000, s30;
	s17 =	sadd.s32 $0x19000, s30;
	s4 =	sadd.s32 $0xD800, s1  }
0x22: {  	s6 =	simm.s32 $0x200;
	s18 =	simm.s32 $0x400;
	[dreg:$0x1b] =	wrdreg s16  }
0x23: {  	s5 =	simm.s32 $0x3400;
	s19 =	simm.s32 $0x600;
	[dreg:$0x1c] =	wrdreg s17  }
0x24: {  	s20 =	simm.s32 $0x800;
	s8 =	simm.s32 $0x1;
	[dreg:$0x1d] =	wrdreg s18  }
0x25: {  	s21 =	simm.s32 $0xA00;
	s12 =	simm.s32 $0x13400;
	[dreg:$0x1e] =	wrdreg s19  }
0x26: {  	s22 =	simm.s32 $0xC00;
	s10 =	simm.s32 $0x2;
	[dreg:$0x1f] =	wrdreg s20  }
0x27: {  	s23 =	simm.s32 $0xE00;
	s7 =	simm.s32 $0x4;
	[smem:$0x7F8] =	sst s21  }
0x28: {  	s24 =	simm.s32 $0x1000;
	s13 =	simm.s32 $0x3;
	[smem:$0x7F9] =	sst s22  }
0x29: {  	s25 =	simm.s32 $0x1200;
	s9 =	simm.s32 $0x5;
	[smem:$0x7FA] =	sst s23  }
0x2a: {  	s26 =	simm.s32 $0x1400;
	s0 =	ssub.s32 s0, s15;
	[smem:$0x7FB] =	sst s24  }
0x2b: {  	s11 =	simm.s32 $0x6;
	[smem:$0x7FC] =	sst s25;
	s0 =	smax.u32 s0, $0x1  }
0x2c: {  	s14 =	simm.s32 $0x3200;
	[smem:$0x7FD] =	sst s26;
	p1 =	sne.s32 s0, $0x1  }
.Ltmp0:
0x2d: {  	s26 =	simm.s32 $0x1A00;
	s25 =	simm.s32 $0x1C00;
	(pc) =	sbr.rel @!p1 .LBB2_3-.Ltmp0, $4  }
0x2e: {  	s24 =	simm.s32 $0x1E00;
	s23 =	simm.s32 $0x2000;
	s22 =	simm.s32 $0x2200  }
0x2f: {  	s21 =	simm.s32 $0x2400;
	s20 =	simm.s32 $0x2600;
	s19 =	simm.s32 $0x2800  }
0x30: {  	s18 =	simm.s32 $0x2A00;
	s17 =	simm.s32 $0x2C00;
	s16 =	simm.s32 $0x2E00  }
0x31: {  	s15 =	simm.s32 $0x3000;
	s1 =	sadd.s32 $0xFFFFFFFF, s0;
	s0 =	rddreg [dreg:$0x3]  }
0x32: {  	[tilespmem:s2], [sflag:$0x7] =	stream.linear.gather [hbm4b:s0+s2], $0x3400, $0x38;
	[tilespmem:$0x1B400] =	vst v63  }
0x33: {  	_ =	swait.ge [sflag:s31], $0x3400  }
0x34: {  	[sflag:s31] =	ssyncset.done $0x0  }
0x35: {  	[sflag:s31] =	ssyncadd.s32 $0xFFFFCC00  }
0x36: {  	[tilespmem:s5], [sflag:$0x1] =	stream.indirect.gather [hbm4b:s4+s6], $0x40, s2, s6, $0xb8;
	[tilespmem:$0x1B400] =	vst v63  }
0x37: {  	_ = 	snop  }
0x38: {  	[tilespmem:s3], [sflag:$0x2] =	stream.indirect.gather [hbm4b:s4+s6], $0x40, s6, s6, $0xb8;
	[tilespmem:$0x1B400] =	vst v63  }
0x39: {  	_ =	swait.ge [sflag:s8], $0x8000  }
0x3a: {  	[sflag:s8] =	ssyncset.done $0x0  }
0x3b: {  	[sflag:s8] =	ssyncadd.s32 $0xFFFF8000  }
0x3c: {  	[hbm4b:s30+s2] =	stream.linear.scatter [tilespmem:s5], [sflag:$0x4], $0x8000, $0x38;
	[tilespmem:$0x1B400] =	vst v63  }
0x3d: {  	s0 =	rddreg [dreg:$0x1d]  }
0x3e: {  	[tilespmem:s12], [sflag:$0x3] =	stream.indirect.gather [hbm4b:s4+s6], $0x40, s0, s6, $0xb8;
	[tilespmem:$0x1B400] =	vst v63  }
0x3f: {  	_ =	swait.ge [sflag:s10], $0x8000  }
0x40: {  	[sflag:s10] =	ssyncset.done $0x0  }
0x41: {  	s0 =	rddreg [dreg:$0x4];
	[sflag:s10] =	ssyncadd.s32 $0xFFFF8000  }
0x42: {  	[hbm4b:s0+s2] =	stream.linear.scatter [tilespmem:s3], [sflag:$0x5], $0x8000, $0x38;
	[tilespmem:$0x1B400] =	vst v63  }
0x43: {  	_ =	swait.ge [sflag:s7], $0x8000  }
0x44: {  	[sflag:s7] =	ssyncset.done $0x0  }
0x45: {  	s0 =	rddreg [dreg:$0x1e];
	[sflag:s7] =	ssyncadd.s32 $0xFFFF8000  }
0x46: {  	[tilespmem:s5], [sflag:$0x1] =	stream.indirect.gather [hbm4b:s4+s6], $0x40, s0, s6, $0xb8;
	[tilespmem:$0x1B400] =	vst v63  }
0x47: {  	_ =	swait.ge [sflag:s13], $0x8000  }
0x48: {  	[sflag:s13] =	ssyncset.done $0x0  }
0x49: {  	s0 =	rddreg [dreg:$0x5];
	[sflag:s13] =	ssyncadd.s32 $0xFFFF8000  }
0x4a: {  	[hbm4b:s0+s2] =	stream.linear.scatter [tilespmem:s12], [sflag:$0x6], $0x8000, $0x38;
	[tilespmem:$0x1B400] =	vst v63  }
0x4b: {  	_ =	swait.ge [sflag:s9], $0x8000  }
0x4c: {  	[sflag:s9] =	ssyncset.done $0x0  }
0x4d: {  	s0 =	rddreg [dreg:$0x1f];
	[sflag:s9] =	ssyncadd.s32 $0xFFFF8000  }
0x4e: {  	[tilespmem:s3], [sflag:$0x2] =	stream.indirect.gather [hbm4b:s4+s6], $0x40, s0, s6, $0xb8;
	[tilespmem:$0x1B400] =	vst v63  }
0x4f: {  	_ =	swait.ge [sflag:s8], $0x8000  }
0x50: {  	[sflag:s8] =	ssyncset.done $0x0  }
0x51: {  	s0 =	rddreg [dreg:$0x6];
	[sflag:s8] =	ssyncadd.s32 $0xFFFF8000  }
0x52: {  	[hbm4b:s0+s2] =	stream.linear.scatter [tilespmem:s5], [sflag:$0x4], $0x8000, $0x38;
	[tilespmem:$0x1B400] =	vst v63  }
0x53: {  	_ =	swait.ge [sflag:s11], $0x8000  }
0x54: {  	s0 =	sld [smem:$0x7F8]  }
0x55: {  	[sflag:s11] =	ssyncset.done $0x0  }
0x56: {  	[sflag:s11] =	ssyncadd.s32 $0xFFFF8000  }
0x57: {  	[tilespmem:s12], [sflag:$0x3] =	stream.indirect.gather [hbm4b:s4+s6], $0x40, s0, s6, $0xb8;
	[tilespmem:$0x1B400] =	vst v63  }
0x58: {  	_ =	swait.ge [sflag:s10], $0x8000  }
0x59: {  	[sflag:s10] =	ssyncset.done $0x0  }
0x5a: {  	s0 =	rddreg [dreg:$0x7];
	[sflag:s10] =	ssyncadd.s32 $0xFFFF8000  }
0x5b: {  	[hbm4b:s0+s2] =	stream.linear.scatter [tilespmem:s3], [sflag:$0x5], $0x8000, $0x38;
	[tilespmem:$0x1B400] =	vst v63  }
0x5c: {  	_ =	swait.ge [sflag:s7], $0x8000  }
0x5d: {  	s0 =	sld [smem:$0x7F9]  }
0x5e: {  	[sflag:s7] =	ssyncset.done $0x0  }
0x5f: {  	[sflag:s7] =	ssyncadd.s32 $0xFFFF8000  }
0x60: {  	[tilespmem:s5], [sflag:$0x1] =	stream.indirect.gather [hbm4b:s4+s6], $0x40, s0, s6, $0xb8;
	[tilespmem:$0x1B400] =	vst v63  }
0x61: {  	_ =	swait.ge [sflag:s13], $0x8000  }
0x62: {  	[sflag:s13] =	ssyncset.done $0x0  }
0x63: {  	s0 =	rddreg [dreg:$0x8];
	[sflag:s13] =	ssyncadd.s32 $0xFFFF8000  }
0x64: {  	[hbm4b:s0+s2] =	stream.linear.scatter [tilespmem:s12], [sflag:$0x6], $0x8000, $0x38;
	[tilespmem:$0x1B400] =	vst v63  }
0x65: {  	_ =	swait.ge [sflag:s9], $0x8000  }
0x66: {  	s0 =	sld [smem:$0x7FA]  }
0x67: {  	[sflag:s9] =	ssyncset.done $0x0  }
0x68: {  	[sflag:s9] =	ssyncadd.s32 $0xFFFF8000  }
0x69: {  	[tilespmem:s3], [sflag:$0x2] =	stream.indirect.gather [hbm4b:s4+s6], $0x40, s0, s6, $0xb8;
	[tilespmem:$0x1B400] =	vst v63  }
0x6a: {  	_ =	swait.ge [sflag:s8], $0x8000  }
0x6b: {  	[sflag:s8] =	ssyncset.done $0x0  }
0x6c: {  	s0 =	rddreg [dreg:$0x9];
	[sflag:s8] =	ssyncadd.s32 $0xFFFF8000  }
0x6d: {  	[hbm4b:s0+s2] =	stream.linear.scatter [tilespmem:s5], [sflag:$0x4], $0x8000, $0x38;
	[tilespmem:$0x1B400] =	vst v63  }
0x6e: {  	_ =	swait.ge [sflag:s11], $0x8000  }
0x6f: {  	s0 =	sld [smem:$0x7FB]  }
0x70: {  	[sflag:s11] =	ssyncset.done $0x0  }
0x71: {  	[sflag:s11] =	ssyncadd.s32 $0xFFFF8000  }
0x72: {  	[tilespmem:s12], [sflag:$0x3] =	stream.indirect.gather [hbm4b:s4+s6], $0x40, s0, s6, $0xb8;
	[tilespmem:$0x1B400] =	vst v63  }
0x73: {  	_ =	swait.ge [sflag:s10], $0x8000  }
0x74: {  	[sflag:s10] =	ssyncset.done $0x0  }
0x75: {  	s0 =	rddreg [dreg:$0xa];
	[sflag:s10] =	ssyncadd.s32 $0xFFFF8000  }
0x76: {  	[hbm4b:s0+s2] =	stream.linear.scatter [tilespmem:s3], [sflag:$0x5], $0x8000, $0x38;
	[tilespmem:$0x1B400] =	vst v63  }
0x77: {  	_ =	swait.ge [sflag:s7], $0x8000  }
0x78: {  	s0 =	sld [smem:$0x7FC]  }
0x79: {  	[sflag:s7] =	ssyncset.done $0x0  }
0x7a: {  	[sflag:s7] =	ssyncadd.s32 $0xFFFF8000  }
0x7b: {  	[tilespmem:s5], [sflag:$0x1] =	stream.indirect.gather [hbm4b:s4+s6], $0x40, s0, s6, $0xb8;
	[tilespmem:$0x1B400] =	vst v63  }
0x7c: {  	_ =	swait.ge [sflag:s13], $0x8000  }
0x7d: {  	[sflag:s13] =	ssyncset.done $0x0  }
0x7e: {  	s0 =	rddreg [dreg:$0xb];
	[sflag:s13] =	ssyncadd.s32 $0xFFFF8000  }
0x7f: {  	[hbm4b:s0+s2] =	stream.linear.scatter [tilespmem:s12], [sflag:$0x6], $0x8000, $0x38;
	[tilespmem:$0x1B400] =	vst v63  }
0x80: {  	_ =	swait.ge [sflag:s9], $0x8000  }
0x81: {  	s0 =	sld [smem:$0x7FD]  }
0x82: {  	[sflag:s9] =	ssyncset.done $0x0  }
0x83: {  	[sflag:s9] =	ssyncadd.s32 $0xFFFF8000  }
0x84: {  	[tilespmem:s3], [sflag:$0x2] =	stream.indirect.gather [hbm4b:s4+s6], $0x40, s0, s6, $0xb8;
	[tilespmem:$0x1B400] =	vst v63  }
0x85: {  	_ =	swait.ge [sflag:s8], $0x8000  }
0x86: {  	[sflag:s8] =	ssyncset.done $0x0  }
0x87: {  	s0 =	rddreg [dreg:$0xc];
	[sflag:s8] =	ssyncadd.s32 $0xFFFF8000  }
0x88: {  	[hbm4b:s0+s2] =	stream.linear.scatter [tilespmem:s5], [sflag:$0x4], $0x8000, $0x38;
	[tilespmem:$0x1B400] =	vst v63  }
0x89: {  	_ =	swait.ge [sflag:s11], $0x8000  }
0x8a: {  	[sflag:s11] =	ssyncset.done $0x0  }
0x8b: {  	[sflag:s11] =	ssyncadd.s32 $0xFFFF8000  }
0x8c: {  	[tilespmem:s12], [sflag:$0x3] =	stream.indirect.gather [hbm4b:s4+s6], $0x40, s29, s6, $0xb8;
	[tilespmem:$0x1B400] =	vst v63  }
0x8d: {  	_ =	swait.ge [sflag:s10], $0x8000  }
0x8e: {  	[sflag:s10] =	ssyncset.done $0x0  }
0x8f: {  	s0 =	rddreg [dreg:$0xd];
	[sflag:s10] =	ssyncadd.s32 $0xFFFF8000  }
0x90: {  	[hbm4b:s0+s2] =	stream.linear.scatter [tilespmem:s3], [sflag:$0x5], $0x8000, $0x38;
	[tilespmem:$0x1B400] =	vst v63  }
0x91: {  	_ =	swait.ge [sflag:s7], $0x8000  }
0x92: {  	[sflag:s7] =	ssyncset.done $0x0  }
0x93: {  	[sflag:s7] =	ssyncadd.s32 $0xFFFF8000  }
0x94: {  	[tilespmem:s5], [sflag:$0x1] =	stream.indirect.gather [hbm4b:s4+s6], $0x40, s28, s6, $0xb8;
	[tilespmem:$0x1B400] =	vst v63  }
0x95: {  	_ =	swait.ge [sflag:s13], $0x8000  }
0x96: {  	[sflag:s13] =	ssyncset.done $0x0  }
0x97: {  	s0 =	rddreg [dreg:$0xe];
	[sflag:s13] =	ssyncadd.s32 $0xFFFF8000  }
0x98: {  	[hbm4b:s0+s2] =	stream.linear.scatter [tilespmem:s12], [sflag:$0x6], $0x8000, $0x38;
	[tilespmem:$0x1B400] =	vst v63  }
0x99: {  	_ =	swait.ge [sflag:s9], $0x8000  }
0x9a: {  	[sflag:s9] =	ssyncset.done $0x0  }
0x9b: {  	[sflag:s9] =	ssyncadd.s32 $0xFFFF8000  }
0x9c: {  	[tilespmem:s3], [sflag:$0x2] =	stream.indirect.gather [hbm4b:s4+s6], $0x40, s26, s6, $0xb8;
	[tilespmem:$0x1B400] =	vst v63  }
0x9d: {  	_ =	swait.ge [sflag:s8], $0x8000  }
0x9e: {  	[sflag:s8] =	ssyncset.done $0x0  }
0x9f: {  	s0 =	rddreg [dreg:$0xf];
	[sflag:s8] =	ssyncadd.s32 $0xFFFF8000  }
0xa0: {  	[hbm4b:s0+s2] =	stream.linear.scatter [tilespmem:s5], [sflag:$0x4], $0x8000, $0x38;
	[tilespmem:$0x1B400] =	vst v63  }
0xa1: {  	_ =	swait.ge [sflag:s11], $0x8000  }
0xa2: {  	[sflag:s11] =	ssyncset.done $0x0  }
0xa3: {  	[sflag:s11] =	ssyncadd.s32 $0xFFFF8000  }
0xa4: {  	[tilespmem:s12], [sflag:$0x3] =	stream.indirect.gather [hbm4b:s4+s6], $0x40, s25, s6, $0xb8;
	[tilespmem:$0x1B400] =	vst v63  }
0xa5: {  	_ =	swait.ge [sflag:s10], $0x8000  }
0xa6: {  	[sflag:s10] =	ssyncset.done $0x0  }
0xa7: {  	s0 =	rddreg [dreg:$0x10];
	[sflag:s10] =	ssyncadd.s32 $0xFFFF8000  }
0xa8: {  	[hbm4b:s0+s2] =	stream.linear.scatter [tilespmem:s3], [sflag:$0x5], $0x8000, $0x38;
	[tilespmem:$0x1B400] =	vst v63  }
0xa9: {  	_ =	swait.ge [sflag:s7], $0x8000  }
0xaa: {  	[sflag:s7] =	ssyncset.done $0x0  }
0xab: {  	[sflag:s7] =	ssyncadd.s32 $0xFFFF8000  }
0xac: {  	[tilespmem:s5], [sflag:$0x1] =	stream.indirect.gather [hbm4b:s4+s6], $0x40, s24, s6, $0xb8;
	[tilespmem:$0x1B400] =	vst v63  }
0xad: {  	_ =	swait.ge [sflag:s13], $0x8000  }
0xae: {  	[sflag:s13] =	ssyncset.done $0x0  }
0xaf: {  	s0 =	rddreg [dreg:$0x11];
	[sflag:s13] =	ssyncadd.s32 $0xFFFF8000  }
0xb0: {  	[hbm4b:s0+s2] =	stream.linear.scatter [tilespmem:s12], [sflag:$0x6], $0x8000, $0x38;
	[tilespmem:$0x1B400] =	vst v63  }
0xb1: {  	_ =	swait.ge [sflag:s9], $0x8000  }
0xb2: {  	[sflag:s9] =	ssyncset.done $0x0  }
0xb3: {  	[sflag:s9] =	ssyncadd.s32 $0xFFFF8000  }
0xb4: {  	[tilespmem:s3], [sflag:$0x2] =	stream.indirect.gather [hbm4b:s4+s6], $0x40, s23, s6, $0xb8;
	[tilespmem:$0x1B400] =	vst v63  }
0xb5: {  	_ =	swait.ge [sflag:s8], $0x8000  }
0xb6: {  	[sflag:s8] =	ssyncset.done $0x0  }
0xb7: {  	s0 =	rddreg [dreg:$0x12];
	[sflag:s8] =	ssyncadd.s32 $0xFFFF8000  }
0xb8: {  	[hbm4b:s0+s2] =	stream.linear.scatter [tilespmem:s5], [sflag:$0x4], $0x8000, $0x38;
	[tilespmem:$0x1B400] =	vst v63  }
0xb9: {  	_ =	swait.ge [sflag:s11], $0x8000  }
0xba: {  	[sflag:s11] =	ssyncset.done $0x0  }
0xbb: {  	[sflag:s11] =	ssyncadd.s32 $0xFFFF8000  }
0xbc: {  	[tilespmem:s12], [sflag:$0x3] =	stream.indirect.gather [hbm4b:s4+s6], $0x40, s22, s6, $0xb8;
	[tilespmem:$0x1B400] =	vst v63  }
0xbd: {  	_ =	swait.ge [sflag:s10], $0x8000  }
0xbe: {  	[sflag:s10] =	ssyncset.done $0x0  }
0xbf: {  	s0 =	rddreg [dreg:$0x13];
	[sflag:s10] =	ssyncadd.s32 $0xFFFF8000  }
0xc0: {  	[hbm4b:s0+s2] =	stream.linear.scatter [tilespmem:s3], [sflag:$0x5], $0x8000, $0x38;
	[tilespmem:$0x1B400] =	vst v63  }
0xc1: {  	_ =	swait.ge [sflag:s7], $0x8000  }
0xc2: {  	[sflag:s7] =	ssyncset.done $0x0  }
0xc3: {  	[sflag:s7] =	ssyncadd.s32 $0xFFFF8000  }
0xc4: {  	[tilespmem:s5], [sflag:$0x1] =	stream.indirect.gather [hbm4b:s4+s6], $0x40, s21, s6, $0xb8;
	[tilespmem:$0x1B400] =	vst v63  }
0xc5: {  	_ =	swait.ge [sflag:s13], $0x8000  }
0xc6: {  	[sflag:s13] =	ssyncset.done $0x0  }
0xc7: {  	s0 =	rddreg [dreg:$0x14];
	[sflag:s13] =	ssyncadd.s32 $0xFFFF8000  }
0xc8: {  	[hbm4b:s0+s2] =	stream.linear.scatter [tilespmem:s12], [sflag:$0x6], $0x8000, $0x38;
	[tilespmem:$0x1B400] =	vst v63  }
0xc9: {  	_ =	swait.ge [sflag:s9], $0x8000  }
0xca: {  	[sflag:s9] =	ssyncset.done $0x0  }
0xcb: {  	[sflag:s9] =	ssyncadd.s32 $0xFFFF8000  }
0xcc: {  	[tilespmem:s3], [sflag:$0x2] =	stream.indirect.gather [hbm4b:s4+s6], $0x40, s20, s6, $0xb8;
	[tilespmem:$0x1B400] =	vst v63  }
0xcd: {  	_ =	swait.ge [sflag:s8], $0x8000  }
0xce: {  	[sflag:s8] =	ssyncset.done $0x0  }
0xcf: {  	s0 =	rddreg [dreg:$0x15];
	[sflag:s8] =	ssyncadd.s32 $0xFFFF8000  }
0xd0: {  	[hbm4b:s0+s2] =	stream.linear.scatter [tilespmem:s5], [sflag:$0x4], $0x8000, $0x38;
	[tilespmem:$0x1B400] =	vst v63  }
0xd1: {  	_ =	swait.ge [sflag:s11], $0x8000  }
0xd2: {  	[sflag:s11] =	ssyncset.done $0x0  }
0xd3: {  	[sflag:s11] =	ssyncadd.s32 $0xFFFF8000  }
0xd4: {  	[tilespmem:s12], [sflag:$0x3] =	stream.indirect.gather [hbm4b:s4+s6], $0x40, s19, s6, $0xb8;
	[tilespmem:$0x1B400] =	vst v63  }
0xd5: {  	_ =	swait.ge [sflag:s10], $0x8000  }
0xd6: {  	[sflag:s10] =	ssyncset.done $0x0  }
0xd7: {  	s0 =	rddreg [dreg:$0x16];
	[sflag:s10] =	ssyncadd.s32 $0xFFFF8000  }
0xd8: {  	[hbm4b:s0+s2] =	stream.linear.scatter [tilespmem:s3], [sflag:$0x5], $0x8000, $0x38;
	[tilespmem:$0x1B400] =	vst v63  }
0xd9: {  	_ =	swait.ge [sflag:s7], $0x8000  }
0xda: {  	[sflag:s7] =	ssyncset.done $0x0  }
0xdb: {  	[sflag:s7] =	ssyncadd.s32 $0xFFFF8000  }
0xdc: {  	[tilespmem:s5], [sflag:$0x1] =	stream.indirect.gather [hbm4b:s4+s6], $0x40, s18, s6, $0xb8;
	[tilespmem:$0x1B400] =	vst v63  }
0xdd: {  	_ =	swait.ge [sflag:s13], $0x8000  }
0xde: {  	[sflag:s13] =	ssyncset.done $0x0  }
0xdf: {  	s0 =	rddreg [dreg:$0x17];
	[sflag:s13] =	ssyncadd.s32 $0xFFFF8000  }
0xe0: {  	[hbm4b:s0+s2] =	stream.linear.scatter [tilespmem:s12], [sflag:$0x6], $0x8000, $0x38;
	[tilespmem:$0x1B400] =	vst v63  }
0xe1: {  	_ =	swait.ge [sflag:s9], $0x8000  }
0xe2: {  	[sflag:s9] =	ssyncset.done $0x0  }
0xe3: {  	[sflag:s9] =	ssyncadd.s32 $0xFFFF8000  }
0xe4: {  	[tilespmem:s3], [sflag:$0x2] =	stream.indirect.gather [hbm4b:s4+s6], $0x40, s17, s6, $0xb8;
	[tilespmem:$0x1B400] =	vst v63  }
0xe5: {  	_ =	swait.ge [sflag:s8], $0x8000  }
0xe6: {  	[sflag:s8] =	ssyncset.done $0x0  }
0xe7: {  	s0 =	rddreg [dreg:$0x18];
	[sflag:s8] =	ssyncadd.s32 $0xFFFF8000  }
0xe8: {  	[hbm4b:s0+s2] =	stream.linear.scatter [tilespmem:s5], [sflag:$0x4], $0x8000, $0x38;
	[tilespmem:$0x1B400] =	vst v63  }
0xe9: {  	_ =	swait.ge [sflag:s11], $0x8000  }
0xea: {  	[sflag:s11] =	ssyncset.done $0x0  }
0xeb: {  	[sflag:s11] =	ssyncadd.s32 $0xFFFF8000  }
0xec: {  	[tilespmem:s12], [sflag:$0x3] =	stream.indirect.gather [hbm4b:s4+s6], $0x40, s16, s6, $0xb8;
	[tilespmem:$0x1B400] =	vst v63  }
0xed: {  	_ =	swait.ge [sflag:s10], $0x8000  }
0xee: {  	[sflag:s10] =	ssyncset.done $0x0  }
0xef: {  	s0 =	rddreg [dreg:$0x19];
	[sflag:s10] =	ssyncadd.s32 $0xFFFF8000  }
0xf0: {  	[hbm4b:s0+s2] =	stream.linear.scatter [tilespmem:s3], [sflag:$0x5], $0x8000, $0x38;
	[tilespmem:$0x1B400] =	vst v63  }
0xf1: {  	_ =	swait.ge [sflag:s7], $0x8000  }
0xf2: {  	[sflag:s7] =	ssyncset.done $0x0  }
0xf3: {  	[sflag:s7] =	ssyncadd.s32 $0xFFFF8000  }
0xf4: {  	[tilespmem:s5], [sflag:$0x1] =	stream.indirect.gather [hbm4b:s4+s6], $0x40, s15, s6, $0xb8;
	[tilespmem:$0x1B400] =	vst v63  }
0xf5: {  	_ =	swait.ge [sflag:s13], $0x8000  }
0xf6: {  	[sflag:s13] =	ssyncset.done $0x0  }
0xf7: {  	s0 =	rddreg [dreg:$0x1a];
	[sflag:s13] =	ssyncadd.s32 $0xFFFF8000  }
0xf8: {  	[hbm4b:s0+s2] =	stream.linear.scatter [tilespmem:s12], [sflag:$0x6], $0x8000, $0x38;
	[tilespmem:$0x1B400] =	vst v63  }
0xf9: {  	_ =	swait.ge [sflag:s9], $0x8000  }
0xfa: {  	[sflag:s9] =	ssyncset.done $0x0  }
0xfb: {  	[sflag:s9] =	ssyncadd.s32 $0xFFFF8000  }
0xfc: {  	[tilespmem:s3], [sflag:$0x2] =	stream.indirect.gather [hbm4b:s4+s6], $0x40, s14, s6, $0xb8;
	[tilespmem:$0x1B400] =	vst v63  }
0xfd: {  	_ =	swait.ge [sflag:s8], $0x8000  }
0xfe: {  	[sflag:s8] =	ssyncset.done $0x0  }
0xff: {  	s0 =	rddreg [dreg:$0x1b];
	[sflag:s8] =	ssyncadd.s32 $0xFFFF8000  }
0x100: {  	[hbm4b:s0+s2] =	stream.linear.scatter [tilespmem:s5], [sflag:$0x4], $0x8000, $0x38;
	[tilespmem:$0x1B400] =	vst v63  }
0x101: {  	_ =	swait.ge [sflag:s10], $0x8000  }
0x102: {  	[sflag:s10] =	ssyncset.done $0x0  }
0x103: {  	s0 =	rddreg [dreg:$0x1c];
	[sflag:s10] =	ssyncadd.s32 $0xFFFF8000  }
0x104: {  	[hbm4b:s0+s2] =	stream.linear.scatter [tilespmem:s3], [sflag:$0x5], $0x8000, $0x38;
	[tilespmem:$0x1B400] =	vst v63  }
0x105: {  	_ =	swait.ge [sflag:s11], $0x8000  }
0x106: {  	[sflag:s11] =	ssyncset.done $0x0  }
0x107: {  	p1 =	sne.s32 s1, $0x1;
	[sflag:s11] =	ssyncadd.s32 $0xFFFF8000  }
.Ltmp1:
0x108: {  	_ =	swait.ge [sflag:s7], $0x8000;
	(pc) =	sbr.rel @!p1 .LBB2_3-.Ltmp1, $4  }
0x109: {  	[sflag:s7] =	ssyncset.done $0x0  }
0x10a: {  	[sflag:s7] =	ssyncadd.s32 $0xFFFF8000  }
0x10b: {  	s1 =	sadd.s32 $0xFFFFFFFF, s1;
	_ =	swait.ge [sflag:s9], $0x8000  }
0x10c: {  	p0 =	por $0x1, $0x1;
	s0 =	rddreg [dreg:$0x3];
	[sflag:s9] =	ssyncset.done $0x0  }
.LBB2_2:
0x10d: {  	[sflag:s9] =	ssyncadd.s32 $0xFFFF8000  }
0x10e: {  	[tilespmem:s2], [sflag:$0x7] =	stream.linear.gather [hbm4b:s0+s2], $0x3400, $0x38;
	[tilespmem:$0x1B400] =	vst v63  }
0x10f: {  	_ =	swait.ge [sflag:s31], $0x3400  }
0x110: {  	[sflag:s31] =	ssyncset.done $0x0  }
0x111: {  	[sflag:s31] =	ssyncadd.s32 $0xFFFFCC00  }
0x112: {  	[tilespmem:s5], [sflag:$0x1] =	stream.indirect.gather [hbm4b:s4+s6], $0x40, s2, s6, $0xb8;
	[tilespmem:$0x1B400] =	vst v63  }
0x113: {  	_ = 	snop  }
0x114: {  	[tilespmem:s3], [sflag:$0x2] =	stream.indirect.gather [hbm4b:s4+s6], $0x40, s6, s6, $0xb8;
	[tilespmem:$0x1B400] =	vst v63  }
0x115: {  	_ =	swait.ge [sflag:s8], $0x8000  }
0x116: {  	[sflag:s8] =	ssyncset.done $0x0  }
0x117: {  	[sflag:s8] =	ssyncadd.s32 $0xFFFF8000  }
0x118: {  	[hbm4b:s30+s2] =	stream.linear.scatter [tilespmem:s5], [sflag:$0x4], $0x8000, $0x38;
	[tilespmem:$0x1B400] =	vst v63  }
0x119: {  	s0 =	rddreg [dreg:$0x1d]  }
0x11a: {  	[tilespmem:s12], [sflag:$0x3] =	stream.indirect.gather [hbm4b:s4+s6], $0x40, s0, s6, $0xb8;
	[tilespmem:$0x1B400] =	vst v63  }
0x11b: {  	_ =	swait.ge [sflag:s10], $0x8000  }
0x11c: {  	[sflag:s10] =	ssyncset.done $0x0  }
0x11d: {  	s0 =	rddreg [dreg:$0x4];
	[sflag:s10] =	ssyncadd.s32 $0xFFFF8000  }
0x11e: {  	[hbm4b:s0+s2] =	stream.linear.scatter [tilespmem:s3], [sflag:$0x5], $0x8000, $0x38;
	[tilespmem:$0x1B400] =	vst v63  }
0x11f: {  	_ =	swait.ge [sflag:s7], $0x8000  }
0x120: {  	[sflag:s7] =	ssyncset.done $0x0  }
0x121: {  	s0 =	rddreg [dreg:$0x1e];
	[sflag:s7] =	ssyncadd.s32 $0xFFFF8000  }
0x122: {  	[tilespmem:s5], [sflag:$0x1] =	stream.indirect.gather [hbm4b:s4+s6], $0x40, s0, s6, $0xb8;
	[tilespmem:$0x1B400] =	vst v63  }
0x123: {  	_ =	swait.ge [sflag:s13], $0x8000  }
0x124: {  	[sflag:s13] =	ssyncset.done $0x0  }
0x125: {  	s0 =	rddreg [dreg:$0x5];
	[sflag:s13] =	ssyncadd.s32 $0xFFFF8000  }
0x126: {  	[hbm4b:s0+s2] =	stream.linear.scatter [tilespmem:s12], [sflag:$0x6], $0x8000, $0x38;
	[tilespmem:$0x1B400] =	vst v63  }
0x127: {  	_ =	swait.ge [sflag:s9], $0x8000  }
0x128: {  	[sflag:s9] =	ssyncset.done $0x0  }
0x129: {  	s0 =	rddreg [dreg:$0x1f];
	[sflag:s9] =	ssyncadd.s32 $0xFFFF8000  }
0x12a: {  	[tilespmem:s3], [sflag:$0x2] =	stream.indirect.gather [hbm4b:s4+s6], $0x40, s0, s6, $0xb8;
	[tilespmem:$0x1B400] =	vst v63  }
0x12b: {  	_ =	swait.ge [sflag:s8], $0x8000  }
0x12c: {  	[sflag:s8] =	ssyncset.done $0x0  }
0x12d: {  	s0 =	rddreg [dreg:$0x6];
	[sflag:s8] =	ssyncadd.s32 $0xFFFF8000  }
0x12e: {  	[hbm4b:s0+s2] =	stream.linear.scatter [tilespmem:s5], [sflag:$0x4], $0x8000, $0x38;
	[tilespmem:$0x1B400] =	vst v63  }
0x12f: {  	_ =	swait.ge [sflag:s11], $0x8000  }
0x130: {  	s0 =	sld [smem:$0x7F8]  }
0x131: {  	[sflag:s11] =	ssyncset.done $0x0  }
0x132: {  	[sflag:s11] =	ssyncadd.s32 $0xFFFF8000  }
0x133: {  	[tilespmem:s12], [sflag:$0x3] =	stream.indirect.gather [hbm4b:s4+s6], $0x40, s0, s6, $0xb8;
	[tilespmem:$0x1B400] =	vst v63  }
0x134: {  	_ =	swait.ge [sflag:s10], $0x8000  }
0x135: {  	[sflag:s10] =	ssyncset.done $0x0  }
0x136: {  	s0 =	rddreg [dreg:$0x7];
	[sflag:s10] =	ssyncadd.s32 $0xFFFF8000  }
0x137: {  	[hbm4b:s0+s2] =	stream.linear.scatter [tilespmem:s3], [sflag:$0x5], $0x8000, $0x38;
	[tilespmem:$0x1B400] =	vst v63  }
0x138: {  	_ =	swait.ge [sflag:s7], $0x8000  }
0x139: {  	s0 =	sld [smem:$0x7F9]  }
0x13a: {  	[sflag:s7] =	ssyncset.done $0x0  }
0x13b: {  	[sflag:s7] =	ssyncadd.s32 $0xFFFF8000  }
0x13c: {  	[tilespmem:s5], [sflag:$0x1] =	stream.indirect.gather [hbm4b:s4+s6], $0x40, s0, s6, $0xb8;
	[tilespmem:$0x1B400] =	vst v63  }
0x13d: {  	_ =	swait.ge [sflag:s13], $0x8000  }
0x13e: {  	[sflag:s13] =	ssyncset.done $0x0  }
0x13f: {  	s0 =	rddreg [dreg:$0x8];
	[sflag:s13] =	ssyncadd.s32 $0xFFFF8000  }
0x140: {  	[hbm4b:s0+s2] =	stream.linear.scatter [tilespmem:s12], [sflag:$0x6], $0x8000, $0x38;
	[tilespmem:$0x1B400] =	vst v63  }
0x141: {  	_ =	swait.ge [sflag:s9], $0x8000  }
0x142: {  	s0 =	sld [smem:$0x7FA]  }
0x143: {  	[sflag:s9] =	ssyncset.done $0x0  }
0x144: {  	[sflag:s9] =	ssyncadd.s32 $0xFFFF8000  }
0x145: {  	[tilespmem:s3], [sflag:$0x2] =	stream.indirect.gather [hbm4b:s4+s6], $0x40, s0, s6, $0xb8;
	[tilespmem:$0x1B400] =	vst v63  }
0x146: {  	_ =	swait.ge [sflag:s8], $0x8000  }
0x147: {  	[sflag:s8] =	ssyncset.done $0x0  }
0x148: {  	s0 =	rddreg [dreg:$0x9];
	[sflag:s8] =	ssyncadd.s32 $0xFFFF8000  }
0x149: {  	[hbm4b:s0+s2] =	stream.linear.scatter [tilespmem:s5], [sflag:$0x4], $0x8000, $0x38;
	[tilespmem:$0x1B400] =	vst v63  }
0x14a: {  	_ =	swait.ge [sflag:s11], $0x8000  }
0x14b: {  	s0 =	sld [smem:$0x7FB]  }
0x14c: {  	[sflag:s11] =	ssyncset.done $0x0  }
0x14d: {  	[sflag:s11] =	ssyncadd.s32 $0xFFFF8000  }
0x14e: {  	[tilespmem:s12], [sflag:$0x3] =	stream.indirect.gather [hbm4b:s4+s6], $0x40, s0, s6, $0xb8;
	[tilespmem:$0x1B400] =	vst v63  }
0x14f: {  	_ =	swait.ge [sflag:s10], $0x8000  }
0x150: {  	[sflag:s10] =	ssyncset.done $0x0  }
0x151: {  	s0 =	rddreg [dreg:$0xa];
	[sflag:s10] =	ssyncadd.s32 $0xFFFF8000  }
0x152: {  	[hbm4b:s0+s2] =	stream.linear.scatter [tilespmem:s3], [sflag:$0x5], $0x8000, $0x38;
	[tilespmem:$0x1B400] =	vst v63  }
0x153: {  	_ =	swait.ge [sflag:s7], $0x8000  }
0x154: {  	s0 =	sld [smem:$0x7FC]  }
0x155: {  	[sflag:s7] =	ssyncset.done $0x0  }
0x156: {  	[sflag:s7] =	ssyncadd.s32 $0xFFFF8000  }
0x157: {  	[tilespmem:s5], [sflag:$0x1] =	stream.indirect.gather [hbm4b:s4+s6], $0x40, s0, s6, $0xb8;
	[tilespmem:$0x1B400] =	vst v63  }
0x158: {  	_ =	swait.ge [sflag:s13], $0x8000  }
0x159: {  	[sflag:s13] =	ssyncset.done $0x0  }
0x15a: {  	s0 =	rddreg [dreg:$0xb];
	[sflag:s13] =	ssyncadd.s32 $0xFFFF8000  }
0x15b: {  	[hbm4b:s0+s2] =	stream.linear.scatter [tilespmem:s12], [sflag:$0x6], $0x8000, $0x38;
	[tilespmem:$0x1B400] =	vst v63  }
0x15c: {  	_ =	swait.ge [sflag:s9], $0x8000  }
0x15d: {  	s0 =	sld [smem:$0x7FD]  }
0x15e: {  	[sflag:s9] =	ssyncset.done $0x0  }
0x15f: {  	[sflag:s9] =	ssyncadd.s32 $0xFFFF8000  }
0x160: {  	[tilespmem:s3], [sflag:$0x2] =	stream.indirect.gather [hbm4b:s4+s6], $0x40, s0, s6, $0xb8;
	[tilespmem:$0x1B400] =	vst v63  }
0x161: {  	_ =	swait.ge [sflag:s8], $0x8000  }
0x162: {  	[sflag:s8] =	ssyncset.done $0x0  }
0x163: {  	s0 =	rddreg [dreg:$0xc];
	[sflag:s8] =	ssyncadd.s32 $0xFFFF8000  }
0x164: {  	[hbm4b:s0+s2] =	stream.linear.scatter [tilespmem:s5], [sflag:$0x4], $0x8000, $0x38;
	[tilespmem:$0x1B400] =	vst v63  }
0x165: {  	_ =	swait.ge [sflag:s11], $0x8000  }
0x166: {  	[sflag:s11] =	ssyncset.done $0x0  }
0x167: {  	[sflag:s11] =	ssyncadd.s32 $0xFFFF8000  }
0x168: {  	[tilespmem:s12], [sflag:$0x3] =	stream.indirect.gather [hbm4b:s4+s6], $0x40, s29, s6, $0xb8;
	[tilespmem:$0x1B400] =	vst v63  }
0x169: {  	_ =	swait.ge [sflag:s10], $0x8000  }
0x16a: {  	[sflag:s10] =	ssyncset.done $0x0  }
0x16b: {  	s0 =	rddreg [dreg:$0xd];
	[sflag:s10] =	ssyncadd.s32 $0xFFFF8000  }
0x16c: {  	[hbm4b:s0+s2] =	stream.linear.scatter [tilespmem:s3], [sflag:$0x5], $0x8000, $0x38;
	[tilespmem:$0x1B400] =	vst v63  }
0x16d: {  	_ =	swait.ge [sflag:s7], $0x8000  }
0x16e: {  	[sflag:s7] =	ssyncset.done $0x0  }
0x16f: {  	[sflag:s7] =	ssyncadd.s32 $0xFFFF8000  }
0x170: {  	[tilespmem:s5], [sflag:$0x1] =	stream.indirect.gather [hbm4b:s4+s6], $0x40, s28, s6, $0xb8;
	[tilespmem:$0x1B400] =	vst v63  }
0x171: {  	_ =	swait.ge [sflag:s13], $0x8000  }
0x172: {  	[sflag:s13] =	ssyncset.done $0x0  }
0x173: {  	s0 =	rddreg [dreg:$0xe];
	[sflag:s13] =	ssyncadd.s32 $0xFFFF8000  }
0x174: {  	[hbm4b:s0+s2] =	stream.linear.scatter [tilespmem:s12], [sflag:$0x6], $0x8000, $0x38;
	[tilespmem:$0x1B400] =	vst v63  }
0x175: {  	_ =	swait.ge [sflag:s9], $0x8000  }
0x176: {  	[sflag:s9] =	ssyncset.done $0x0  }
0x177: {  	[sflag:s9] =	ssyncadd.s32 $0xFFFF8000  }
0x178: {  	[tilespmem:s3], [sflag:$0x2] =	stream.indirect.gather [hbm4b:s4+s6], $0x40, s26, s6, $0xb8;
	[tilespmem:$0x1B400] =	vst v63  }
0x179: {  	_ =	swait.ge [sflag:s8], $0x8000  }
0x17a: {  	[sflag:s8] =	ssyncset.done $0x0  }
0x17b: {  	s0 =	rddreg [dreg:$0xf];
	[sflag:s8] =	ssyncadd.s32 $0xFFFF8000  }
0x17c: {  	[hbm4b:s0+s2] =	stream.linear.scatter [tilespmem:s5], [sflag:$0x4], $0x8000, $0x38;
	[tilespmem:$0x1B400] =	vst v63  }
0x17d: {  	_ =	swait.ge [sflag:s11], $0x8000  }
0x17e: {  	[sflag:s11] =	ssyncset.done $0x0  }
0x17f: {  	[sflag:s11] =	ssyncadd.s32 $0xFFFF8000  }
0x180: {  	[tilespmem:s12], [sflag:$0x3] =	stream.indirect.gather [hbm4b:s4+s6], $0x40, s25, s6, $0xb8;
	[tilespmem:$0x1B400] =	vst v63  }
0x181: {  	_ =	swait.ge [sflag:s10], $0x8000  }
0x182: {  	[sflag:s10] =	ssyncset.done $0x0  }
0x183: {  	s0 =	rddreg [dreg:$0x10];
	[sflag:s10] =	ssyncadd.s32 $0xFFFF8000  }
0x184: {  	[hbm4b:s0+s2] =	stream.linear.scatter [tilespmem:s3], [sflag:$0x5], $0x8000, $0x38;
	[tilespmem:$0x1B400] =	vst v63  }
0x185: {  	_ =	swait.ge [sflag:s7], $0x8000  }
0x186: {  	[sflag:s7] =	ssyncset.done $0x0  }
0x187: {  	[sflag:s7] =	ssyncadd.s32 $0xFFFF8000  }
0x188: {  	[tilespmem:s5], [sflag:$0x1] =	stream.indirect.gather [hbm4b:s4+s6], $0x40, s24, s6, $0xb8;
	[tilespmem:$0x1B400] =	vst v63  }
0x189: {  	_ =	swait.ge [sflag:s13], $0x8000  }
0x18a: {  	[sflag:s13] =	ssyncset.done $0x0  }
0x18b: {  	s0 =	rddreg [dreg:$0x11];
	[sflag:s13] =	ssyncadd.s32 $0xFFFF8000  }
0x18c: {  	[hbm4b:s0+s2] =	stream.linear.scatter [tilespmem:s12], [sflag:$0x6], $0x8000, $0x38;
	[tilespmem:$0x1B400] =	vst v63  }
0x18d: {  	_ =	swait.ge [sflag:s9], $0x8000  }
0x18e: {  	[sflag:s9] =	ssyncset.done $0x0  }
0x18f: {  	[sflag:s9] =	ssyncadd.s32 $0xFFFF8000  }
0x190: {  	[tilespmem:s3], [sflag:$0x2] =	stream.indirect.gather [hbm4b:s4+s6], $0x40, s23, s6, $0xb8;
	[tilespmem:$0x1B400] =	vst v63  }
0x191: {  	_ =	swait.ge [sflag:s8], $0x8000  }
0x192: {  	[sflag:s8] =	ssyncset.done $0x0  }
0x193: {  	s0 =	rddreg [dreg:$0x12];
	[sflag:s8] =	ssyncadd.s32 $0xFFFF8000  }
0x194: {  	[hbm4b:s0+s2] =	stream.linear.scatter [tilespmem:s5], [sflag:$0x4], $0x8000, $0x38;
	[tilespmem:$0x1B400] =	vst v63  }
0x195: {  	_ =	swait.ge [sflag:s11], $0x8000  }
0x196: {  	[sflag:s11] =	ssyncset.done $0x0  }
0x197: {  	[sflag:s11] =	ssyncadd.s32 $0xFFFF8000  }
0x198: {  	[tilespmem:s12], [sflag:$0x3] =	stream.indirect.gather [hbm4b:s4+s6], $0x40, s22, s6, $0xb8;
	[tilespmem:$0x1B400] =	vst v63  }
0x199: {  	_ =	swait.ge [sflag:s10], $0x8000  }
0x19a: {  	[sflag:s10] =	ssyncset.done $0x0  }
0x19b: {  	s0 =	rddreg [dreg:$0x13];
	[sflag:s10] =	ssyncadd.s32 $0xFFFF8000  }
0x19c: {  	[hbm4b:s0+s2] =	stream.linear.scatter [tilespmem:s3], [sflag:$0x5], $0x8000, $0x38;
	[tilespmem:$0x1B400] =	vst v63  }
0x19d: {  	_ =	swait.ge [sflag:s7], $0x8000  }
0x19e: {  	[sflag:s7] =	ssyncset.done $0x0  }
0x19f: {  	[sflag:s7] =	ssyncadd.s32 $0xFFFF8000  }
0x1a0: {  	[tilespmem:s5], [sflag:$0x1] =	stream.indirect.gather [hbm4b:s4+s6], $0x40, s21, s6, $0xb8;
	[tilespmem:$0x1B400] =	vst v63  }
0x1a1: {  	_ =	swait.ge [sflag:s13], $0x8000  }
0x1a2: {  	[sflag:s13] =	ssyncset.done $0x0  }
0x1a3: {  	s0 =	rddreg [dreg:$0x14];
	[sflag:s13] =	ssyncadd.s32 $0xFFFF8000  }
0x1a4: {  	[hbm4b:s0+s2] =	stream.linear.scatter [tilespmem:s12], [sflag:$0x6], $0x8000, $0x38;
	[tilespmem:$0x1B400] =	vst v63  }
0x1a5: {  	_ =	swait.ge [sflag:s9], $0x8000  }
0x1a6: {  	[sflag:s9] =	ssyncset.done $0x0  }
0x1a7: {  	[sflag:s9] =	ssyncadd.s32 $0xFFFF8000  }
0x1a8: {  	[tilespmem:s3], [sflag:$0x2] =	stream.indirect.gather [hbm4b:s4+s6], $0x40, s20, s6, $0xb8;
	[tilespmem:$0x1B400] =	vst v63  }
0x1a9: {  	_ =	swait.ge [sflag:s8], $0x8000  }
0x1aa: {  	[sflag:s8] =	ssyncset.done $0x0  }
0x1ab: {  	s0 =	rddreg [dreg:$0x15];
	[sflag:s8] =	ssyncadd.s32 $0xFFFF8000  }
0x1ac: {  	[hbm4b:s0+s2] =	stream.linear.scatter [tilespmem:s5], [sflag:$0x4], $0x8000, $0x38;
	[tilespmem:$0x1B400] =	vst v63  }
0x1ad: {  	_ =	swait.ge [sflag:s11], $0x8000  }
0x1ae: {  	[sflag:s11] =	ssyncset.done $0x0  }
0x1af: {  	[sflag:s11] =	ssyncadd.s32 $0xFFFF8000  }
0x1b0: {  	[tilespmem:s12], [sflag:$0x3] =	stream.indirect.gather [hbm4b:s4+s6], $0x40, s19, s6, $0xb8;
	[tilespmem:$0x1B400] =	vst v63  }
0x1b1: {  	_ =	swait.ge [sflag:s10], $0x8000  }
0x1b2: {  	[sflag:s10] =	ssyncset.done $0x0  }
0x1b3: {  	s0 =	rddreg [dreg:$0x16];
	[sflag:s10] =	ssyncadd.s32 $0xFFFF8000  }
0x1b4: {  	[hbm4b:s0+s2] =	stream.linear.scatter [tilespmem:s3], [sflag:$0x5], $0x8000, $0x38;
	[tilespmem:$0x1B400] =	vst v63  }
0x1b5: {  	_ =	swait.ge [sflag:s7], $0x8000  }
0x1b6: {  	[sflag:s7] =	ssyncset.done $0x0  }
0x1b7: {  	[sflag:s7] =	ssyncadd.s32 $0xFFFF8000  }
0x1b8: {  	[tilespmem:s5], [sflag:$0x1] =	stream.indirect.gather [hbm4b:s4+s6], $0x40, s18, s6, $0xb8;
	[tilespmem:$0x1B400] =	vst v63  }
0x1b9: {  	_ =	swait.ge [sflag:s13], $0x8000  }
0x1ba: {  	[sflag:s13] =	ssyncset.done $0x0  }
0x1bb: {  	s0 =	rddreg [dreg:$0x17];
	[sflag:s13] =	ssyncadd.s32 $0xFFFF8000  }
0x1bc: {  	[hbm4b:s0+s2] =	stream.linear.scatter [tilespmem:s12], [sflag:$0x6], $0x8000, $0x38;
	[tilespmem:$0x1B400] =	vst v63  }
0x1bd: {  	_ =	swait.ge [sflag:s9], $0x8000  }
0x1be: {  	[sflag:s9] =	ssyncset.done $0x0  }
0x1bf: {  	[sflag:s9] =	ssyncadd.s32 $0xFFFF8000  }
0x1c0: {  	[tilespmem:s3], [sflag:$0x2] =	stream.indirect.gather [hbm4b:s4+s6], $0x40, s17, s6, $0xb8;
	[tilespmem:$0x1B400] =	vst v63  }
0x1c1: {  	_ =	swait.ge [sflag:s8], $0x8000  }
0x1c2: {  	[sflag:s8] =	ssyncset.done $0x0  }
0x1c3: {  	s0 =	rddreg [dreg:$0x18];
	[sflag:s8] =	ssyncadd.s32 $0xFFFF8000  }
0x1c4: {  	[hbm4b:s0+s2] =	stream.linear.scatter [tilespmem:s5], [sflag:$0x4], $0x8000, $0x38;
	[tilespmem:$0x1B400] =	vst v63  }
0x1c5: {  	_ =	swait.ge [sflag:s11], $0x8000  }
0x1c6: {  	[sflag:s11] =	ssyncset.done $0x0  }
0x1c7: {  	[sflag:s11] =	ssyncadd.s32 $0xFFFF8000  }
0x1c8: {  	[tilespmem:s12], [sflag:$0x3] =	stream.indirect.gather [hbm4b:s4+s6], $0x40, s16, s6, $0xb8;
	[tilespmem:$0x1B400] =	vst v63  }
0x1c9: {  	_ =	swait.ge [sflag:s10], $0x8000  }
0x1ca: {  	[sflag:s10] =	ssyncset.done $0x0  }
0x1cb: {  	s0 =	rddreg [dreg:$0x19];
	[sflag:s10] =	ssyncadd.s32 $0xFFFF8000  }
0x1cc: {  	[hbm4b:s0+s2] =	stream.linear.scatter [tilespmem:s3], [sflag:$0x5], $0x8000, $0x38;
	[tilespmem:$0x1B400] =	vst v63  }
0x1cd: {  	_ =	swait.ge [sflag:s7], $0x8000  }
0x1ce: {  	[sflag:s7] =	ssyncset.done $0x0  }
0x1cf: {  	[sflag:s7] =	ssyncadd.s32 $0xFFFF8000  }
0x1d0: {  	[tilespmem:s5], [sflag:$0x1] =	stream.indirect.gather [hbm4b:s4+s6], $0x40, s15, s6, $0xb8;
	[tilespmem:$0x1B400] =	vst v63  }
0x1d1: {  	_ =	swait.ge [sflag:s13], $0x8000  }
0x1d2: {  	[sflag:s13] =	ssyncset.done $0x0  }
0x1d3: {  	s0 =	rddreg [dreg:$0x1a];
	[sflag:s13] =	ssyncadd.s32 $0xFFFF8000  }
0x1d4: {  	[hbm4b:s0+s2] =	stream.linear.scatter [tilespmem:s12], [sflag:$0x6], $0x8000, $0x38;
	[tilespmem:$0x1B400] =	vst v63  }
0x1d5: {  	_ =	swait.ge [sflag:s9], $0x8000  }
0x1d6: {  	[sflag:s9] =	ssyncset.done $0x0  }
0x1d7: {  	[sflag:s9] =	ssyncadd.s32 $0xFFFF8000  }
0x1d8: {  	[tilespmem:s3], [sflag:$0x2] =	stream.indirect.gather [hbm4b:s4+s6], $0x40, s14, s6, $0xb8;
	[tilespmem:$0x1B400] =	vst v63  }
0x1d9: {  	_ =	swait.ge [sflag:s8], $0x8000  }
0x1da: {  	[sflag:s8] =	ssyncset.done $0x0  }
0x1db: {  	s0 =	rddreg [dreg:$0x1b];
	[sflag:s8] =	ssyncadd.s32 $0xFFFF8000  }
0x1dc: {  	[hbm4b:s0+s2] =	stream.linear.scatter [tilespmem:s5], [sflag:$0x4], $0x8000, $0x38;
	[tilespmem:$0x1B400] =	vst v63  }
0x1dd: {  	_ =	swait.ge [sflag:s10], $0x8000  }
0x1de: {  	[sflag:s10] =	ssyncset.done $0x0  }
0x1df: {  	s0 =	rddreg [dreg:$0x1c];
	[sflag:s10] =	ssyncadd.s32 $0xFFFF8000  }
0x1e0: {  	[hbm4b:s0+s2] =	stream.linear.scatter [tilespmem:s3], [sflag:$0x5], $0x8000, $0x38;
	[tilespmem:$0x1B400] =	vst v63  }
0x1e1: {  	_ =	swait.ge [sflag:s11], $0x8000  }
0x1e2: {  	[sflag:s11] =	ssyncset.done $0x0  }
0x1e3: {  	p1 =	sne.s32 s1, $0x1;
	[sflag:s11] =	ssyncadd.s32 $0xFFFF8000  }
.Ltmp2:
0x1e4: {  	_ =	swait.ge [sflag:s7], $0x8000;
	(pc) =	sbr.rel @p1 .LBB2_2-.Ltmp2, $4  }
0x1e5: {  	[sflag:s7] =	ssyncset.done $0x0  }
0x1e6: {  	[sflag:s7] =	ssyncadd.s32 $0xFFFF8000  }
0x1e7: {  	_ =	swait.ge [sflag:s9], $0x8000  }
0x1e8: {  	s1 =	sadd.s32 $0xFFFFFFFF, s1;
	s0 =	rddreg [dreg:$0x3];
	[sflag:s9] =	ssyncset.done $0x0  }
.LBB2_3:
0x1e9: {  	[sflag:s9] =	ssyncadd.s32 @p0 $0xFFFF8000  }
0x1ea: {  	[tilespmem:s2], [sflag:$0x7] =	stream.linear.gather [hbm4b:s0+s2], $0x3400, $0x38;
	[tilespmem:$0x1B400] =	vst v63  }
0x1eb: {  	_ =	swait.ge [sflag:s31], $0x3400  }
0x1ec: {  	[sflag:s31] =	ssyncset.done $0x0  }
0x1ed: {  	[sflag:s31] =	ssyncadd.s32 $0xFFFFCC00  }
0x1ee: {  	[tilespmem:s5], [sflag:$0x1] =	stream.indirect.gather [hbm4b:s4+s6], $0x40, s2, s6, $0xb8;
	[tilespmem:$0x1B400] =	vst v63  }
0x1ef: {  	_ = 	snop  }
0x1f0: {  	[tilespmem:s3], [sflag:$0x2] =	stream.indirect.gather [hbm4b:s4+s6], $0x40, s6, s6, $0xb8;
	[tilespmem:$0x1B400] =	vst v63  }
0x1f1: {  	_ =	swait.ge [sflag:s8], $0x8000  }
0x1f2: {  	[sflag:s8] =	ssyncset.done $0x0  }
0x1f3: {  	[sflag:s8] =	ssyncadd.s32 $0xFFFF8000  }
0x1f4: {  	[hbm4b:s30+s2] =	stream.linear.scatter [tilespmem:s5], [sflag:$0x4], $0x8000, $0x38;
	[tilespmem:$0x1B400] =	vst v63  }
0x1f5: {  	s31 =	rddreg [dreg:$0x1d]  }
0x1f6: {  	[tilespmem:s12], [sflag:$0x3] =	stream.indirect.gather [hbm4b:s4+s6], $0x40, s31, s6, $0xb8;
	[tilespmem:$0x1B400] =	vst v63  }
0x1f7: {  	_ =	swait.ge [sflag:s10], $0x8000  }
0x1f8: {  	[sflag:s10] =	ssyncset.done $0x0  }
0x1f9: {  	s1 =	rddreg [dreg:$0x4];
	[sflag:s10] =	ssyncadd.s32 $0xFFFF8000  }
0x1fa: {  	[hbm4b:s1+s2] =	stream.linear.scatter [tilespmem:s3], [sflag:$0x5], $0x8000, $0x38;
	[tilespmem:$0x1B400] =	vst v63  }
0x1fb: {  	_ =	swait.ge [sflag:s7], $0x8000  }
0x1fc: {  	[sflag:s7] =	ssyncset.done $0x0  }
0x1fd: {  	s30 =	rddreg [dreg:$0x1e];
	[sflag:s7] =	ssyncadd.s32 $0xFFFF8000  }
0x1fe: {  	[tilespmem:s5], [sflag:$0x1] =	stream.indirect.gather [hbm4b:s4+s6], $0x40, s30, s6, $0xb8;
	[tilespmem:$0x1B400] =	vst v63  }
0x1ff: {  	_ =	swait.ge [sflag:s13], $0x8000  }
0x200: {  	[sflag:s13] =	ssyncset.done $0x0  }
0x201: {  	s31 =	rddreg [dreg:$0x5];
	[sflag:s13] =	ssyncadd.s32 $0xFFFF8000  }
0x202: {  	[hbm4b:s31+s2] =	stream.linear.scatter [tilespmem:s12], [sflag:$0x6], $0x8000, $0x38;
	[tilespmem:$0x1B400] =	vst v63  }
0x203: {  	_ =	swait.ge [sflag:s9], $0x8000  }
0x204: {  	[sflag:s9] =	ssyncset.done $0x0  }
0x205: {  	s1 =	rddreg [dreg:$0x1f];
	[sflag:s9] =	ssyncadd.s32 $0xFFFF8000  }
0x206: {  	[tilespmem:s3], [sflag:$0x2] =	stream.indirect.gather [hbm4b:s4+s6], $0x40, s1, s6, $0xb8;
	[tilespmem:$0x1B400] =	vst v63  }
0x207: {  	_ =	swait.ge [sflag:s8], $0x8000  }
0x208: {  	[sflag:s8] =	ssyncset.done $0x0  }
0x209: {  	s30 =	rddreg [dreg:$0x6];
	[sflag:s8] =	ssyncadd.s32 $0xFFFF8000  }
0x20a: {  	[hbm4b:s30+s2] =	stream.linear.scatter [tilespmem:s5], [sflag:$0x4], $0x8000, $0x38;
	[tilespmem:$0x1B400] =	vst v63  }
0x20b: {  	_ =	swait.ge [sflag:s11], $0x8000  }
0x20c: {  	s31 =	sld [smem:$0x7F8]  }
0x20d: {  	[sflag:s11] =	ssyncset.done $0x0  }
0x20e: {  	[sflag:s11] =	ssyncadd.s32 $0xFFFF8000  }
0x20f: {  	[tilespmem:s12], [sflag:$0x3] =	stream.indirect.gather [hbm4b:s4+s6], $0x40, s31, s6, $0xb8;
	[tilespmem:$0x1B400] =	vst v63  }
0x210: {  	_ =	swait.ge [sflag:s10], $0x8000  }
0x211: {  	[sflag:s10] =	ssyncset.done $0x0  }
0x212: {  	s1 =	rddreg [dreg:$0x7];
	[sflag:s10] =	ssyncadd.s32 $0xFFFF8000  }
0x213: {  	[hbm4b:s1+s2] =	stream.linear.scatter [tilespmem:s3], [sflag:$0x5], $0x8000, $0x38;
	[tilespmem:$0x1B400] =	vst v63  }
0x214: {  	_ =	swait.ge [sflag:s7], $0x8000  }
0x215: {  	s30 =	sld [smem:$0x7F9]  }
0x216: {  	[sflag:s7] =	ssyncset.done $0x0  }
0x217: {  	[sflag:s7] =	ssyncadd.s32 $0xFFFF8000  }
0x218: {  	[tilespmem:s5], [sflag:$0x1] =	stream.indirect.gather [hbm4b:s4+s6], $0x40, s30, s6, $0xb8;
	[tilespmem:$0x1B400] =	vst v63  }
0x219: {  	_ =	swait.ge [sflag:s13], $0x8000  }
0x21a: {  	[sflag:s13] =	ssyncset.done $0x0  }
0x21b: {  	s31 =	rddreg [dreg:$0x8];
	[sflag:s13] =	ssyncadd.s32 $0xFFFF8000  }
0x21c: {  	[hbm4b:s31+s2] =	stream.linear.scatter [tilespmem:s12], [sflag:$0x6], $0x8000, $0x38;
	[tilespmem:$0x1B400] =	vst v63  }
0x21d: {  	_ =	swait.ge [sflag:s9], $0x8000  }
0x21e: {  	s1 =	sld [smem:$0x7FA]  }
0x21f: {  	[sflag:s9] =	ssyncset.done $0x0  }
0x220: {  	[sflag:s9] =	ssyncadd.s32 $0xFFFF8000  }
0x221: {  	[tilespmem:s3], [sflag:$0x2] =	stream.indirect.gather [hbm4b:s4+s6], $0x40, s1, s6, $0xb8;
	[tilespmem:$0x1B400] =	vst v63  }
0x222: {  	_ =	swait.ge [sflag:s8], $0x8000  }
0x223: {  	[sflag:s8] =	ssyncset.done $0x0  }
0x224: {  	s30 =	rddreg [dreg:$0x9];
	[sflag:s8] =	ssyncadd.s32 $0xFFFF8000  }
0x225: {  	[hbm4b:s30+s2] =	stream.linear.scatter [tilespmem:s5], [sflag:$0x4], $0x8000, $0x38;
	[tilespmem:$0x1B400] =	vst v63  }
0x226: {  	_ =	swait.ge [sflag:s11], $0x8000  }
0x227: {  	s31 =	sld [smem:$0x7FB]  }
0x228: {  	[sflag:s11] =	ssyncset.done $0x0  }
0x229: {  	[sflag:s11] =	ssyncadd.s32 $0xFFFF8000  }
0x22a: {  	[tilespmem:s12], [sflag:$0x3] =	stream.indirect.gather [hbm4b:s4+s6], $0x40, s31, s6, $0xb8;
	[tilespmem:$0x1B400] =	vst v63  }
0x22b: {  	_ =	swait.ge [sflag:s10], $0x8000  }
0x22c: {  	[sflag:s10] =	ssyncset.done $0x0  }
0x22d: {  	s1 =	rddreg [dreg:$0xa];
	[sflag:s10] =	ssyncadd.s32 $0xFFFF8000  }
0x22e: {  	[hbm4b:s1+s2] =	stream.linear.scatter [tilespmem:s3], [sflag:$0x5], $0x8000, $0x38;
	[tilespmem:$0x1B400] =	vst v63  }
0x22f: {  	_ =	swait.ge [sflag:s7], $0x8000  }
0x230: {  	s30 =	sld [smem:$0x7FC]  }
0x231: {  	[sflag:s7] =	ssyncset.done $0x0  }
0x232: {  	[sflag:s7] =	ssyncadd.s32 $0xFFFF8000  }
0x233: {  	[tilespmem:s5], [sflag:$0x1] =	stream.indirect.gather [hbm4b:s4+s6], $0x40, s30, s6, $0xb8;
	[tilespmem:$0x1B400] =	vst v63  }
0x234: {  	_ =	swait.ge [sflag:s13], $0x8000  }
0x235: {  	[sflag:s13] =	ssyncset.done $0x0  }
0x236: {  	s31 =	rddreg [dreg:$0xb];
	[sflag:s13] =	ssyncadd.s32 $0xFFFF8000  }
0x237: {  	[hbm4b:s31+s2] =	stream.linear.scatter [tilespmem:s12], [sflag:$0x6], $0x8000, $0x38;
	[tilespmem:$0x1B400] =	vst v63  }
0x238: {  	_ =	swait.ge [sflag:s9], $0x8000  }
0x239: {  	s1 =	sld [smem:$0x7FD]  }
0x23a: {  	[sflag:s9] =	ssyncset.done $0x0  }
0x23b: {  	[sflag:s9] =	ssyncadd.s32 $0xFFFF8000  }
0x23c: {  	[tilespmem:s3], [sflag:$0x2] =	stream.indirect.gather [hbm4b:s4+s6], $0x40, s1, s6, $0xb8;
	[tilespmem:$0x1B400] =	vst v63  }
0x23d: {  	_ =	swait.ge [sflag:s8], $0x8000  }
0x23e: {  	[sflag:s8] =	ssyncset.done $0x0  }
0x23f: {  	s30 =	rddreg [dreg:$0xc];
	[sflag:s8] =	ssyncadd.s32 $0xFFFF8000  }
0x240: {  	[hbm4b:s30+s2] =	stream.linear.scatter [tilespmem:s5], [sflag:$0x4], $0x8000, $0x38;
	[tilespmem:$0x1B400] =	vst v63  }
0x241: {  	_ =	swait.ge [sflag:s11], $0x8000  }
0x242: {  	[sflag:s11] =	ssyncset.done $0x0  }
0x243: {  	[sflag:s11] =	ssyncadd.s32 $0xFFFF8000  }
0x244: {  	[tilespmem:s12], [sflag:$0x3] =	stream.indirect.gather [hbm4b:s4+s6], $0x40, s29, s6, $0xb8;
	[tilespmem:$0x1B400] =	vst v63  }
0x245: {  	_ =	swait.ge [sflag:s10], $0x8000  }
0x246: {  	[sflag:s10] =	ssyncset.done $0x0  }
0x247: {  	s31 =	rddreg [dreg:$0xd];
	[sflag:s10] =	ssyncadd.s32 $0xFFFF8000  }
0x248: {  	[hbm4b:s31+s2] =	stream.linear.scatter [tilespmem:s3], [sflag:$0x5], $0x8000, $0x38;
	[tilespmem:$0x1B400] =	vst v63  }
0x249: {  	_ =	swait.ge [sflag:s7], $0x8000  }
0x24a: {  	[sflag:s7] =	ssyncset.done $0x0  }
0x24b: {  	[sflag:s7] =	ssyncadd.s32 $0xFFFF8000  }
0x24c: {  	[tilespmem:s5], [sflag:$0x1] =	stream.indirect.gather [hbm4b:s4+s6], $0x40, s28, s6, $0xb8;
	[tilespmem:$0x1B400] =	vst v63  }
0x24d: {  	_ =	swait.ge [sflag:s13], $0x8000  }
0x24e: {  	[sflag:s13] =	ssyncset.done $0x0  }
0x24f: {  	s1 =	rddreg [dreg:$0xe];
	[sflag:s13] =	ssyncadd.s32 $0xFFFF8000  }
0x250: {  	[hbm4b:s1+s2] =	stream.linear.scatter [tilespmem:s12], [sflag:$0x6], $0x8000, $0x38;
	[tilespmem:$0x1B400] =	vst v63  }
0x251: {  	_ =	swait.ge [sflag:s9], $0x8000  }
0x252: {  	[sflag:s9] =	ssyncset.done $0x0  }
0x253: {  	[sflag:s9] =	ssyncadd.s32 $0xFFFF8000  }
0x254: {  	[tilespmem:s3], [sflag:$0x2] =	stream.indirect.gather [hbm4b:s4+s6], $0x40, s26, s6, $0xb8;
	[tilespmem:$0x1B400] =	vst v63  }
0x255: {  	_ =	swait.ge [sflag:s8], $0x8000  }
0x256: {  	[sflag:s8] =	ssyncset.done $0x0  }
0x257: {  	s28 =	rddreg [dreg:$0xf];
	[sflag:s8] =	ssyncadd.s32 $0xFFFF8000  }
0x258: {  	[hbm4b:s28+s2] =	stream.linear.scatter [tilespmem:s5], [sflag:$0x4], $0x8000, $0x38;
	[tilespmem:$0x1B400] =	vst v63  }
0x259: {  	_ =	swait.ge [sflag:s11], $0x8000  }
0x25a: {  	[sflag:s11] =	ssyncset.done $0x0  }
0x25b: {  	[sflag:s11] =	ssyncadd.s32 $0xFFFF8000  }
0x25c: {  	[tilespmem:s12], [sflag:$0x3] =	stream.indirect.gather [hbm4b:s4+s6], $0x40, s25, s6, $0xb8;
	[tilespmem:$0x1B400] =	vst v63  }
0x25d: {  	_ =	swait.ge [sflag:s10], $0x8000  }
0x25e: {  	[sflag:s10] =	ssyncset.done $0x0  }
0x25f: {  	s29 =	rddreg [dreg:$0x10];
	[sflag:s10] =	ssyncadd.s32 $0xFFFF8000  }
0x260: {  	[hbm4b:s29+s2] =	stream.linear.scatter [tilespmem:s3], [sflag:$0x5], $0x8000, $0x38;
	[tilespmem:$0x1B400] =	vst v63  }
0x261: {  	_ =	swait.ge [sflag:s7], $0x8000  }
0x262: {  	[sflag:s7] =	ssyncset.done $0x0  }
0x263: {  	[sflag:s7] =	ssyncadd.s32 $0xFFFF8000  }
0x264: {  	[tilespmem:s5], [sflag:$0x1] =	stream.indirect.gather [hbm4b:s4+s6], $0x40, s24, s6, $0xb8;
	[tilespmem:$0x1B400] =	vst v63  }
0x265: {  	_ =	swait.ge [sflag:s13], $0x8000  }
0x266: {  	[sflag:s13] =	ssyncset.done $0x0  }
0x267: {  	s30 =	rddreg [dreg:$0x11];
	[sflag:s13] =	ssyncadd.s32 $0xFFFF8000  }
0x268: {  	[hbm4b:s30+s2] =	stream.linear.scatter [tilespmem:s12], [sflag:$0x6], $0x8000, $0x38;
	[tilespmem:$0x1B400] =	vst v63  }
0x269: {  	_ =	swait.ge [sflag:s9], $0x8000  }
0x26a: {  	[sflag:s9] =	ssyncset.done $0x0  }
0x26b: {  	[sflag:s9] =	ssyncadd.s32 $0xFFFF8000  }
0x26c: {  	[tilespmem:s3], [sflag:$0x2] =	stream.indirect.gather [hbm4b:s4+s6], $0x40, s23, s6, $0xb8;
	[tilespmem:$0x1B400] =	vst v63  }
0x26d: {  	_ =	swait.ge [sflag:s8], $0x8000  }
0x26e: {  	[sflag:s8] =	ssyncset.done $0x0  }
0x26f: {  	s31 =	rddreg [dreg:$0x12];
	[sflag:s8] =	ssyncadd.s32 $0xFFFF8000  }
0x270: {  	[hbm4b:s31+s2] =	stream.linear.scatter [tilespmem:s5], [sflag:$0x4], $0x8000, $0x38;
	[tilespmem:$0x1B400] =	vst v63  }
0x271: {  	_ =	swait.ge [sflag:s11], $0x8000  }
0x272: {  	[sflag:s11] =	ssyncset.done $0x0  }
0x273: {  	[sflag:s11] =	ssyncadd.s32 $0xFFFF8000  }
0x274: {  	[tilespmem:s12], [sflag:$0x3] =	stream.indirect.gather [hbm4b:s4+s6], $0x40, s22, s6, $0xb8;
	[tilespmem:$0x1B400] =	vst v63  }
0x275: {  	_ =	swait.ge [sflag:s10], $0x8000  }
0x276: {  	[sflag:s10] =	ssyncset.done $0x0  }
0x277: {  	s1 =	rddreg [dreg:$0x13];
	[sflag:s10] =	ssyncadd.s32 $0xFFFF8000  }
0x278: {  	[hbm4b:s1+s2] =	stream.linear.scatter [tilespmem:s3], [sflag:$0x5], $0x8000, $0x38;
	[tilespmem:$0x1B400] =	vst v63  }
0x279: {  	_ =	swait.ge [sflag:s7], $0x8000  }
0x27a: {  	[sflag:s7] =	ssyncset.done $0x0  }
0x27b: {  	[sflag:s7] =	ssyncadd.s32 $0xFFFF8000  }
0x27c: {  	[tilespmem:s5], [sflag:$0x1] =	stream.indirect.gather [hbm4b:s4+s6], $0x40, s21, s6, $0xb8;
	[tilespmem:$0x1B400] =	vst v63  }
0x27d: {  	_ =	swait.ge [sflag:s13], $0x8000  }
0x27e: {  	[sflag:s13] =	ssyncset.done $0x0  }
0x27f: {  	s21 =	rddreg [dreg:$0x14];
	[sflag:s13] =	ssyncadd.s32 $0xFFFF8000  }
0x280: {  	[hbm4b:s21+s2] =	stream.linear.scatter [tilespmem:s12], [sflag:$0x6], $0x8000, $0x38;
	[tilespmem:$0x1B400] =	vst v63  }
0x281: {  	_ =	swait.ge [sflag:s9], $0x8000  }
0x282: {  	[sflag:s9] =	ssyncset.done $0x0  }
0x283: {  	[sflag:s9] =	ssyncadd.s32 $0xFFFF8000  }
0x284: {  	[tilespmem:s3], [sflag:$0x2] =	stream.indirect.gather [hbm4b:s4+s6], $0x40, s20, s6, $0xb8;
	[tilespmem:$0x1B400] =	vst v63  }
0x285: {  	_ =	swait.ge [sflag:s8], $0x8000  }
0x286: {  	[sflag:s8] =	ssyncset.done $0x0  }
0x287: {  	s22 =	rddreg [dreg:$0x15];
	[sflag:s8] =	ssyncadd.s32 $0xFFFF8000  }
0x288: {  	[hbm4b:s22+s2] =	stream.linear.scatter [tilespmem:s5], [sflag:$0x4], $0x8000, $0x38;
	[tilespmem:$0x1B400] =	vst v63  }
0x289: {  	_ =	swait.ge [sflag:s11], $0x8000  }
0x28a: {  	[sflag:s11] =	ssyncset.done $0x0  }
0x28b: {  	[sflag:s11] =	ssyncadd.s32 $0xFFFF8000  }
0x28c: {  	[tilespmem:s12], [sflag:$0x3] =	stream.indirect.gather [hbm4b:s4+s6], $0x40, s19, s6, $0xb8;
	[tilespmem:$0x1B400] =	vst v63  }
0x28d: {  	_ =	swait.ge [sflag:s10], $0x8000  }
0x28e: {  	[sflag:s10] =	ssyncset.done $0x0  }
0x28f: {  	s23 =	rddreg [dreg:$0x16];
	[sflag:s10] =	ssyncadd.s32 $0xFFFF8000  }
0x290: {  	[hbm4b:s23+s2] =	stream.linear.scatter [tilespmem:s3], [sflag:$0x5], $0x8000, $0x38;
	[tilespmem:$0x1B400] =	vst v63  }
0x291: {  	_ =	swait.ge [sflag:s7], $0x8000  }
0x292: {  	[sflag:s7] =	ssyncset.done $0x0  }
0x293: {  	[sflag:s7] =	ssyncadd.s32 $0xFFFF8000  }
0x294: {  	[tilespmem:s5], [sflag:$0x1] =	stream.indirect.gather [hbm4b:s4+s6], $0x40, s18, s6, $0xb8;
	[tilespmem:$0x1B400] =	vst v63  }
0x295: {  	_ =	swait.ge [sflag:s13], $0x8000  }
0x296: {  	[sflag:s13] =	ssyncset.done $0x0  }
0x297: {  	s24 =	rddreg [dreg:$0x17];
	[sflag:s13] =	ssyncadd.s32 $0xFFFF8000  }
0x298: {  	[hbm4b:s24+s2] =	stream.linear.scatter [tilespmem:s12], [sflag:$0x6], $0x8000, $0x38;
	[tilespmem:$0x1B400] =	vst v63  }
0x299: {  	_ =	swait.ge [sflag:s9], $0x8000  }
0x29a: {  	[sflag:s9] =	ssyncset.done $0x0  }
0x29b: {  	[sflag:s9] =	ssyncadd.s32 $0xFFFF8000  }
0x29c: {  	[tilespmem:s3], [sflag:$0x2] =	stream.indirect.gather [hbm4b:s4+s6], $0x40, s17, s6, $0xb8;
	[tilespmem:$0x1B400] =	vst v63  }
0x29d: {  	_ =	swait.ge [sflag:s8], $0x8000  }
0x29e: {  	[sflag:s8] =	ssyncset.done $0x0  }
0x29f: {  	s25 =	rddreg [dreg:$0x18];
	[sflag:s8] =	ssyncadd.s32 $0xFFFF8000  }
0x2a0: {  	[hbm4b:s25+s2] =	stream.linear.scatter [tilespmem:s5], [sflag:$0x4], $0x8000, $0x38;
	[tilespmem:$0x1B400] =	vst v63  }
0x2a1: {  	_ =	swait.ge [sflag:s11], $0x8000  }
0x2a2: {  	[sflag:s11] =	ssyncset.done $0x0  }
0x2a3: {  	[sflag:s11] =	ssyncadd.s32 $0xFFFF8000  }
0x2a4: {  	[tilespmem:s12], [sflag:$0x3] =	stream.indirect.gather [hbm4b:s4+s6], $0x40, s16, s6, $0xb8;
	[tilespmem:$0x1B400] =	vst v63  }
0x2a5: {  	_ =	swait.ge [sflag:s10], $0x8000  }
0x2a6: {  	[sflag:s10] =	ssyncset.done $0x0  }
0x2a7: {  	s26 =	rddreg [dreg:$0x19];
	[sflag:s10] =	ssyncadd.s32 $0xFFFF8000  }
0x2a8: {  	[hbm4b:s26+s2] =	stream.linear.scatter [tilespmem:s3], [sflag:$0x5], $0x8000, $0x38;
	[tilespmem:$0x1B400] =	vst v63  }
0x2a9: {  	_ =	swait.ge [sflag:s7], $0x8000  }
0x2aa: {  	[sflag:s7] =	ssyncset.done $0x0  }
0x2ab: {  	[sflag:s7] =	ssyncadd.s32 $0xFFFF8000  }
0x2ac: {  	[tilespmem:s5], [sflag:$0x1] =	stream.indirect.gather [hbm4b:s4+s6], $0x40, s15, s6, $0xb8;
	[tilespmem:$0x1B400] =	vst v63  }
0x2ad: {  	_ =	swait.ge [sflag:s13], $0x8000  }
0x2ae: {  	[sflag:s13] =	ssyncset.done $0x0  }
0x2af: {  	s28 =	rddreg [dreg:$0x1a];
	[sflag:s13] =	ssyncadd.s32 $0xFFFF8000  }
0x2b0: {  	[hbm4b:s28+s2] =	stream.linear.scatter [tilespmem:s12], [sflag:$0x6], $0x8000, $0x38;
	[tilespmem:$0x1B400] =	vst v63  }
0x2b1: {  	_ =	swait.ge [sflag:s9], $0x8000  }
0x2b2: {  	[sflag:s9] =	ssyncset.done $0x0  }
0x2b3: {  	[sflag:s9] =	ssyncadd.s32 $0xFFFF8000  }
0x2b4: {  	[tilespmem:s3], [sflag:$0x2] =	stream.indirect.gather [hbm4b:s4+s6], $0x40, s14, s6, $0xb8;
	[tilespmem:$0x1B400] =	vst v63  }
0x2b5: {  	_ =	swait.ge [sflag:s8], $0x8000  }
0x2b6: {  	[sflag:s8] =	ssyncset.done $0x0  }
0x2b7: {  	s29 =	rddreg [dreg:$0x1b];
	[sflag:s8] =	ssyncadd.s32 $0xFFFF8000  }
0x2b8: {  	[hbm4b:s29+s2] =	stream.linear.scatter [tilespmem:s5], [sflag:$0x4], $0x8000, $0x38;
	[tilespmem:$0x1B400] =	vst v63  }
0x2b9: {  	_ =	swait.ge [sflag:s10], $0x8000  }
0x2ba: {  	[sflag:s10] =	ssyncset.done $0x0  }
0x2bb: {  	s30 =	rddreg [dreg:$0x1c];
	[sflag:s10] =	ssyncadd.s32 $0xFFFF8000  }
0x2bc: {  	[hbm4b:s30+s2] =	stream.linear.scatter [tilespmem:s3], [sflag:$0x5], $0x8000, $0x38;
	[tilespmem:$0x1B400] =	vst v63  }
0x2bd: {  	_ =	swait.ge [sflag:s11], $0x8000  }
0x2be: {  	[sflag:s11] =	ssyncset.done $0x0  }
0x2bf: {  	[sflag:s11] =	ssyncadd.s32 $0xFFFF8000  }
0x2c0: {  	_ =	swait.ge [sflag:s7], $0x8000  }
0x2c1: {  	[sflag:s7] =	ssyncset.done $0x0  }
0x2c2: {  	[sflag:s7] =	ssyncadd.s32 $0xFFFF8000  }
0x2c3: {  	_ =	swait.ge [sflag:s9], $0x8000  }
0x2c4: {  	[sflag:s9] =	ssyncset.done $0x0  }
0x2c5: {  	[sflag:s9] =	ssyncadd.s32 $0xFFFF8000  }
0x2c6: {  	_ =	sfence.sel $0x180000  }
0x2c7: {  	[bflag:$0x0] =	sbarrier.arrive $0xFFFF  }
0x2c8: {  	_ =	strace $0x90000047  }
0x2c9: {  	s31 =	stileid.u32;
	[bflag:$0x2] =	sbarrier.arrive $0xFFFF  }
0x2ca: {  	p0 =	sne.s32 s31, $0x0;
	s0 =	rddreg [dreg:$0x2]  }
0x2cb: {  	s0 =	sadd.s32 @!p0 $0x100000, s0  }
0x2cc: {  	[sflag:s0] =	ssyncadd.tile.s32 @!p0 $0x1;
	_ =	shalt  }
.Lfunc_end2:
_tile_overlayer_lowered:
.L_overlay_start_2:
0x2cd: {  	(tag) =	ssettag $0x2  }
0x2ce: {  	s0 =	rddreg [dreg:$0x0];
	s2 =	stileid.u32  }
0x2cf: {  	s1 =	rddreg [dreg:$0x1];
	p0 =	sne.s32 s2, $0x0  }
0x2d0: {  	s3 =	rddreg [dreg:$0x2];
	[bflag:$0x3] =	sbarrier.arrive $0xFFFF;
	s2 =	simm.s32 @!p0 $0x1C07  }
0x2d1: {  	[timem:s3], [sflag:s2] =	dma.local @!p0 [hbm:s0], s1  }
0x2d2: {  	s0 =	simm.s32 @!p0 $0x7  }
0x2d3: {  	_ =	swait.ge @!p0 [sflag:s0], s1  }
0x2d4: {  	s1 =	ssub.s32 @!p0 $0x0, s1;
	[sflag:s0] =	ssyncset.done @!p0 $0x0  }
0x2d5: {  	[sflag:s0] =	ssyncadd.s32 @!p0 s1  }
0x2d6: {  	[bflag:$0x3] =	sbarrier.arrive $0xFFFF  }
0x2d7: {  	_ =	shalt  }

// kernel: sparse-core-data-format-call.cloned.1.call-start
scs
called_computation_lowered:
.L_overlay_start_0:
0x0: {  	s2 =	sld [smem:$0x3FD9]  }
0x1: {  	s3 =	sld [smem:$0x3FFE];
	_ =	sdelay $0x1  }
0x2: {  	s1 =	srdreg.scid  }
0x3: {  	s0 =	sand.u32 $0x1, s1  }
0x4: {  	s18 =	sshll.u32 s0, $0xA;
	s2 =	sadd.s32 s3, s2  }
0x5: {  	s2 =	sadd.s32 s2, s18  }
0x6: {  	[smem:$0x3FC6] =	sst s2  }
0x7: {  	_ = 	snop  }
0x8: {  	s2 =	sld [smem:$0x3FD0];
	(tm) =	ssettm $0x1  }
0x9: {  	s19 =	sld [smem:$0x3FFB];
	_ =	sdelay $0x3  }
0xa: {  	_ =	strace s19  }
0xb: {  	s3 =	sld [smem:$0x3FFC];
	_ =	sdelay $0x3  }
0xc: {  	_ =	strace s3  }
0xd: {  	s3 =	sld [smem:$0x3FFD];
	_ =	sdelay $0x3  }
0xe: {  	_ =	strace s3  }
0xf: {  	_ =	strace $0x8FFFFFFF  }
0x10: {  	s20 =	sld [smem:$0x3FDB];
	_ =	sdelay $0x1  }
0x11: {  	s4 =	simm.s32 $_scs_section_size  }
0x12: {  	s5 =	simm.s32 $_size__tile_overlayer_lowered;
	s6 =	simm.s32 $_tile_overlayer_lowered  }
0x13: {  	s23 =	simm.s32 $0x1BFF;
	s22 =	sshll.u32 s6, $0x1;
	s3 =	sadd.s32 s4, s20  }
0x14: {  	s7 =	simm.s32 $0x0;
	s21 =	sshll.u32 s5, $0x1;
	s5 =	sadd.s32 s22, s3  }
0x15: {  	[timem:s7], [sflag:s23] =	dma.local [hbm:s5], s21  }
0x16: {  	_ =	swait.ge [sflag:s23], s21  }
0x17: {  	s4 =	ssub.s32 $0x0, s21;
	[sflag:s23] =	ssyncset.done $0x0  }
0x18: {  	[sflag:s23] =	ssyncadd.s32 s4;
	_ =	sdelay $0x1  }
0x19: {  	s24 =	simm.s32 $0x1B8B  }
0x1a: {  	_ =	swait.ge [sflag:s24], $0x1  }
0x1b: {  	[sflag:s24] =	ssyncset.done $0x0  }
0x1c: {  	s26 =	simm.s32 $0x1B8E;
	s25 =	sld [smem:$0x3FFE];
	[sflag:s24] =	ssyncadd.s32 $0xFFFFFFFF  }
0x1d: {  	s27 =	simm.s32 $execute0_lowered;
	[smem:$0x3FD2] =	sst s26  }
0x1e: {  	s5 =	sshll.u32 s27, $0x1;
	_ =	strace $0x80000049;
	[dreg:$0x1] =	wrdreg $0xFFFFFFFF  }
0x1f: {  	s28 =	simm.s32 $_size_execute0_lowered;
	s3 =	sadd.s32 s3, s5;
	[dreg:$0x0] =	wrdreg $0x0  }
0x20: {  	s5 =	sshll.u32 s28, $0x1;
	[dreg:$0x2] =	wrdreg s3  }
0x21: {  	[dreg:$0x3] =	wrdreg s5  }
0x22: {  	[dreg:$0x4] =	wrdreg $0xC0  }
0x23: {  	_ =	task [dreg:s7], $0x5FFFF  }
0x24: {  	[dreg:$0x1] =	wrdreg $0xFFFFFFFF  }
0x25: {  	[dreg:$0x0] =	wrdreg $0x60  }
0x26: {  	[dreg:$0x2] =	wrdreg s25  }
0x27: {  	[dreg:$0x3] =	wrdreg s2  }
0x28: {  	[dreg:$0x4] =	wrdreg $0x9  }
0x29: {  	_ =	task.clear_ibuf [dreg:s7], $0x5FFFF;
	_ =	strace $0x90000049  }
0x2a: {  	s29 =	simm.s32 $0x9;
	_ =	strace $0x8000004B  }
0x2b: {  	_ =	swait.ge [sflag:s29], $0x1  }
0x2c: {  	[sflag:s29] =	ssyncadd.s32 $0xFFFFFFFF  }
0x2d: {  	_ =	strace $0x9000004B  }
0x2e: {  	_ =	sfence  }
0x2f: {  	s30 =	sld [smem:$0x0];
	_ =	sdelay $0x2  }
0x30: {  	s31 =	sshll.u32 s1, $0xD;
	s1 =	sshrl.u32 s1, $0x2  }
0x31: {  	s3 =	sand.u32 $0x4000, s31;
	s1 =	sadd.s32 s1, s30  }
0x32: {  	s0 =	sor.u32 s3, s0;
	s1 =	sshll.u32 s1, $0x11  }
0x33: {  	s0 =	sor.u32 s1, s0  }
0x34: {  	s0 =	sadd.s32 $0x8F2B, s0  }
0x35: {  	[sflag:s0] =	ssyncadd.remote.s32 $0x1  }
0x36: {  	_ =	sfence.sel $0xFFFF  }
0x37: {  	[dreg:$0x0] =	wrdreg $0xFFFFFFFF;
	(pc) =	sbr.abs _section_cstart, $3  }
0x38: {  	[dreg:$0x1] =	wrdreg $0xFFFFFFFF  }
0x39: {  	_ =	task.clear_ibuf [dreg:s7], $0x2FFFF;
	_ =	strace $0x9FFFFFFF  }
0x3a: {  	(tm) =	ssettm $0x7FFFFFFF  }
0x3b: {  	_ =	shalt  }
tec
execute0_lowered:
.L_overlay_start_1:
0x0: {  	(tag) =	ssettag $0x1  }
0x1: {  	s0 =	srdreg.scid  }
0x2: {  	s1 =	sshll.u32 s0, $0x4  }
0x3: {  	s0 =	stileid.u32;
	s1 =	sand.u32 $0x10, s1  }
0x4: {  	s7 =	rddreg [dreg:$0x0];
	s1 =	sor.u32 s0, s1  }
0x5: {  	s4 =	simm.s32 $0x1;
	s8 =	simm.s32 $0x2;
	s2 =	sshll.u32 s1, $0x7  }
0x6: {  	s13 =	simm.s32 $0x0;
	s9 =	simm.s32 $0x20000;
	s1 =	ssub.s32 $0x4000, s2  }
0x7: {  	s14 =	simm.s32 $0x0;
	s11 =	simm.s32 $0x0;
	s3 =	sand.u32 $0xF80, s1  }
0x8: {  	s12 =	simm.s32 $0x0;
	s5 =	sshrl.u32 s1, $0xC;
	p0 =	sne.s32 s3, $0x0  }
.Ltmp0:
0x9: {  	s1 =	rddreg [dreg:$0x2];
	s4 =	simm.s32 @!p0 $0x0;
	(pc) =	sbr.rel .LBB1_1-.Ltmp0, $4  }
0xa: {  	s6 =	sadd.s32 $0x800, s7;
	s3 =	rddreg [dreg:$0x1];
	s5 =	sadd.s32 s4, s5  }
0xb: {  	_ =	strace $0x8000004A;
	s4 =	simm.s32 $0x1;
	s5 =	smul.u32 $0xD, s5  }
0xc: {  	s7 =	sadd.s32 $0x40800, s7;
	s10 =	smov.u32 s2;
	[sflag:s4] =	ssyncpa.u1 $0x0  }
0xd: {  	p0 =	por $0x0, $0x0;
	[sflag:s8] =	ssyncpa.u1 $0x0;
	s8 =	sadd.s32 $0x1, s5  }
.LBB1_7:
0xe: {  	s15 =	sadd.s32 $0x1000, s10  }
0xf: {  	s13 =	sadd.s32 $0x2, s11;
	s17 =	smov.u32 s11;
	p2 =	sgt.s32 s15, $0x3FFF  }
0x10: {  	s17 =	smov.u32 @p2 s13  }
0x11: {  	s15 =	smov.u32 @p2 s2;
	p2 =	sgt.s32 s17, $0x19  }
0x12: {  	s17 =	simm.s32 @p2 $0x0;
	p2 =	sne.s32 s12, s8  }
.Ltmp1:
0x13: {  	p1 =	slt.u32 s12, $0x2;
	(pc) =	sbr.rel @!p2 .LBB1_8-.Ltmp1, $4  }
0x14: {  	s16 =	simm.s32 @!p1 $0x2  }
0x15: {  	s14 =	smov.u32 s11;
	p0 =	por !p0, !p0;
	_ =	swait.ge @!p1 [sflag:s16], $0x4000  }
0x16: {  	s13 =	smov.u32 s10;
	[sflag:s16] =	ssyncset.done @!p1 $0x0;
	s10 =	smov.u32 s15  }
0x17: {  	s12 =	sadd.s32 $0x1, s12;
	[sflag:s16] =	ssyncadd.s32 @!p1 $0xFFFFC000;
	s11 =	smov.u32 s17  }
.LBB1_1:
0x18: {  	p1 =	sge.u32 s12, s5  }
0x19: {  	s15 =	sxor.u32 @!p1 $0xFFFFFFFF, s12;
	s16 =	sshll.u32 @!p1 s11, $0x12  }
0x1a: {  	s17 =	sshll.u32 @!p1 s10, $0x4;
	s19 =	simm.s32 @!p1 $0x40;
	s20 =	simm.s32 @!p1 $0x80  }
0x1b: {  	s15 =	sshll.u32 @!p1 s15, $0xE;
	s17 =	sand.u32 @!p1 $0x3FFF0, s17;
	s18 =	sadd.s32 @!p1 s6, s16  }
0x1c: {  	s16 =	sadd.s32 @!p1 s16, s7;
	s15 =	sand.u32 @!p1 $0x4000, s15;
	s18 =	sadd.s32 @!p1 s17, s18  }
0x1d: {  	[tilespmem:s15], [sflag:$0x1] =	stream.strided.gather @!p1 [hbm4b:s18+s19], $0x2000, s20, s19, $0x38;
	[tilespmem:$0x10100] =	vst v63  }
0x1e: {  	s31 =	sadd.s32 $0xFFFFFFFF, s12;
	s16 =	sadd.s32 @!p1 s17, s16;
	s15 =	sor.u32 @!p1 $0x2000, s15  }
0x1f: {  	[tilespmem:s15], [sflag:$0x1] =	stream.strided.gather @!p1 [hbm4b:s16+s19], $0x2000, s20, s19, $0x38;
	[tilespmem:$0x10100] =	vst v63  }
0x20: {  	p1 =	sge.u32 s31, s5  }
.Ltmp2:
0x21: {  	_ = 	snop;
	(pc) =	sbr.rel @p1 .LBB1_7-.Ltmp2, $1  }
0x22: {  	_ =	sdelay $0x3  }
0x23: {  	s15 =	simm.s32 $0x1;
	s17 =	sand.u32 $0x1, s12  }
0x24: {  	_ =	swait.ge [sflag:s4], $0x4000;
	s15 =	simm.s32 @!p0 $0x0;
	s17 =	smul.u32 $0x10200, s17  }
0x25: {  	p2 =	por $0x1, $0x1;
	[sflag:s4] =	ssyncset.done $0x0;
	s16 =	smul.u32 $0x10200, s15  }
0x26: {  	s18 =	sshll.u32 s15, $0x10;
	[sflag:s4] =	ssyncadd.s32 $0xFFFFC000;
	s30 =	sshrl.u32 s17, $0x2  }
0x27: {  	s31 =	sshrl.u32 s18, $0x2;
	s18 =	simm.s32 $0x0;
	s16 =	sshrl.u32 s16, $0x2  }
0x28: {  	s15 =	sor.u32 $0x8000, s30;
	s17 =	sadd.s32 $0x20, s31;
	s16 =	sor.u32 $0x8000, s16  }
.LBB1_3:
0x29: {  	s19 =	sshll.u32 s18, $0xD  }
0x2a: {  	s19 =	sand.u32 $0x3FFFE000, s19  }
0x2b: {  	s21 =	sadd.s32 s19, s17  }
0x2c: {  	s31 =	smul.u32 $0x8100, s18;
	v3 =	vld [tilespmem:s21+$0x10]  }
0x2d: {  	v1 =	vld [tilespmem:s21+$0xFFFFFFF0]  }
0x2e: {  	s18 =	sshra.s32 s31, $0x2;
	v0 =	vld [tilespmem:s21+$0x0]  }
0x2f: {  	s18 =	sadd.s32 s18, s16;
	v2 =	vld [tilespmem:s21+$0xFFFFFFE0]  }
0x30: {  	s19 =	sadd.s32 $0x0, s18  }
0x31: {  	p1 =	por p2, p2;
	s20 =	simm.s32 $0x4;
	s21 =	sadd.s32 $0x40, s21;
	[tilespmem:s19+$0x1830 ss:$0x81] =	vst.msk $0xffff, v3  }
.LBB1_4:
0x32: {  	v3 =	vld [tilespmem:s21+$0x10];
	p2 =	sne.s32 s20, $0x1FC;
	[tilespmem:s19+$0x810 ss:$0x81] =	vst.msk $0xffff, v1;
	s22 =	smov.u32 s20;
	s20 =	sadd.s32 $0x4, s20  }
.Ltmp3:
0x33: {  	v1 =	vld [tilespmem:s21+$0xFFFFFFF0];
	[tilespmem:s19+$0x1020 ss:$0x81] =	vst.msk $0xffff, v0;
	(pc) =	sbr.rel @p2 .LBB1_4-.Ltmp3, $4  }
0x34: {  	v0 =	vld [tilespmem:s21+$0x0];
	[tilespmem:s19+$0x0 ss:$0x81] =	vst.msk $0xffff, v2  }
0x35: {  	s19 =	sshra.s32 s22, $0x2;
	v2 =	vld [tilespmem:s21+$0xFFFFFFE0]  }
0x36: {  	s19 =	sadd.s32 s19, s18  }
0x37: {  	s21 =	sadd.s32 $0x40, s21;
	[tilespmem:s19+$0x1830 ss:$0x81] =	vst.msk $0xffff, v3  }
.Ltmp4:
0x38: {  	(pc) =	sbr.rel @p1 .LBB1_3-.Ltmp4, $4  }
0x39: {  	_ = 	snop  }
0x3a: {  	[tilespmem:s19+$0x810 ss:$0x81] =	vst.msk $0xffff, v1  }
0x3b: {  	[tilespmem:s19+$0x1020 ss:$0x81] =	vst.msk $0xffff, v0  }
0x3c: {  	s18 =	simm.s32 $0x1;
	p2 =	por $0x0, $0x0;
	[tilespmem:s19+$0x0 ss:$0x81] =	vst.msk $0xffff, v2  }
0x3d: {  	s16 =	sshll.u32 s13, $0x3;
	s17 =	sand.u32 $0x78, s13;
	s14 =	sshll.u32 s14, $0x11  }
.Ltmp5:
0x3e: {  	s30 =	sand.u32 $0x1F800, s13;
	s16 =	sand.u32 $0x3C00, s16;
	(pc) =	sbr.rel .LBB1_7-.Ltmp5, $4  }
0x3f: {  	s31 =	sand.u32 $0x7, s13;
	s14 =	sadd.s32 s3, s14;
	s16 =	sor.u32 s17, s16  }
0x40: {  	s13 =	sshll.u32 s31, $0x12;
	s14 =	sadd.s32 s30, s14;
	s16 =	sshrl.u32 s16, $0x3  }
0x41: {  	s13 =	sor.u32 $0x400, s13;
	s14 =	sadd.s32 s16, s14  }
0x42: {  	[hbm4b:s14+s13] =	stream.strided.scatter [tilespmem:s15], [sflag:$0x2], $0x4000, s9, s13, $0x20;
	[tilespmem:$0x10100] =	vst v63  }
.LBB1_8:
0x43: {  	_ =	sfence.sel $0x180000  }
0x44: {  	s2 =	simm.s32 $0x1;
	[bflag:$0x0] =	sbarrier.arrive $0xFFFF  }
0x45: {  	s31 =	simm.s32 $0x2;
	[sflag:s2] =	ssyncpa.u1 $0x1  }
0x46: {  	[sflag:s31] =	ssyncpa.u1 $0x1  }
0x47: {  	p0 =	sne.s32 s0, $0x0;
	_ =	strace $0x9000004A  }
0x48: {  	s0 =	sadd.s32 @!p0 $0x100000, s1;
	[bflag:$0x2] =	sbarrier.arrive $0xFFFF  }
0x49: {  	[sflag:s0] =	ssyncadd.tile.s32 @!p0 $0x1;
	_ =	shalt  }
.Lfunc_end1:
_tile_overlayer_lowered:
.L_overlay_start_2:
0x4a: {  	(tag) =	ssettag $0x2  }
0x4b: {  	s0 =	rddreg [dreg:$0x0];
	s2 =	stileid.u32  }
0x4c: {  	s1 =	rddreg [dreg:$0x1];
	p0 =	sne.s32 s2, $0x0  }
0x4d: {  	s3 =	rddreg [dreg:$0x2];
	[bflag:$0x3] =	sbarrier.arrive $0xFFFF;
	s2 =	simm.s32 @!p0 $0x1C01  }
0x4e: {  	[timem:s3], [sflag:s2] =	dma.local @!p0 [hbm:s0], s1  }
0x4f: {  	s0 =	simm.s32 @!p0 $0x1  }
0x50: {  	_ =	swait.ge @!p0 [sflag:s0], s1  }
0x51: {  	s1 =	ssub.s32 @!p0 $0x0, s1;
	[sflag:s0] =	ssyncset.done @!p0 $0x0  }
0x52: {  	[sflag:s0] =	ssyncadd.s32 @!p0 s1  }
0x53: {  	[bflag:$0x3] =	sbarrier.arrive $0xFFFF  }
0x54: {  	_ =	shalt  }

</sc_bundles>
